<compile_context>
chip_gen: v7x
topology: tpu7x:2x2x1
jax: 0.10.2.dev20260603
libtpu: 0.0.44.dev20260713+nightly
codegen_flags: <defaults>
</compile_context>

<pallas_src>
import functools

import jax
import jax.numpy as jnp
from jax import lax
from jax.experimental import pallas as pl
from jax.experimental.pallas import tpu as pltpu
from jax.experimental.pallas import tpu_sc as plsc

B, N, H = 4, 10000, 256
R = 4
EMB = H // R
MAXLEN = 8
NE = 16
T = 32768
P = 4096
KM = (NE + 1) * MAXLEN

NC, NS, L = 2, 16, 16
TSUB = T // NS
CH = TSUB // 128
NV = TSUB // L
NPAD = 10240
ZR = NPAD // NS

BN1 = 1000
BN3 = 1000


def _dense1_body(x_ref, wg_ref, bg_ref, vg4_ref, c16_ref, xp_ref, y2_ref):
    zs = []
    for b in range(B):
        xb = x_ref[b]
        mu = jnp.mean(xb, axis=1, keepdims=True)
        xc = xb - mu
        var = jnp.mean(xc * xc, axis=1, keepdims=True)
        z = xc * lax.rsqrt(var + 1e-5)
        zs.append(z)
        xp_ref[b] = (
            jnp.dot(z, wg_ref[...], preferred_element_type=jnp.float32)
            + bg_ref[...]
        )
    z4 = jnp.concatenate(zs, axis=1)
    y16 = (
        jnp.dot(z4, vg4_ref[...], preferred_element_type=jnp.float32)
        + c16_ref[...]
    )
    y2_ref[0] = y16[:, 0:8]
    y2_ref[1] = y16[:, 8:16]


def _dense1(x, wg, bg, vg4, c16):
    return pl.pallas_call(
        _dense1_body,
        grid=(N // BN1,),
        in_specs=[
            pl.BlockSpec((B, BN1, H), lambda i: (0, i, 0)),
            pl.BlockSpec((H, EMB), lambda i: (0, 0)),
            pl.BlockSpec((1, EMB), lambda i: (0, 0)),
            pl.BlockSpec((B * H, 16), lambda i: (0, 0)),
            pl.BlockSpec((1, 16), lambda i: (0, 0)),
        ],
        out_specs=[
            pl.BlockSpec((B, BN1, EMB), lambda i: (0, i, 0)),
            pl.BlockSpec((2, BN1, 8), lambda i: (0, i, 0)),
        ],
        out_shape=[
            jax.ShapeDtypeStruct((B, N, EMB), jnp.float32),
            jax.ShapeDtypeStruct((2, N, 8), jnp.float32),
        ],
    )(x, wg, bg, vg4, c16)


_mesh = plsc.VectorSubcoreMesh(core_axis_name="c", subcore_axis_name="s")


@functools.partial(
    pl.kernel,
    out_type=(
        jax.ShapeDtypeStruct((NC, NPAD, 8), jnp.float32),
        jax.ShapeDtypeStruct((NC, KM, 8), jnp.float32),
    ),
    mesh=_mesh,
    compiler_params=pltpu.CompilerParams(
        use_tc_tiling_on_sc=False, needs_layout_passes=False),
    scratch_types=dict(
        plv=pltpu.VMEM((TSUB,), jnp.int32),
        piv=pltpu.VMEM((TSUB,), jnp.int32),
        kmv=pltpu.VMEM((TSUB,), jnp.int32),
        t0=pltpu.VMEM((TSUB, 8), jnp.float32),
        t1=pltpu.VMEM((TSUB, 8), jnp.float32),
        t2=pltpu.VMEM((TSUB, 8), jnp.float32),
        t3=pltpu.VMEM((TSUB, 8), jnp.float32),
        w2v=pltpu.VMEM((16, 16), jnp.float32),
        b2v=pltpu.VMEM((4, 16), jnp.float32),
        seg=pltpu.VMEM_SHARED((P, 8), jnp.float32),
        aacc=pltpu.VMEM_SHARED((NPAD, 8), jnp.float32),
        dacc=pltpu.VMEM_SHARED((KM, 8), jnp.float32),
        sem0=pltpu.SemaphoreType.DMA,
        sem1=pltpu.SemaphoreType.DMA,
        sem2=pltpu.SemaphoreType.DMA,
    ),
)
def _sc_sparse(y2, pw2, ewp8, w2rep, b2rep, pl1, pi1, km1, zeros,
               a_out, d_out,
               plv, piv, kmv, t0, t1, t2, t3, w2v, b2v,
               seg, aacc, dacc, sem0, sem1, sem2):
    cid = lax.axis_index("c")
    sid = lax.axis_index("s")
    iota = lax.broadcasted_iota(jnp.int32, (L,), 0)
    base = sid * TSUB

    c_pl = pltpu.async_copy(pl1.at[pl.ds(base, TSUB)], plv, sem0)
    c_pi = pltpu.async_copy(pi1.at[pl.ds(base, TSUB)], piv, sem1)
    c_km = pltpu.async_copy(km1.at[pl.ds(base, TSUB)], kmv, sem2)
    pltpu.sync_copy(w2rep, w2v)
    pltpu.sync_copy(b2rep, b2v)
    pltpu.sync_copy(zeros, aacc.at[pl.ds(sid * ZR, ZR)])
    pltpu.sync_copy(zeros.at[pl.ds(0, P // NS)], seg.at[pl.ds(sid * (P // NS), P // NS)])

    @pl.when(sid == 0)
    def _():
        pltpu.sync_copy(zeros.at[pl.ds(0, KM)], dacc)

    c_pl.wait()
    c_km.wait()
    c_y = pltpu.async_copy(y2.at[cid].at[plv], t0, sem0)
    c_e = pltpu.async_copy(ewp8.at[kmv], t1, sem2)
    c_pi.wait()
    c_w = pltpu.async_copy(pw2.at[cid].at[piv], t3, sem1)
    plsc.subcore_barrier()
    c_y.wait()
    c_e.wait()

    ws = [w2v[i] for i in range(16)]
    bs = [b2v[i] for i in range(4)]

    for bl4 in (0, 4):
        cqs = [jnp.full((L,), bl4 + q, jnp.int32) for q in range(4)]

        @plsc.parallel_loop(0, NV, 1, unroll=2)
        def _pab(v):
            ridx = v * L + iota
            ths = []
            for q in range(4):
                pre = (plsc.load_gather(t0, [ridx, cqs[q]])
                       + plsc.load_gather(t1, [ridx, cqs[q]]))
                e2 = jnp.exp(pre * 2.0)
                ths.append(1.0 - 2.0 / (e2 + 1.0))
            for r_ in range(4):
                s = bs[r_]
                for q in range(4):
                    s = s + ws[4 * r_ + q] * ths[q]
                plsc.store_scatter(t2, [ridx, cqs[r_]], jnp.exp(s))

    pltpu.sync_copy(t2, seg.at[piv], add=True)
    plsc.subcore_barrier()
    c_s = pltpu.async_copy(seg.at[piv], t1, sem0)
    c_w.wait()
    c_s.wait()

    for jc in range(8):
        cj = jnp.full((L,), jc, jnp.int32)

        @plsc.parallel_loop(0, NV, 1, unroll=4)
        def _pc(v):
            ridx = v * L + iota
            cval = (
                plsc.load_gather(t2, [ridx, cj])
                / plsc.load_gather(t1, [ridx, cj])
                * plsc.load_gather(t3, [ridx, cj])
                * (1.0 / P)
            )
            plsc.store_scatter(t0, [ridx, cj], cval)

    pltpu.sync_copy(t0, aacc.at[plv], add=True)
    pltpu.sync_copy(t0, dacc.at[kmv], add=True)
    plsc.subcore_barrier()

    pltpu.sync_copy(aacc.at[pl.ds(sid * ZR, ZR)],
                    a_out.at[cid].at[pl.ds(sid * ZR, ZR)])

    @pl.when(sid == 0)
    def _():
        pltpu.sync_copy(dacc, d_out.at[cid])


def _dense3_body(a_ref, xp_ref, d_ref, ew_ref, o_ref):
    i = pl.program_id(1)
    a = a_ref[0]
    lane = lax.broadcasted_iota(jnp.int32, (BN3, 8), 1)
    acc = jnp.zeros((8, EMB), jnp.float32)
    for bl in range(2):
        m = (lane // 4 == bl).astype(jnp.float32)
        acc = acc + lax.dot_general(
            a * m, xp_ref[bl],
            (((0,), (0,)), ((), ())),
            preferred_element_type=jnp.float32,
        )

    @pl.when(i == 0)
    def _():
        o_ref[0] = lax.dot_general(
            d_ref[0], ew_ref[...],
            (((0,), (0,)), ((), ())),
            preferred_element_type=jnp.float32,
        )

    o_ref[0] += acc


def _dense3(a2, xp, d2, ewfull):
    return pl.pallas_call(
        _dense3_body,
        grid=(2, N // BN3),
        in_specs=[
            pl.BlockSpec((1, BN3, 8), lambda c, i: (c, i, 0)),
            pl.BlockSpec((2, BN3, EMB), lambda c, i: (c, i, 0)),
            pl.BlockSpec((1, KM, 8), lambda c, i: (c, 0, 0)),
            pl.BlockSpec((KM, EMB), lambda c, i: (0, 0)),
        ],
        out_specs=pl.BlockSpec((1, 8, EMB), lambda c, i: (c, 0, 0)),
        out_shape=jax.ShapeDtypeStruct((2, 8, EMB), jnp.float32),
    )(a2, xp, d2, ewfull)


def kernel(x, path_list, path_index, path_edge_type, path_positions,
           path_weight, gamma, beta, W_proj, b_proj, edge_table,
           pos_table, W1, b1, W2, b2):
    f32 = jnp.float32
    wg = (gamma[:, None] * W_proj.T).astype(f32)
    bg = (beta @ W_proj.T + b_proj)[None, :].astype(f32)
    w1t = W1.T
    vg = wg @ w1t
    vg4 = jnp.zeros((B * H, 16), f32)
    for b in range(B):
        vg4 = vg4.at[b * H:(b + 1) * H, b * R:(b + 1) * R].set(vg)
    c16 = jnp.tile(bg @ w1t, (1, B))

    xp, y2 = _dense1(x, wg, bg, vg4, c16)

    ewp = (edge_table @ w1t + b1)[:, None, :] + (pos_table @ w1t)[None, :, :]
    ewp8 = jnp.tile(ewp.reshape(KM, R), (1, 2))
    ewfull = (edge_table[:, None, :] + pos_table[None, :, :]).reshape(KM, EMB)
    pw2 = jnp.repeat(path_weight[:, :, 0].T, R, axis=1).reshape(P, 2, 8)
    pw2 = jnp.transpose(pw2, (1, 0, 2))
    w2rep = jnp.repeat(W2.reshape(16)[:, None], 16, axis=1)
    b2rep = jnp.repeat(b2[:, None], 16, axis=1)

    km = (path_edge_type * MAXLEN + path_positions).astype(jnp.int32)
    pl1 = path_list.astype(jnp.int32)
    pi1 = path_index.astype(jnp.int32)

    zeros = jnp.zeros((ZR, 8), f32)
    a2, d2 = _sc_sparse(y2, pw2, ewp8, w2rep, b2rep, pl1, pi1, km, zeros)
    out8 = _dense3(a2, xp, d2, ewfull)
    return out8.reshape(B, H)

# --- scband reference (transcript-rebuilt; emitter-appended) ---
"""Pipeline reference for scband-path-embedding-32607391711718 (READ-ONLY COPY).

The authoritative reference and input builder live on the scoring server;
editing this copy changes nothing except your own understanding.
"""

import jax, jax.numpy as jnp
import numpy as np

B, N, H = 4, 10000, 256
R = 4
EMB = H // R
MAXLEN = 8
NE = 16
T = 32768
P = 4096


def setup_inputs(seed: int = 0) -> dict:
    key = jax.random.key(seed)
    ks = jax.random.split(key, 12)
    x = jax.random.normal(ks[0], (B, N, H), dtype=jnp.float32)
    path_list = jax.random.randint(ks[1], (T,), 0, N)
    path_index = jnp.sort(jax.random.randint(ks[2], (T,), 0, P))
    path_edge_type = jax.random.randint(ks[3], (T,), 0, NE + 1)
    path_positions = jax.random.randint(ks[4], (T,), 0, MAXLEN)
    path_weight = jax.random.uniform(ks[5], (B, P, 1), dtype=jnp.float32)
    gamma = jnp.ones((H,), dtype=jnp.float32)
    beta = jnp.zeros((H,), dtype=jnp.float32)
    W_proj = jax.random.normal(ks[6], (EMB, H), dtype=jnp.float32) / np.sqrt(H)
    b_proj = jnp.zeros((EMB,), dtype=jnp.float32)
    edge_table = jax.random.normal(ks[7], (NE + 1, EMB), dtype=jnp.float32) * 0.02
    pos_table = jax.random.normal(ks[8], (MAXLEN, EMB), dtype=jnp.float32) * 0.02
    W1 = jax.random.normal(ks[9], (R, EMB), dtype=jnp.float32) / np.sqrt(EMB)
    b1 = jnp.zeros((R,), dtype=jnp.float32)
    W2 = jax.random.normal(ks[10], (R, R), dtype=jnp.float32) / np.sqrt(R)
    b2 = jnp.zeros((R,), dtype=jnp.float32)
    return dict(x=x, path_list=path_list, path_index=path_index,
                path_edge_type=path_edge_type, path_positions=path_positions,
                path_weight=path_weight, gamma=gamma, beta=beta,
                W_proj=W_proj, b_proj=b_proj, edge_table=edge_table,
                pos_table=pos_table, W1=W1, b1=b1, W2=W2, b2=b2)


def reference(x, path_list, path_index, path_edge_type, path_positions,
              path_weight, gamma, beta, W_proj, b_proj, edge_table,
              pos_table, W1, b1, W2, b2):
    # LayerNorm
    mu = jnp.mean(x, axis=-1, keepdims=True)
    var = jnp.var(x, axis=-1, keepdims=True)
    xn = (x - mu) / jnp.sqrt(var + 1e-5) * gamma + beta
    # path_proj: [B, N, EMB]
    xp = xn @ W_proj.T + b_proj
    # gather nodes along paths: [B, T, EMB]
    xg = jnp.take(xp, path_list, axis=1)
    e = jnp.take(edge_table, path_edge_type, axis=0)[None, :, :]
    p = jnp.take(pos_table, path_positions, axis=0)[None, :, :]
    xg = xg + e + p
    # aggregate_proj (dropout = identity in eval): [B, T, R]
    s = jnp.tanh(xg @ W1.T + b1) @ W2.T + b2
    # [B, R, T, 1]
    s = jnp.transpose(s, (0, 2, 1))[..., None]
    # scatter softmax over tokens grouped by path_index (dim = T)
    s_t = jnp.moveaxis(s, 2, 0)  # [T, B, R, 1]
    seg_max = jax.ops.segment_max(s_t, path_index, num_segments=P)
    seg_max = jnp.where(jnp.isfinite(seg_max), seg_max, 0.0)
    ex = jnp.exp(s_t - seg_max[path_index])
    seg_sum = jax.ops.segment_sum(ex, path_index, num_segments=P)
    soft = ex / seg_sum[path_index]
    s = jnp.moveaxis(soft, 0, 2)  # [B, R, T, 1]
    # weighted token features: [B, R, T, EMB]
    h = xg[:, None, :, :] * s
    # scatter sum over paths: [B, R, P, EMB]
    h_t = jnp.moveaxis(h, 2, 0)  # [T, B, R, EMB]
    hs = jax.ops.segment_sum(h_t, path_index, num_segments=P)  # [P, B, R, EMB]
    h = jnp.moveaxis(hs, 0, 2)  # [B, R, P, EMB]
    h = jnp.transpose(h, (0, 2, 1, 3)).reshape(B, P, H)
    h = h * path_weight
    h = jnp.mean(h, axis=-2)  # [B, H]
    return h

if __name__ == "__main__":
    import jax
    _d = setup_inputs()
    print(jax.jit(kernel)(*tuple(_d.values())))

</pallas_src>

<mosaic_0001>
#map = affine_map<(d0, d1) -> (0, 0, 0)>
#map1 = affine_map<(d0, d1) -> (0, 0)>
#map2 = affine_map<(d0, d1) -> (0)>
module attributes {stable_mosaic.version = 14 : i64} {
  func.func @_sc_sparse(%arg0: i32, %arg1: i32, %arg2: memref<2x10000x8xf32, #tpu.memory_space<hbm>>, %arg3: memref<2x4096x8xf32, #tpu.memory_space<hbm>>, %arg4: memref<136x8xf32, #tpu.memory_space<hbm>>, %arg5: memref<16x16xf32, #tpu.memory_space<hbm>>, %arg6: memref<4x16xf32, #tpu.memory_space<hbm>>, %arg7: memref<32768xi32, #tpu.memory_space<hbm>>, %arg8: memref<32768xi32, #tpu.memory_space<hbm>>, %arg9: memref<32768xi32, #tpu.memory_space<hbm>>, %arg10: memref<640x8xf32, #tpu.memory_space<hbm>>, %arg11: memref<2x10240x8xf32, #tpu.memory_space<hbm>>, %arg12: memref<2x136x8xf32, #tpu.memory_space<hbm>>, %arg13: memref<10240x8xf32, #tpu.memory_space<vmem_shared>>, %arg14: memref<4x16xf32, #tpu.memory_space<vmem>>, %arg15: memref<136x8xf32, #tpu.memory_space<vmem_shared>>, %arg16: memref<2048xi32, #tpu.memory_space<vmem>>, %arg17: memref<2048xi32, #tpu.memory_space<vmem>>, %arg18: memref<2048xi32, #tpu.memory_space<vmem>>, %arg19: memref<4096x8xf32, #tpu.memory_space<vmem_shared>>, %arg20: memref<!tpu.dma_semaphore, #tpu.memory_space<semaphore_mem>>, %arg21: memref<!tpu.dma_semaphore, #tpu.memory_space<semaphore_mem>>, %arg22: memref<!tpu.dma_semaphore, #tpu.memory_space<semaphore_mem>>, %arg23: memref<2048x8xf32, #tpu.memory_space<vmem>>, %arg24: memref<2048x8xf32, #tpu.memory_space<vmem>>, %arg25: memref<2048x8xf32, #tpu.memory_space<vmem>>, %arg26: memref<2048x8xf32, #tpu.memory_space<vmem>>, %arg27: memref<16x16xf32, #tpu.memory_space<vmem>>) attributes {dimension_semantics = [#tpu.dimension_semantics<core_parallel>, #tpu.dimension_semantics<subcore_parallel>], iteration_bounds = array<i64: 2, 16>, scalar_prefetch = 0 : i64, scratch_operands = 15 : i64, tpu.core_type = #tpu.core_type<sc_vector_subcore>, window_params = [{transform_indices = #map}, {transform_indices = #map}, {transform_indices = #map1}, {transform_indices = #map1}, {transform_indices = #map1}, {transform_indices = #map2}, {transform_indices = #map2}, {transform_indices = #map2}, {transform_indices = #map1}, {transform_indices = #map}, {transform_indices = #map}]} {
    %iota3A = tpu.iota {dimensions = array<i32: 0>} : vector<16xi32>
    %mul3A = arith.constant 2048 : i32
    %mul3A_0 = arith.muli %arg1, %mul3A : i32
    %dma_start3A = tpu.memref_slice %arg7[%mul3A_0] : memref<32768xi32, #tpu.memory_space<hbm>> -> memref<2048xi32, #tpu.memory_space<hbm>>
    %dma_start3A_1 = tpu.memref_slice %arg7[%mul3A_0] : memref<32768xi32, #tpu.memory_space<hbm>> -> memref<2048xi32, #tpu.memory_space<hbm>>
    tpu.enqueue_dma source(%dma_start3A_1 : memref<2048xi32, #tpu.memory_space<hbm>>) target(%arg18 : memref<2048xi32, #tpu.memory_space<vmem>>) target_semaphore(%arg20 : memref<!tpu.dma_semaphore, #tpu.memory_space<semaphore_mem>>)
    %dma_start3A_2 = tpu.memref_slice %arg8[%mul3A_0] : memref<32768xi32, #tpu.memory_space<hbm>> -> memref<2048xi32, #tpu.memory_space<hbm>>
    %dma_start3A_3 = tpu.memref_slice %arg8[%mul3A_0] : memref<32768xi32, #tpu.memory_space<hbm>> -> memref<2048xi32, #tpu.memory_space<hbm>>
    tpu.enqueue_dma source(%dma_start3A_3 : memref<2048xi32, #tpu.memory_space<hbm>>) target(%arg17 : memref<2048xi32, #tpu.memory_space<vmem>>) target_semaphore(%arg21 : memref<!tpu.dma_semaphore, #tpu.memory_space<semaphore_mem>>)
    %dma_start3A_4 = tpu.memref_slice %arg9[%mul3A_0] : memref<32768xi32, #tpu.memory_space<hbm>> -> memref<2048xi32, #tpu.memory_space<hbm>>
    %dma_start3A_5 = tpu.memref_slice %arg9[%mul3A_0] : memref<32768xi32, #tpu.memory_space<hbm>> -> memref<2048xi32, #tpu.memory_space<hbm>>
    tpu.enqueue_dma source(%dma_start3A_5 : memref<2048xi32, #tpu.memory_space<hbm>>) target(%arg16 : memref<2048xi32, #tpu.memory_space<vmem>>) target_semaphore(%arg22 : memref<!tpu.dma_semaphore, #tpu.memory_space<semaphore_mem>>)
    "tpu.region"() ({
      %run_scoped3A = tpu.sem_alloc : memref<!tpu.dma_semaphore, #tpu.memory_space<semaphore_mem>>
      tpu.enqueue_dma source(%arg5 : memref<16x16xf32, #tpu.memory_space<hbm>>) target(%arg27 : memref<16x16xf32, #tpu.memory_space<vmem>>) target_semaphore(%run_scoped3A : memref<!tpu.dma_semaphore, #tpu.memory_space<semaphore_mem>>)
      tpu.wait_dma2 semaphore(%run_scoped3A : memref<!tpu.dma_semaphore, #tpu.memory_space<semaphore_mem>>) src(%arg5 : memref<16x16xf32, #tpu.memory_space<hbm>>) dst(%arg27 : memref<16x16xf32, #tpu.memory_space<vmem>>)
      tpu.yield
    }) : () -> ()
    "tpu.region"() ({
      %run_scoped3A = tpu.sem_alloc : memref<!tpu.dma_semaphore, #tpu.memory_space<semaphore_mem>>
      tpu.enqueue_dma source(%arg6 : memref<4x16xf32, #tpu.memory_space<hbm>>) target(%arg14 : memref<4x16xf32, #tpu.memory_space<vmem>>) target_semaphore(%run_scoped3A : memref<!tpu.dma_semaphore, #tpu.memory_space<semaphore_mem>>)
      tpu.wait_dma2 semaphore(%run_scoped3A : memref<!tpu.dma_semaphore, #tpu.memory_space<semaphore_mem>>) src(%arg6 : memref<4x16xf32, #tpu.memory_space<hbm>>) dst(%arg14 : memref<4x16xf32, #tpu.memory_space<vmem>>)
      tpu.yield
    }) : () -> ()
    %mul3A_6 = arith.constant 640 : i32
    %mul3A_7 = arith.muli %arg1, %mul3A_6 : i32
    "tpu.region"() ({
      %run_scoped3A = tpu.sem_alloc : memref<!tpu.dma_semaphore, #tpu.memory_space<semaphore_mem>>
      %dma_start3A_207 = arith.constant 0 : i32
      %dma_start3A_208 = tpu.memref_slice %arg13[%mul3A_7, %dma_start3A_207] : memref<10240x8xf32, #tpu.memory_space<vmem_shared>> -> memref<640x8xf32, #tpu.memory_space<vmem_shared>>
      tpu.enqueue_dma source(%arg10 : memref<640x8xf32, #tpu.memory_space<hbm>>) target(%dma_start3A_208 : memref<640x8xf32, #tpu.memory_space<vmem_shared>>) target_semaphore(%run_scoped3A : memref<!tpu.dma_semaphore, #tpu.memory_space<semaphore_mem>>)
      %dma_wait3A_209 = arith.constant 0 : i32
      %dma_wait3A_210 = tpu.memref_slice %arg13[%mul3A_7, %dma_wait3A_209] : memref<10240x8xf32, #tpu.memory_space<vmem_shared>> -> memref<640x8xf32, #tpu.memory_space<vmem_shared>>
      tpu.wait_dma2 semaphore(%run_scoped3A : memref<!tpu.dma_semaphore, #tpu.memory_space<semaphore_mem>>) src(%arg10 : memref<640x8xf32, #tpu.memory_space<hbm>>) dst(%dma_wait3A_210 : memref<640x8xf32, #tpu.memory_space<vmem_shared>>)
      tpu.yield
    }) : () -> ()
    %mul3A_8 = arith.constant 256 : i32
    %mul3A_9 = arith.muli %arg1, %mul3A_8 : i32
    "tpu.region"() ({
      %run_scoped3A = tpu.sem_alloc : memref<!tpu.dma_semaphore, #tpu.memory_space<semaphore_mem>>
      %dma_start3A_207 = arith.constant 0 : i32
      %dma_start3A_208 = tpu.memref_slice %arg19[%mul3A_9, %dma_start3A_207] : memref<4096x8xf32, #tpu.memory_space<vmem_shared>> -> memref<256x8xf32, #tpu.memory_space<vmem_shared>>
      %dma_start3A_209 = arith.constant 0 : i32
      %dma_start3A_210 = arith.constant 0 : i32
      %dma_start3A_211 = tpu.memref_slice %arg10[%dma_start3A_209, %dma_start3A_210] : memref<640x8xf32, #tpu.memory_space<hbm>> -> memref<256x8xf32, #tpu.memory_space<hbm>>
      tpu.enqueue_dma source(%dma_start3A_211 : memref<256x8xf32, #tpu.memory_space<hbm>>) target(%dma_start3A_208 : memref<256x8xf32, #tpu.memory_space<vmem_shared>>) target_semaphore(%run_scoped3A : memref<!tpu.dma_semaphore, #tpu.memory_space<semaphore_mem>>)
      %dma_wait3A_212 = arith.constant 0 : i32
      %dma_wait3A_213 = tpu.memref_slice %arg19[%mul3A_9, %dma_wait3A_212] : memref<4096x8xf32, #tpu.memory_space<vmem_shared>> -> memref<256x8xf32, #tpu.memory_space<vmem_shared>>
      %dma_wait3A_214 = arith.constant 0 : i32
      %dma_wait3A_215 = arith.constant 0 : i32
      %dma_wait3A_216 = tpu.memref_slice %arg10[%dma_wait3A_214, %dma_wait3A_215] : memref<640x8xf32, #tpu.memory_space<hbm>> -> memref<256x8xf32, #tpu.memory_space<hbm>>
      tpu.wait_dma2 semaphore(%run_scoped3A : memref<!tpu.dma_semaphore, #tpu.memory_space<semaphore_mem>>) src(%dma_wait3A_216 : memref<256x8xf32, #tpu.memory_space<hbm>>) dst(%dma_wait3A_213 : memref<256x8xf32, #tpu.memory_space<vmem_shared>>)
      tpu.yield
    }) : () -> ()
    %eq3A = arith.constant 0 : i32
    %eq3A_10 = arith.cmpi eq, %arg1, %eq3A : i32
    %convert_element_type3A = arith.extui %eq3A_10 : i1 to i32
    %cond3A = arith.constant 0 : i32
    %cond3A_11 = arith.cmpi ne, %convert_element_type3A, %cond3A : i32
    scf.if %cond3A_11 {
      "tpu.region"() ({
        %run_scoped3A = tpu.sem_alloc : memref<!tpu.dma_semaphore, #tpu.memory_space<semaphore_mem>>
        %dma_start3A_207 = arith.constant 0 : i32
        %dma_start3A_208 = arith.constant 0 : i32
        %dma_start3A_209 = tpu.memref_slice %arg10[%dma_start3A_207, %dma_start3A_208] : memref<640x8xf32, #tpu.memory_space<hbm>> -> memref<136x8xf32, #tpu.memory_space<hbm>>
        tpu.enqueue_dma source(%dma_start3A_209 : memref<136x8xf32, #tpu.memory_space<hbm>>) target(%arg15 : memref<136x8xf32, #tpu.memory_space<vmem_shared>>) target_semaphore(%run_scoped3A : memref<!tpu.dma_semaphore, #tpu.memory_space<semaphore_mem>>)
        %dma_wait3A_210 = arith.constant 0 : i32
        %dma_wait3A_211 = arith.constant 0 : i32
        %dma_wait3A_212 = tpu.memref_slice %arg10[%dma_wait3A_210, %dma_wait3A_211] : memref<640x8xf32, #tpu.memory_space<hbm>> -> memref<136x8xf32, #tpu.memory_space<hbm>>
        tpu.wait_dma2 semaphore(%run_scoped3A : memref<!tpu.dma_semaphore, #tpu.memory_space<semaphore_mem>>) src(%dma_wait3A_212 : memref<136x8xf32, #tpu.memory_space<hbm>>) dst(%arg15 : memref<136x8xf32, #tpu.memory_space<vmem_shared>>)
        tpu.yield
      }) : () -> ()
    } else {
    }
    %dma_wait3A = tpu.memref_slice %arg7[%mul3A_0] : memref<32768xi32, #tpu.memory_space<hbm>> -> memref<2048xi32, #tpu.memory_space<hbm>>
    %dma_wait3A_12 = tpu.memref_slice %arg7[%mul3A_0] : memref<32768xi32, #tpu.memory_space<hbm>> -> memref<2048xi32, #tpu.memory_space<hbm>>
    tpu.wait_dma2 semaphore(%arg20 : memref<!tpu.dma_semaphore, #tpu.memory_space<semaphore_mem>>) src(%dma_wait3A_12 : memref<2048xi32, #tpu.memory_space<hbm>>) dst(%arg18 : memref<2048xi32, #tpu.memory_space<vmem>>)
    %dma_wait3A_13 = tpu.memref_slice %arg9[%mul3A_0] : memref<32768xi32, #tpu.memory_space<hbm>> -> memref<2048xi32, #tpu.memory_space<hbm>>
    %dma_wait3A_14 = tpu.memref_slice %arg9[%mul3A_0] : memref<32768xi32, #tpu.memory_space<hbm>> -> memref<2048xi32, #tpu.memory_space<hbm>>
    tpu.wait_dma2 semaphore(%arg22 : memref<!tpu.dma_semaphore, #tpu.memory_space<semaphore_mem>>) src(%dma_wait3A_14 : memref<2048xi32, #tpu.memory_space<hbm>>) dst(%arg16 : memref<2048xi32, #tpu.memory_space<vmem>>)
    %dma_start3A_15 = arith.constant 0 : i32
    %dma_start3A_16 = arith.constant 0 : i32
    %dma_start3A_17 = tpu.memref_slice %arg2[%arg0, %dma_start3A_15, %dma_start3A_16] : memref<2x10000x8xf32, #tpu.memory_space<hbm>> -> memref<1x10000x8xf32, #tpu.memory_space<hbm>>
    %dma_start3A_18 = tpu.memref_squeeze %dma_start3A_17 : memref<1x10000x8xf32, #tpu.memory_space<hbm>> -> memref<10000x8xf32, #tpu.memory_space<hbm>>
    %dma_start3A_19 = arith.constant 0 : i32
    %dma_start3A_20 = arith.constant 0 : i32
    %dma_start3A_21 = tpu.memref_slice %dma_start3A_18[%dma_start3A_19, %dma_start3A_20] : memref<10000x8xf32, #tpu.memory_space<hbm>> -> memref<10000x8xf32, #tpu.memory_space<hbm>>
    tpu.enqueue_indirect_dma source(%dma_start3A_21 : memref<10000x8xf32, #tpu.memory_space<hbm>>) target(%arg23 : memref<2048x8xf32, #tpu.memory_space<vmem>>) offsets(%arg18 : memref<2048xi32, #tpu.memory_space<vmem>>) semaphore(%arg20 : memref<!tpu.dma_semaphore, #tpu.memory_space<semaphore_mem>>)
    %dma_start3A_22 = arith.constant 0 : i32
    %dma_start3A_23 = arith.constant 0 : i32
    %dma_start3A_24 = tpu.memref_slice %arg4[%dma_start3A_22, %dma_start3A_23] : memref<136x8xf32, #tpu.memory_space<hbm>> -> memref<136x8xf32, #tpu.memory_space<hbm>>
    tpu.enqueue_indirect_dma source(%dma_start3A_24 : memref<136x8xf32, #tpu.memory_space<hbm>>) target(%arg24 : memref<2048x8xf32, #tpu.memory_space<vmem>>) offsets(%arg16 : memref<2048xi32, #tpu.memory_space<vmem>>) semaphore(%arg22 : memref<!tpu.dma_semaphore, #tpu.memory_space<semaphore_mem>>)
    %dma_wait3A_25 = tpu.memref_slice %arg8[%mul3A_0] : memref<32768xi32, #tpu.memory_space<hbm>> -> memref<2048xi32, #tpu.memory_space<hbm>>
    %dma_wait3A_26 = tpu.memref_slice %arg8[%mul3A_0] : memref<32768xi32, #tpu.memory_space<hbm>> -> memref<2048xi32, #tpu.memory_space<hbm>>
    tpu.wait_dma2 semaphore(%arg21 : memref<!tpu.dma_semaphore, #tpu.memory_space<semaphore_mem>>) src(%dma_wait3A_26 : memref<2048xi32, #tpu.memory_space<hbm>>) dst(%arg17 : memref<2048xi32, #tpu.memory_space<vmem>>)
    %dma_start3A_27 = arith.constant 0 : i32
    %dma_start3A_28 = arith.constant 0 : i32
    %dma_start3A_29 = tpu.memref_slice %arg3[%arg0, %dma_start3A_27, %dma_start3A_28] : memref<2x4096x8xf32, #tpu.memory_space<hbm>> -> memref<1x4096x8xf32, #tpu.memory_space<hbm>>
    %dma_start3A_30 = tpu.memref_squeeze %dma_start3A_29 : memref<1x4096x8xf32, #tpu.memory_space<hbm>> -> memref<4096x8xf32, #tpu.memory_space<hbm>>
    %dma_start3A_31 = arith.constant 0 : i32
    %dma_start3A_32 = arith.constant 0 : i32
    %dma_start3A_33 = tpu.memref_slice %dma_start3A_30[%dma_start3A_31, %dma_start3A_32] : memref<4096x8xf32, #tpu.memory_space<hbm>> -> memref<4096x8xf32, #tpu.memory_space<hbm>>
    tpu.enqueue_indirect_dma source(%dma_start3A_33 : memref<4096x8xf32, #tpu.memory_space<hbm>>) target(%arg26 : memref<2048x8xf32, #tpu.memory_space<vmem>>) offsets(%arg17 : memref<2048xi32, #tpu.memory_space<vmem>>) semaphore(%arg21 : memref<!tpu.dma_semaphore, #tpu.memory_space<semaphore_mem>>)
    %barrier3A = arith.constant 0 : index
    tpu.barrier barrier_id(%barrier3A)
    %dma_wait3A_34 = arith.constant 0 : i32
    %dma_wait3A_35 = arith.constant 0 : i32
    %dma_wait3A_36 = tpu.memref_slice %arg2[%arg0, %dma_wait3A_34, %dma_wait3A_35] : memref<2x10000x8xf32, #tpu.memory_space<hbm>> -> memref<1x10000x8xf32, #tpu.memory_space<hbm>>
    %dma_wait3A_37 = tpu.memref_squeeze %dma_wait3A_36 : memref<1x10000x8xf32, #tpu.memory_space<hbm>> -> memref<10000x8xf32, #tpu.memory_space<hbm>>
    %dma_wait3A_38 = arith.constant 0 : i32
    %dma_wait3A_39 = arith.constant 0 : i32
    %dma_wait3A_40 = tpu.memref_slice %dma_wait3A_37[%dma_wait3A_38, %dma_wait3A_39] : memref<10000x8xf32, #tpu.memory_space<hbm>> -> memref<10000x8xf32, #tpu.memory_space<hbm>>
    tpu.wait_indirect_dma semaphore(%arg20 : memref<!tpu.dma_semaphore, #tpu.memory_space<semaphore_mem>>) src(%dma_wait3A_40 : memref<10000x8xf32, #tpu.memory_space<hbm>>) dst(%arg23 : memref<2048x8xf32, #tpu.memory_space<vmem>>)
    %dma_wait3A_41 = arith.constant 0 : i32
    %dma_wait3A_42 = arith.constant 0 : i32
    %dma_wait3A_43 = tpu.memref_slice %arg4[%dma_wait3A_41, %dma_wait3A_42] : memref<136x8xf32, #tpu.memory_space<hbm>> -> memref<136x8xf32, #tpu.memory_space<hbm>>
    tpu.wait_indirect_dma semaphore(%arg22 : memref<!tpu.dma_semaphore, #tpu.memory_space<semaphore_mem>>) src(%dma_wait3A_43 : memref<136x8xf32, #tpu.memory_space<hbm>>) dst(%arg24 : memref<2048x8xf32, #tpu.memory_space<vmem>>)
    %get3A = arith.constant 0 : i32
    %get3A_44 = arith.index_cast %get3A : i32 to index
    %get3A_45 = arith.constant 0 : index
    %get3A_46 = tpu.vector_load %arg27[%get3A_44, %get3A_45] {strides = array<i32>} : memref<16x16xf32, #tpu.memory_space<vmem>>, vector<16xf32>,
    %get3A_47 = arith.constant 1 : i32
    %get3A_48 = arith.index_cast %get3A_47 : i32 to index
    %get3A_49 = arith.constant 0 : index
    %get3A_50 = tpu.vector_load %arg27[%get3A_48, %get3A_49] {strides = array<i32>} : memref<16x16xf32, #tpu.memory_space<vmem>>, vector<16xf32>,
    %get3A_51 = arith.constant 2 : i32
    %get3A_52 = arith.index_cast %get3A_51 : i32 to index
    %get3A_53 = arith.constant 0 : index
    %get3A_54 = tpu.vector_load %arg27[%get3A_52, %get3A_53] {strides = array<i32>} : memref<16x16xf32, #tpu.memory_space<vmem>>, vector<16xf32>,
    %get3A_55 = arith.constant 3 : i32
    %get3A_56 = arith.index_cast %get3A_55 : i32 to index
    %get3A_57 = arith.constant 0 : index
    %get3A_58 = tpu.vector_load %arg27[%get3A_56, %get3A_57] {strides = array<i32>} : memref<16x16xf32, #tpu.memory_space<vmem>>, vector<16xf32>,
    %get3A_59 = arith.constant 4 : i32
    %get3A_60 = arith.index_cast %get3A_59 : i32 to index
    %get3A_61 = arith.constant 0 : index
    %get3A_62 = tpu.vector_load %arg27[%get3A_60, %get3A_61] {strides = array<i32>} : memref<16x16xf32, #tpu.memory_space<vmem>>, vector<16xf32>,
    %get3A_63 = arith.constant 5 : i32
    %get3A_64 = arith.index_cast %get3A_63 : i32 to index
    %get3A_65 = arith.constant 0 : index
    %get3A_66 = tpu.vector_load %arg27[%get3A_64, %get3A_65] {strides = array<i32>} : memref<16x16xf32, #tpu.memory_space<vmem>>, vector<16xf32>,
    %get3A_67 = arith.constant 6 : i32
    %get3A_68 = arith.index_cast %get3A_67 : i32 to index
    %get3A_69 = arith.constant 0 : index
    %get3A_70 = tpu.vector_load %arg27[%get3A_68, %get3A_69] {strides = array<i32>} : memref<16x16xf32, #tpu.memory_space<vmem>>, vector<16xf32>,
    %get3A_71 = arith.constant 7 : i32
    %get3A_72 = arith.index_cast %get3A_71 : i32 to index
    %get3A_73 = arith.constant 0 : index
    %get3A_74 = tpu.vector_load %arg27[%get3A_72, %get3A_73] {strides = array<i32>} : memref<16x16xf32, #tpu.memory_space<vmem>>, vector<16xf32>,
    %get3A_75 = arith.constant 8 : i32
    %get3A_76 = arith.index_cast %get3A_75 : i32 to index
    %get3A_77 = arith.constant 0 : index
    %get3A_78 = tpu.vector_load %arg27[%get3A_76, %get3A_77] {strides = array<i32>} : memref<16x16xf32, #tpu.memory_space<vmem>>, vector<16xf32>,
    %get3A_79 = arith.constant 9 : i32
    %get3A_80 = arith.index_cast %get3A_79 : i32 to index
    %get3A_81 = arith.constant 0 : index
    %get3A_82 = tpu.vector_load %arg27[%get3A_80, %get3A_81] {strides = array<i32>} : memref<16x16xf32, #tpu.memory_space<vmem>>, vector<16xf32>,
    %get3A_83 = arith.constant 10 : i32
    %get3A_84 = arith.index_cast %get3A_83 : i32 to index
    %get3A_85 = arith.constant 0 : index
    %get3A_86 = tpu.vector_load %arg27[%get3A_84, %get3A_85] {strides = array<i32>} : memref<16x16xf32, #tpu.memory_space<vmem>>, vector<16xf32>,
    %get3A_87 = arith.constant 11 : i32
    %get3A_88 = arith.index_cast %get3A_87 : i32 to index
    %get3A_89 = arith.constant 0 : index
    %get3A_90 = tpu.vector_load %arg27[%get3A_88, %get3A_89] {strides = array<i32>} : memref<16x16xf32, #tpu.memory_space<vmem>>, vector<16xf32>,
    %get3A_91 = arith.constant 12 : i32
    %get3A_92 = arith.index_cast %get3A_91 : i32 to index
    %get3A_93 = arith.constant 0 : index
    %get3A_94 = tpu.vector_load %arg27[%get3A_92, %get3A_93] {strides = array<i32>} : memref<16x16xf32, #tpu.memory_space<vmem>>, vector<16xf32>,
    %get3A_95 = arith.constant 13 : i32
    %get3A_96 = arith.index_cast %get3A_95 : i32 to index
    %get3A_97 = arith.constant 0 : index
    %get3A_98 = tpu.vector_load %arg27[%get3A_96, %get3A_97] {strides = array<i32>} : memref<16x16xf32, #tpu.memory_space<vmem>>, vector<16xf32>,
    %get3A_99 = arith.constant 14 : i32
    %get3A_100 = arith.index_cast %get3A_99 : i32 to index
    %get3A_101 = arith.constant 0 : index
    %get3A_102 = tpu.vector_load %arg27[%get3A_100, %get3A_101] {strides = array<i32>} : memref<16x16xf32, #tpu.memory_space<vmem>>, vector<16xf32>,
    %get3A_103 = arith.constant 15 : i32
    %get3A_104 = arith.index_cast %get3A_103 : i32 to index
    %get3A_105 = arith.constant 0 : index
    %get3A_106 = tpu.vector_load %arg27[%get3A_104, %get3A_105] {strides = array<i32>} : memref<16x16xf32, #tpu.memory_space<vmem>>, vector<16xf32>,
    %get3A_107 = arith.constant 0 : i32
    %get3A_108 = arith.index_cast %get3A_107 : i32 to index
    %get3A_109 = arith.constant 0 : index
    %get3A_110 = tpu.vector_load %arg14[%get3A_108, %get3A_109] {strides = array<i32>} : memref<4x16xf32, #tpu.memory_space<vmem>>, vector<16xf32>,
    %get3A_111 = arith.constant 1 : i32
    %get3A_112 = arith.index_cast %get3A_111 : i32 to index
    %get3A_113 = arith.constant 0 : index
    %get3A_114 = tpu.vector_load %arg14[%get3A_112, %get3A_113] {strides = array<i32>} : memref<4x16xf32, #tpu.memory_space<vmem>>, vector<16xf32>,
    %get3A_115 = arith.constant 2 : i32
    %get3A_116 = arith.index_cast %get3A_115 : i32 to index
    %get3A_117 = arith.constant 0 : index
    %get3A_118 = tpu.vector_load %arg14[%get3A_116, %get3A_117] {strides = array<i32>} : memref<4x16xf32, #tpu.memory_space<vmem>>, vector<16xf32>,
    %get3A_119 = arith.constant 3 : i32
    %get3A_120 = arith.index_cast %get3A_119 : i32 to index
    %get3A_121 = arith.constant 0 : index
    %get3A_122 = tpu.vector_load %arg14[%get3A_120, %get3A_121] {strides = array<i32>} : memref<4x16xf32, #tpu.memory_space<vmem>>, vector<16xf32>,
    %broadcast_in_dim3A = arith.constant 0 : i32
    %broadcast_in_dim3A_123 = vector.broadcast %broadcast_in_dim3A : i32 to vector<16xi32>
    %broadcast_in_dim3A_124 = arith.constant 1 : i32
    %broadcast_in_dim3A_125 = vector.broadcast %broadcast_in_dim3A_124 : i32 to vector<16xi32>
    %broadcast_in_dim3A_126 = arith.constant 2 : i32
    %broadcast_in_dim3A_127 = vector.broadcast %broadcast_in_dim3A_126 : i32 to vector<16xi32>
    %broadcast_in_dim3A_128 = arith.constant 3 : i32
    %broadcast_in_dim3A_129 = vector.broadcast %broadcast_in_dim3A_128 : i32 to vector<16xi32>
    %parallel_loop3A = arith.constant 0 : i32
    %parallel_loop3A_130 = arith.constant 128 : i32
    %parallel_loop3A_131 = arith.constant 1 : i32
    scf.for %parallel_loop3A_207 = %parallel_loop3A to %parallel_loop3A_130 step %parallel_loop3A_131  : i32 {
      %parallel_loop3A_208 = arith.constant 16 : i32
      %parallel_loop3A_209 = arith.muli %parallel_loop3A_207, %parallel_loop3A_208 : i32
      %parallel_loop3A_210 = vector.broadcast %parallel_loop3A_209 : i32 to vector<16xi32>
      %parallel_loop3A_211 = arith.addi %parallel_loop3A_210, %iota3A : vector<16xi32>
      %parallel_loop3A_212 = tpu.vector_load_idx %arg23[%parallel_loop3A_211, %broadcast_in_dim3A_123] : memref<2048x8xf32, #tpu.memory_space<vmem>>[vector<16xi32>, vector<16xi32>], vector<16xf32>,
      %parallel_loop3A_213 = tpu.vector_load_idx %arg24[%parallel_loop3A_211, %broadcast_in_dim3A_123] : memref<2048x8xf32, #tpu.memory_space<vmem>>[vector<16xi32>, vector<16xi32>], vector<16xf32>,
      %parallel_loop3A_214 = arith.addf %parallel_loop3A_212, %parallel_loop3A_213 : vector<16xf32>
      %parallel_loop3A_215 = arith.constant 2.000000e+00 : f32
      %parallel_loop3A_216 = vector.broadcast %parallel_loop3A_215 : f32 to vector<16xf32>
      %parallel_loop3A_217 = arith.mulf %parallel_loop3A_214, %parallel_loop3A_216 : vector<16xf32>
      %parallel_loop3A_218 = math.exp %parallel_loop3A_217 : vector<16xf32>
      %parallel_loop3A_219 = arith.constant 1.000000e+00 : f32
      %parallel_loop3A_220 = vector.broadcast %parallel_loop3A_219 : f32 to vector<16xf32>
      %parallel_loop3A_221 = arith.addf %parallel_loop3A_218, %parallel_loop3A_220 : vector<16xf32>
      %parallel_loop3A_222 = arith.constant 2.000000e+00 : f32
      %parallel_loop3A_223 = vector.broadcast %parallel_loop3A_222 : f32 to vector<16xf32>
      %parallel_loop3A_224 = arith.divf %parallel_loop3A_223, %parallel_loop3A_221 : vector<16xf32>
      %parallel_loop3A_225 = arith.constant 1.000000e+00 : f32
      %parallel_loop3A_226 = vector.broadcast %parallel_loop3A_225 : f32 to vector<16xf32>
      %parallel_loop3A_227 = arith.subf %parallel_loop3A_226, %parallel_loop3A_224 : vector<16xf32>
      %parallel_loop3A_228 = tpu.vector_load_idx %arg23[%parallel_loop3A_211, %broadcast_in_dim3A_125] : memref<2048x8xf32, #tpu.memory_space<vmem>>[vector<16xi32>, vector<16xi32>], vector<16xf32>,
      %parallel_loop3A_229 = tpu.vector_load_idx %arg24[%parallel_loop3A_211, %broadcast_in_dim3A_125] : memref<2048x8xf32, #tpu.memory_space<vmem>>[vector<16xi32>, vector<16xi32>], vector<16xf32>,
      %parallel_loop3A_230 = arith.addf %parallel_loop3A_228, %parallel_loop3A_229 : vector<16xf32>
      %parallel_loop3A_231 = arith.constant 2.000000e+00 : f32
      %parallel_loop3A_232 = vector.broadcast %parallel_loop3A_231 : f32 to vector<16xf32>
      %parallel_loop3A_233 = arith.mulf %parallel_loop3A_230, %parallel_loop3A_232 : vector<16xf32>
      %parallel_loop3A_234 = math.exp %parallel_loop3A_233 : vector<16xf32>
      %parallel_loop3A_235 = arith.constant 1.000000e+00 : f32
      %parallel_loop3A_236 = vector.broadcast %parallel_loop3A_235 : f32 to vector<16xf32>
      %parallel_loop3A_237 = arith.addf %parallel_loop3A_234, %parallel_loop3A_236 : vector<16xf32>
      %parallel_loop3A_238 = arith.constant 2.000000e+00 : f32
      %parallel_loop3A_239 = vector.broadcast %parallel_loop3A_238 : f32 to vector<16xf32>
      %parallel_loop3A_240 = arith.divf %parallel_loop3A_239, %parallel_loop3A_237 : vector<16xf32>
      %parallel_loop3A_241 = arith.constant 1.000000e+00 : f32
      %parallel_loop3A_242 = vector.broadcast %parallel_loop3A_241 : f32 to vector<16xf32>
      %parallel_loop3A_243 = arith.subf %parallel_loop3A_242, %parallel_loop3A_240 : vector<16xf32>
      %parallel_loop3A_244 = tpu.vector_load_idx %arg23[%parallel_loop3A_211, %broadcast_in_dim3A_127] : memref<2048x8xf32, #tpu.memory_space<vmem>>[vector<16xi32>, vector<16xi32>], vector<16xf32>,
      %parallel_loop3A_245 = tpu.vector_load_idx %arg24[%parallel_loop3A_211, %broadcast_in_dim3A_127] : memref<2048x8xf32, #tpu.memory_space<vmem>>[vector<16xi32>, vector<16xi32>], vector<16xf32>,
      %parallel_loop3A_246 = arith.addf %parallel_loop3A_244, %parallel_loop3A_245 : vector<16xf32>
      %parallel_loop3A_247 = arith.constant 2.000000e+00 : f32
      %parallel_loop3A_248 = vector.broadcast %parallel_loop3A_247 : f32 to vector<16xf32>
      %parallel_loop3A_249 = arith.mulf %parallel_loop3A_246, %parallel_loop3A_248 : vector<16xf32>
      %parallel_loop3A_250 = math.exp %parallel_loop3A_249 : vector<16xf32>
      %parallel_loop3A_251 = arith.constant 1.000000e+00 : f32
      %parallel_loop3A_252 = vector.broadcast %parallel_loop3A_251 : f32 to vector<16xf32>
      %parallel_loop3A_253 = arith.addf %parallel_loop3A_250, %parallel_loop3A_252 : vector<16xf32>
      %parallel_loop3A_254 = arith.constant 2.000000e+00 : f32
      %parallel_loop3A_255 = vector.broadcast %parallel_loop3A_254 : f32 to vector<16xf32>
      %parallel_loop3A_256 = arith.divf %parallel_loop3A_255, %parallel_loop3A_253 : vector<16xf32>
      %parallel_loop3A_257 = arith.constant 1.000000e+00 : f32
      %parallel_loop3A_258 = vector.broadcast %parallel_loop3A_257 : f32 to vector<16xf32>
      %parallel_loop3A_259 = arith.subf %parallel_loop3A_258, %parallel_loop3A_256 : vector<16xf32>
      %parallel_loop3A_260 = tpu.vector_load_idx %arg23[%parallel_loop3A_211, %broadcast_in_dim3A_129] : memref<2048x8xf32, #tpu.memory_space<vmem>>[vector<16xi32>, vector<16xi32>], vector<16xf32>,
      %parallel_loop3A_261 = tpu.vector_load_idx %arg24[%parallel_loop3A_211, %broadcast_in_dim3A_129] : memref<2048x8xf32, #tpu.memory_space<vmem>>[vector<16xi32>, vector<16xi32>], vector<16xf32>,
      %parallel_loop3A_262 = arith.addf %parallel_loop3A_260, %parallel_loop3A_261 : vector<16xf32>
      %parallel_loop3A_263 = arith.constant 2.000000e+00 : f32
      %parallel_loop3A_264 = vector.broadcast %parallel_loop3A_263 : f32 to vector<16xf32>
      %parallel_loop3A_265 = arith.mulf %parallel_loop3A_262, %parallel_loop3A_264 : vector<16xf32>
      %parallel_loop3A_266 = math.exp %parallel_loop3A_265 : vector<16xf32>
      %parallel_loop3A_267 = arith.constant 1.000000e+00 : f32
      %parallel_loop3A_268 = vector.broadcast %parallel_loop3A_267 : f32 to vector<16xf32>
      %parallel_loop3A_269 = arith.addf %parallel_loop3A_266, %parallel_loop3A_268 : vector<16xf32>
      %parallel_loop3A_270 = arith.constant 2.000000e+00 : f32
      %parallel_loop3A_271 = vector.broadcast %parallel_loop3A_270 : f32 to vector<16xf32>
      %parallel_loop3A_272 = arith.divf %parallel_loop3A_271, %parallel_loop3A_269 : vector<16xf32>
      %parallel_loop3A_273 = arith.constant 1.000000e+00 : f32
      %parallel_loop3A_274 = vector.broadcast %parallel_loop3A_273 : f32 to vector<16xf32>
      %parallel_loop3A_275 = arith.subf %parallel_loop3A_274, %parallel_loop3A_272 : vector<16xf32>
      %parallel_loop3A_276 = arith.mulf %get3A_46, %parallel_loop3A_227 : vector<16xf32>
      %parallel_loop3A_277 = arith.addf %get3A_110, %parallel_loop3A_276 : vector<16xf32>
      %parallel_loop3A_278 = arith.mulf %get3A_50, %parallel_loop3A_243 : vector<16xf32>
      %parallel_loop3A_279 = arith.addf %parallel_loop3A_277, %parallel_loop3A_278 : vector<16xf32>
      %parallel_loop3A_280 = arith.mulf %get3A_54, %parallel_loop3A_259 : vector<16xf32>
      %parallel_loop3A_281 = arith.addf %parallel_loop3A_279, %parallel_loop3A_280 : vector<16xf32>
      %parallel_loop3A_282 = arith.mulf %get3A_58, %parallel_loop3A_275 : vector<16xf32>
      %parallel_loop3A_283 = arith.addf %parallel_loop3A_281, %parallel_loop3A_282 : vector<16xf32>
      %parallel_loop3A_284 = math.exp %parallel_loop3A_283 : vector<16xf32>
      tpu.vector_store_idx %arg25[%parallel_loop3A_211, %broadcast_in_dim3A_123], %parallel_loop3A_284 : memref<2048x8xf32, #tpu.memory_space<vmem>>[vector<16xi32>, vector<16xi32>], vector<16xf32>,
      %parallel_loop3A_285 = arith.mulf %get3A_62, %parallel_loop3A_227 : vector<16xf32>
      %parallel_loop3A_286 = arith.addf %get3A_114, %parallel_loop3A_285 : vector<16xf32>
      %parallel_loop3A_287 = arith.mulf %get3A_66, %parallel_loop3A_243 : vector<16xf32>
      %parallel_loop3A_288 = arith.addf %parallel_loop3A_286, %parallel_loop3A_287 : vector<16xf32>
      %parallel_loop3A_289 = arith.mulf %get3A_70, %parallel_loop3A_259 : vector<16xf32>
      %parallel_loop3A_290 = arith.addf %parallel_loop3A_288, %parallel_loop3A_289 : vector<16xf32>
      %parallel_loop3A_291 = arith.mulf %get3A_74, %parallel_loop3A_275 : vector<16xf32>
      %parallel_loop3A_292 = arith.addf %parallel_loop3A_290, %parallel_loop3A_291 : vector<16xf32>
      %parallel_loop3A_293 = math.exp %parallel_loop3A_292 : vector<16xf32>
      tpu.vector_store_idx %arg25[%parallel_loop3A_211, %broadcast_in_dim3A_125], %parallel_loop3A_293 : memref<2048x8xf32, #tpu.memory_space<vmem>>[vector<16xi32>, vector<16xi32>], vector<16xf32>,
      %parallel_loop3A_294 = arith.mulf %get3A_78, %parallel_loop3A_227 : vector<16xf32>
      %parallel_loop3A_295 = arith.addf %get3A_118, %parallel_loop3A_294 : vector<16xf32>
      %parallel_loop3A_296 = arith.mulf %get3A_82, %parallel_loop3A_243 : vector<16xf32>
      %parallel_loop3A_297 = arith.addf %parallel_loop3A_295, %parallel_loop3A_296 : vector<16xf32>
      %parallel_loop3A_298 = arith.mulf %get3A_86, %parallel_loop3A_259 : vector<16xf32>
      %parallel_loop3A_299 = arith.addf %parallel_loop3A_297, %parallel_loop3A_298 : vector<16xf32>
      %parallel_loop3A_300 = arith.mulf %get3A_90, %parallel_loop3A_275 : vector<16xf32>
      %parallel_loop3A_301 = arith.addf %parallel_loop3A_299, %parallel_loop3A_300 : vector<16xf32>
      %parallel_loop3A_302 = math.exp %parallel_loop3A_301 : vector<16xf32>
      tpu.vector_store_idx %arg25[%parallel_loop3A_211, %broadcast_in_dim3A_127], %parallel_loop3A_302 : memref<2048x8xf32, #tpu.memory_space<vmem>>[vector<16xi32>, vector<16xi32>], vector<16xf32>,
      %parallel_loop3A_303 = arith.mulf %get3A_94, %parallel_loop3A_227 : vector<16xf32>
      %parallel_loop3A_304 = arith.addf %get3A_122, %parallel_loop3A_303 : vector<16xf32>
      %parallel_loop3A_305 = arith.mulf %get3A_98, %parallel_loop3A_243 : vector<16xf32>
      %parallel_loop3A_306 = arith.addf %parallel_loop3A_304, %parallel_loop3A_305 : vector<16xf32>
      %parallel_loop3A_307 = arith.mulf %get3A_102, %parallel_loop3A_259 : vector<16xf32>
      %parallel_loop3A_308 = arith.addf %parallel_loop3A_306, %parallel_loop3A_307 : vector<16xf32>
      %parallel_loop3A_309 = arith.mulf %get3A_106, %parallel_loop3A_275 : vector<16xf32>
      %parallel_loop3A_310 = arith.addf %parallel_loop3A_308, %parallel_loop3A_309 : vector<16xf32>
      %parallel_loop3A_311 = math.exp %parallel_loop3A_310 : vector<16xf32>
      tpu.vector_store_idx %arg25[%parallel_loop3A_211, %broadcast_in_dim3A_129], %parallel_loop3A_311 : memref<2048x8xf32, #tpu.memory_space<vmem>>[vector<16xi32>, vector<16xi32>], vector<16xf32>,
    } {sc.loop_unroll_factor = 2 : i64, sc.parallel_access}
    %broadcast_in_dim3A_132 = arith.constant 4 : i32
    %broadcast_in_dim3A_133 = vector.broadcast %broadcast_in_dim3A_132 : i32 to vector<16xi32>
    %broadcast_in_dim3A_134 = arith.constant 5 : i32
    %broadcast_in_dim3A_135 = vector.broadcast %broadcast_in_dim3A_134 : i32 to vector<16xi32>
    %broadcast_in_dim3A_136 = arith.constant 6 : i32
    %broadcast_in_dim3A_137 = vector.broadcast %broadcast_in_dim3A_136 : i32 to vector<16xi32>
    %broadcast_in_dim3A_138 = arith.constant 7 : i32
    %broadcast_in_dim3A_139 = vector.broadcast %broadcast_in_dim3A_138 : i32 to vector<16xi32>
    %parallel_loop3A_140 = arith.constant 0 : i32
    %parallel_loop3A_141 = arith.constant 128 : i32
    %parallel_loop3A_142 = arith.constant 1 : i32
    scf.for %parallel_loop3A_207 = %parallel_loop3A_140 to %parallel_loop3A_141 step %parallel_loop3A_142  : i32 {
      %parallel_loop3A_208 = arith.constant 16 : i32
      %parallel_loop3A_209 = arith.muli %parallel_loop3A_207, %parallel_loop3A_208 : i32
      %parallel_loop3A_210 = vector.broadcast %parallel_loop3A_209 : i32 to vector<16xi32>
      %parallel_loop3A_211 = arith.addi %parallel_loop3A_210, %iota3A : vector<16xi32>
      %parallel_loop3A_212 = tpu.vector_load_idx %arg23[%parallel_loop3A_211, %broadcast_in_dim3A_133] : memref<2048x8xf32, #tpu.memory_space<vmem>>[vector<16xi32>, vector<16xi32>], vector<16xf32>,
      %parallel_loop3A_213 = tpu.vector_load_idx %arg24[%parallel_loop3A_211, %broadcast_in_dim3A_133] : memref<2048x8xf32, #tpu.memory_space<vmem>>[vector<16xi32>, vector<16xi32>], vector<16xf32>,
      %parallel_loop3A_214 = arith.addf %parallel_loop3A_212, %parallel_loop3A_213 : vector<16xf32>
      %parallel_loop3A_215 = arith.constant 2.000000e+00 : f32
      %parallel_loop3A_216 = vector.broadcast %parallel_loop3A_215 : f32 to vector<16xf32>
      %parallel_loop3A_217 = arith.mulf %parallel_loop3A_214, %parallel_loop3A_216 : vector<16xf32>
      %parallel_loop3A_218 = math.exp %parallel_loop3A_217 : vector<16xf32>
      %parallel_loop3A_219 = arith.constant 1.000000e+00 : f32
      %parallel_loop3A_220 = vector.broadcast %parallel_loop3A_219 : f32 to vector<16xf32>
      %parallel_loop3A_221 = arith.addf %parallel_loop3A_218, %parallel_loop3A_220 : vector<16xf32>
      %parallel_loop3A_222 = arith.constant 2.000000e+00 : f32
      %parallel_loop3A_223 = vector.broadcast %parallel_loop3A_222 : f32 to vector<16xf32>
      %parallel_loop3A_224 = arith.divf %parallel_loop3A_223, %parallel_loop3A_221 : vector<16xf32>
      %parallel_loop3A_225 = arith.constant 1.000000e+00 : f32
      %parallel_loop3A_226 = vector.broadcast %parallel_loop3A_225 : f32 to vector<16xf32>
      %parallel_loop3A_227 = arith.subf %parallel_loop3A_226, %parallel_loop3A_224 : vector<16xf32>
      %parallel_loop3A_228 = tpu.vector_load_idx %arg23[%parallel_loop3A_211, %broadcast_in_dim3A_135] : memref<2048x8xf32, #tpu.memory_space<vmem>>[vector<16xi32>, vector<16xi32>], vector<16xf32>,
      %parallel_loop3A_229 = tpu.vector_load_idx %arg24[%parallel_loop3A_211, %broadcast_in_dim3A_135] : memref<2048x8xf32, #tpu.memory_space<vmem>>[vector<16xi32>, vector<16xi32>], vector<16xf32>,
      %parallel_loop3A_230 = arith.addf %parallel_loop3A_228, %parallel_loop3A_229 : vector<16xf32>
      %parallel_loop3A_231 = arith.constant 2.000000e+00 : f32
      %parallel_loop3A_232 = vector.broadcast %parallel_loop3A_231 : f32 to vector<16xf32>
      %parallel_loop3A_233 = arith.mulf %parallel_loop3A_230, %parallel_loop3A_232 : vector<16xf32>
      %parallel_loop3A_234 = math.exp %parallel_loop3A_233 : vector<16xf32>
      %parallel_loop3A_235 = arith.constant 1.000000e+00 : f32
      %parallel_loop3A_236 = vector.broadcast %parallel_loop3A_235 : f32 to vector<16xf32>
      %parallel_loop3A_237 = arith.addf %parallel_loop3A_234, %parallel_loop3A_236 : vector<16xf32>
      %parallel_loop3A_238 = arith.constant 2.000000e+00 : f32
      %parallel_loop3A_239 = vector.broadcast %parallel_loop3A_238 : f32 to vector<16xf32>
      %parallel_loop3A_240 = arith.divf %parallel_loop3A_239, %parallel_loop3A_237 : vector<16xf32>
      %parallel_loop3A_241 = arith.constant 1.000000e+00 : f32
      %parallel_loop3A_242 = vector.broadcast %parallel_loop3A_241 : f32 to vector<16xf32>
      %parallel_loop3A_243 = arith.subf %parallel_loop3A_242, %parallel_loop3A_240 : vector<16xf32>
      %parallel_loop3A_244 = tpu.vector_load_idx %arg23[%parallel_loop3A_211, %broadcast_in_dim3A_137] : memref<2048x8xf32, #tpu.memory_space<vmem>>[vector<16xi32>, vector<16xi32>], vector<16xf32>,
      %parallel_loop3A_245 = tpu.vector_load_idx %arg24[%parallel_loop3A_211, %broadcast_in_dim3A_137] : memref<2048x8xf32, #tpu.memory_space<vmem>>[vector<16xi32>, vector<16xi32>], vector<16xf32>,
      %parallel_loop3A_246 = arith.addf %parallel_loop3A_244, %parallel_loop3A_245 : vector<16xf32>
      %parallel_loop3A_247 = arith.constant 2.000000e+00 : f32
      %parallel_loop3A_248 = vector.broadcast %parallel_loop3A_247 : f32 to vector<16xf32>
      %parallel_loop3A_249 = arith.mulf %parallel_loop3A_246, %parallel_loop3A_248 : vector<16xf32>
      %parallel_loop3A_250 = math.exp %parallel_loop3A_249 : vector<16xf32>
      %parallel_loop3A_251 = arith.constant 1.000000e+00 : f32
      %parallel_loop3A_252 = vector.broadcast %parallel_loop3A_251 : f32 to vector<16xf32>
      %parallel_loop3A_253 = arith.addf %parallel_loop3A_250, %parallel_loop3A_252 : vector<16xf32>
      %parallel_loop3A_254 = arith.constant 2.000000e+00 : f32
      %parallel_loop3A_255 = vector.broadcast %parallel_loop3A_254 : f32 to vector<16xf32>
      %parallel_loop3A_256 = arith.divf %parallel_loop3A_255, %parallel_loop3A_253 : vector<16xf32>
      %parallel_loop3A_257 = arith.constant 1.000000e+00 : f32
      %parallel_loop3A_258 = vector.broadcast %parallel_loop3A_257 : f32 to vector<16xf32>
      %parallel_loop3A_259 = arith.subf %parallel_loop3A_258, %parallel_loop3A_256 : vector<16xf32>
      %parallel_loop3A_260 = tpu.vector_load_idx %arg23[%parallel_loop3A_211, %broadcast_in_dim3A_139] : memref<2048x8xf32, #tpu.memory_space<vmem>>[vector<16xi32>, vector<16xi32>], vector<16xf32>,
      %parallel_loop3A_261 = tpu.vector_load_idx %arg24[%parallel_loop3A_211, %broadcast_in_dim3A_139] : memref<2048x8xf32, #tpu.memory_space<vmem>>[vector<16xi32>, vector<16xi32>], vector<16xf32>,
      %parallel_loop3A_262 = arith.addf %parallel_loop3A_260, %parallel_loop3A_261 : vector<16xf32>
      %parallel_loop3A_263 = arith.constant 2.000000e+00 : f32
      %parallel_loop3A_264 = vector.broadcast %parallel_loop3A_263 : f32 to vector<16xf32>
      %parallel_loop3A_265 = arith.mulf %parallel_loop3A_262, %parallel_loop3A_264 : vector<16xf32>
      %parallel_loop3A_266 = math.exp %parallel_loop3A_265 : vector<16xf32>
      %parallel_loop3A_267 = arith.constant 1.000000e+00 : f32
      %parallel_loop3A_268 = vector.broadcast %parallel_loop3A_267 : f32 to vector<16xf32>
      %parallel_loop3A_269 = arith.addf %parallel_loop3A_266, %parallel_loop3A_268 : vector<16xf32>
      %parallel_loop3A_270 = arith.constant 2.000000e+00 : f32
      %parallel_loop3A_271 = vector.broadcast %parallel_loop3A_270 : f32 to vector<16xf32>
      %parallel_loop3A_272 = arith.divf %parallel_loop3A_271, %parallel_loop3A_269 : vector<16xf32>
      %parallel_loop3A_273 = arith.constant 1.000000e+00 : f32
      %parallel_loop3A_274 = vector.broadcast %parallel_loop3A_273 : f32 to vector<16xf32>
      %parallel_loop3A_275 = arith.subf %parallel_loop3A_274, %parallel_loop3A_272 : vector<16xf32>
      %parallel_loop3A_276 = arith.mulf %get3A_46, %parallel_loop3A_227 : vector<16xf32>
      %parallel_loop3A_277 = arith.addf %get3A_110, %parallel_loop3A_276 : vector<16xf32>
      %parallel_loop3A_278 = arith.mulf %get3A_50, %parallel_loop3A_243 : vector<16xf32>
      %parallel_loop3A_279 = arith.addf %parallel_loop3A_277, %parallel_loop3A_278 : vector<16xf32>
      %parallel_loop3A_280 = arith.mulf %get3A_54, %parallel_loop3A_259 : vector<16xf32>
      %parallel_loop3A_281 = arith.addf %parallel_loop3A_279, %parallel_loop3A_280 : vector<16xf32>
      %parallel_loop3A_282 = arith.mulf %get3A_58, %parallel_loop3A_275 : vector<16xf32>
      %parallel_loop3A_283 = arith.addf %parallel_loop3A_281, %parallel_loop3A_282 : vector<16xf32>
      %parallel_loop3A_284 = math.exp %parallel_loop3A_283 : vector<16xf32>
      tpu.vector_store_idx %arg25[%parallel_loop3A_211, %broadcast_in_dim3A_133], %parallel_loop3A_284 : memref<2048x8xf32, #tpu.memory_space<vmem>>[vector<16xi32>, vector<16xi32>], vector<16xf32>,
      %parallel_loop3A_285 = arith.mulf %get3A_62, %parallel_loop3A_227 : vector<16xf32>
      %parallel_loop3A_286 = arith.addf %get3A_114, %parallel_loop3A_285 : vector<16xf32>
      %parallel_loop3A_287 = arith.mulf %get3A_66, %parallel_loop3A_243 : vector<16xf32>
      %parallel_loop3A_288 = arith.addf %parallel_loop3A_286, %parallel_loop3A_287 : vector<16xf32>
      %parallel_loop3A_289 = arith.mulf %get3A_70, %parallel_loop3A_259 : vector<16xf32>
      %parallel_loop3A_290 = arith.addf %parallel_loop3A_288, %parallel_loop3A_289 : vector<16xf32>
      %parallel_loop3A_291 = arith.mulf %get3A_74, %parallel_loop3A_275 : vector<16xf32>
      %parallel_loop3A_292 = arith.addf %parallel_loop3A_290, %parallel_loop3A_291 : vector<16xf32>
      %parallel_loop3A_293 = math.exp %parallel_loop3A_292 : vector<16xf32>
      tpu.vector_store_idx %arg25[%parallel_loop3A_211, %broadcast_in_dim3A_135], %parallel_loop3A_293 : memref<2048x8xf32, #tpu.memory_space<vmem>>[vector<16xi32>, vector<16xi32>], vector<16xf32>,
      %parallel_loop3A_294 = arith.mulf %get3A_78, %parallel_loop3A_227 : vector<16xf32>
      %parallel_loop3A_295 = arith.addf %get3A_118, %parallel_loop3A_294 : vector<16xf32>
      %parallel_loop3A_296 = arith.mulf %get3A_82, %parallel_loop3A_243 : vector<16xf32>
      %parallel_loop3A_297 = arith.addf %parallel_loop3A_295, %parallel_loop3A_296 : vector<16xf32>
      %parallel_loop3A_298 = arith.mulf %get3A_86, %parallel_loop3A_259 : vector<16xf32>
      %parallel_loop3A_299 = arith.addf %parallel_loop3A_297, %parallel_loop3A_298 : vector<16xf32>
      %parallel_loop3A_300 = arith.mulf %get3A_90, %parallel_loop3A_275 : vector<16xf32>
      %parallel_loop3A_301 = arith.addf %parallel_loop3A_299, %parallel_loop3A_300 : vector<16xf32>
      %parallel_loop3A_302 = math.exp %parallel_loop3A_301 : vector<16xf32>
      tpu.vector_store_idx %arg25[%parallel_loop3A_211, %broadcast_in_dim3A_137], %parallel_loop3A_302 : memref<2048x8xf32, #tpu.memory_space<vmem>>[vector<16xi32>, vector<16xi32>], vector<16xf32>,
      %parallel_loop3A_303 = arith.mulf %get3A_94, %parallel_loop3A_227 : vector<16xf32>
      %parallel_loop3A_304 = arith.addf %get3A_122, %parallel_loop3A_303 : vector<16xf32>
      %parallel_loop3A_305 = arith.mulf %get3A_98, %parallel_loop3A_243 : vector<16xf32>
      %parallel_loop3A_306 = arith.addf %parallel_loop3A_304, %parallel_loop3A_305 : vector<16xf32>
      %parallel_loop3A_307 = arith.mulf %get3A_102, %parallel_loop3A_259 : vector<16xf32>
      %parallel_loop3A_308 = arith.addf %parallel_loop3A_306, %parallel_loop3A_307 : vector<16xf32>
      %parallel_loop3A_309 = arith.mulf %get3A_106, %parallel_loop3A_275 : vector<16xf32>
      %parallel_loop3A_310 = arith.addf %parallel_loop3A_308, %parallel_loop3A_309 : vector<16xf32>
      %parallel_loop3A_311 = math.exp %parallel_loop3A_310 : vector<16xf32>
      tpu.vector_store_idx %arg25[%parallel_loop3A_211, %broadcast_in_dim3A_139], %parallel_loop3A_311 : memref<2048x8xf32, #tpu.memory_space<vmem>>[vector<16xi32>, vector<16xi32>], vector<16xf32>,
    } {sc.loop_unroll_factor = 2 : i64, sc.parallel_access}
    "tpu.region"() ({
      %run_scoped3A = tpu.sem_alloc : memref<!tpu.dma_semaphore, #tpu.memory_space<semaphore_mem>>
      %dma_start3A_207 = arith.constant 0 : i32
      %dma_start3A_208 = arith.constant 0 : i32
      %dma_start3A_209 = tpu.memref_slice %arg19[%dma_start3A_207, %dma_start3A_208] : memref<4096x8xf32, #tpu.memory_space<vmem_shared>> -> memref<4096x8xf32, #tpu.memory_space<vmem_shared>>
      tpu.enqueue_indirect_dma source(%arg25 : memref<2048x8xf32, #tpu.memory_space<vmem>>) target(%dma_start3A_209 : memref<4096x8xf32, #tpu.memory_space<vmem_shared>>) offsets(%arg17 : memref<2048xi32, #tpu.memory_space<vmem>>) semaphore(%run_scoped3A : memref<!tpu.dma_semaphore, #tpu.memory_space<semaphore_mem>>) {add = true}
      %dma_wait3A_210 = arith.constant 0 : i32
      %dma_wait3A_211 = arith.constant 0 : i32
      %dma_wait3A_212 = tpu.memref_slice %arg19[%dma_wait3A_210, %dma_wait3A_211] : memref<4096x8xf32, #tpu.memory_space<vmem_shared>> -> memref<4096x8xf32, #tpu.memory_space<vmem_shared>>
      tpu.wait_indirect_dma semaphore(%run_scoped3A : memref<!tpu.dma_semaphore, #tpu.memory_space<semaphore_mem>>) src(%arg25 : memref<2048x8xf32, #tpu.memory_space<vmem>>) dst(%dma_wait3A_212 : memref<4096x8xf32, #tpu.memory_space<vmem_shared>>)
      tpu.yield
    }) : () -> ()
    %barrier3A_143 = arith.constant 0 : index
    tpu.barrier barrier_id(%barrier3A_143)
    %dma_start3A_144 = arith.constant 0 : i32
    %dma_start3A_145 = arith.constant 0 : i32
    %dma_start3A_146 = tpu.memref_slice %arg19[%dma_start3A_144, %dma_start3A_145] : memref<4096x8xf32, #tpu.memory_space<vmem_shared>> -> memref<4096x8xf32, #tpu.memory_space<vmem_shared>>
    tpu.enqueue_indirect_dma source(%dma_start3A_146 : memref<4096x8xf32, #tpu.memory_space<vmem_shared>>) target(%arg24 : memref<2048x8xf32, #tpu.memory_space<vmem>>) offsets(%arg17 : memref<2048xi32, #tpu.memory_space<vmem>>) semaphore(%arg20 : memref<!tpu.dma_semaphore, #tpu.memory_space<semaphore_mem>>)
    %dma_wait3A_147 = arith.constant 0 : i32
    %dma_wait3A_148 = arith.constant 0 : i32
    %dma_wait3A_149 = tpu.memref_slice %arg3[%arg0, %dma_wait3A_147, %dma_wait3A_148] : memref<2x4096x8xf32, #tpu.memory_space<hbm>> -> memref<1x4096x8xf32, #tpu.memory_space<hbm>>
    %dma_wait3A_150 = tpu.memref_squeeze %dma_wait3A_149 : memref<1x4096x8xf32, #tpu.memory_space<hbm>> -> memref<4096x8xf32, #tpu.memory_space<hbm>>
    %dma_wait3A_151 = arith.constant 0 : i32
    %dma_wait3A_152 = arith.constant 0 : i32
    %dma_wait3A_153 = tpu.memref_slice %dma_wait3A_150[%dma_wait3A_151, %dma_wait3A_152] : memref<4096x8xf32, #tpu.memory_space<hbm>> -> memref<4096x8xf32, #tpu.memory_space<hbm>>
    tpu.wait_indirect_dma semaphore(%arg21 : memref<!tpu.dma_semaphore, #tpu.memory_space<semaphore_mem>>) src(%dma_wait3A_153 : memref<4096x8xf32, #tpu.memory_space<hbm>>) dst(%arg26 : memref<2048x8xf32, #tpu.memory_space<vmem>>)
    %dma_wait3A_154 = arith.constant 0 : i32
    %dma_wait3A_155 = arith.constant 0 : i32
    %dma_wait3A_156 = tpu.memref_slice %arg19[%dma_wait3A_154, %dma_wait3A_155] : memref<4096x8xf32, #tpu.memory_space<vmem_shared>> -> memref<4096x8xf32, #tpu.memory_space<vmem_shared>>
    tpu.wait_indirect_dma semaphore(%arg20 : memref<!tpu.dma_semaphore, #tpu.memory_space<semaphore_mem>>) src(%dma_wait3A_156 : memref<4096x8xf32, #tpu.memory_space<vmem_shared>>) dst(%arg24 : memref<2048x8xf32, #tpu.memory_space<vmem>>)
    %broadcast_in_dim3A_157 = arith.constant 0 : i32
    %broadcast_in_dim3A_158 = vector.broadcast %broadcast_in_dim3A_157 : i32 to vector<16xi32>
    %parallel_loop3A_159 = arith.constant 0 : i32
    %parallel_loop3A_160 = arith.constant 128 : i32
    %parallel_loop3A_161 = arith.constant 1 : i32
    scf.for %parallel_loop3A_207 = %parallel_loop3A_159 to %parallel_loop3A_160 step %parallel_loop3A_161  : i32 {
      %parallel_loop3A_208 = arith.constant 16 : i32
      %parallel_loop3A_209 = arith.muli %parallel_loop3A_207, %parallel_loop3A_208 : i32
      %parallel_loop3A_210 = vector.broadcast %parallel_loop3A_209 : i32 to vector<16xi32>
      %parallel_loop3A_211 = arith.addi %parallel_loop3A_210, %iota3A : vector<16xi32>
      %parallel_loop3A_212 = tpu.vector_load_idx %arg25[%parallel_loop3A_211, %broadcast_in_dim3A_158] : memref<2048x8xf32, #tpu.memory_space<vmem>>[vector<16xi32>, vector<16xi32>], vector<16xf32>,
      %parallel_loop3A_213 = tpu.vector_load_idx %arg24[%parallel_loop3A_211, %broadcast_in_dim3A_158] : memref<2048x8xf32, #tpu.memory_space<vmem>>[vector<16xi32>, vector<16xi32>], vector<16xf32>,
      %parallel_loop3A_214 = arith.divf %parallel_loop3A_212, %parallel_loop3A_213 : vector<16xf32>
      %parallel_loop3A_215 = tpu.vector_load_idx %arg26[%parallel_loop3A_211, %broadcast_in_dim3A_158] : memref<2048x8xf32, #tpu.memory_space<vmem>>[vector<16xi32>, vector<16xi32>], vector<16xf32>,
      %parallel_loop3A_216 = arith.mulf %parallel_loop3A_214, %parallel_loop3A_215 : vector<16xf32>
      %parallel_loop3A_217 = arith.constant 2.44140625E-4 : f32
      %parallel_loop3A_218 = vector.broadcast %parallel_loop3A_217 : f32 to vector<16xf32>
      %parallel_loop3A_219 = arith.mulf %parallel_loop3A_216, %parallel_loop3A_218 : vector<16xf32>
      tpu.vector_store_idx %arg23[%parallel_loop3A_211, %broadcast_in_dim3A_158], %parallel_loop3A_219 : memref<2048x8xf32, #tpu.memory_space<vmem>>[vector<16xi32>, vector<16xi32>], vector<16xf32>,
    } {sc.loop_unroll_factor = 4 : i64, sc.parallel_access}
    %broadcast_in_dim3A_162 = arith.constant 1 : i32
    %broadcast_in_dim3A_163 = vector.broadcast %broadcast_in_dim3A_162 : i32 to vector<16xi32>
    %parallel_loop3A_164 = arith.constant 0 : i32
    %parallel_loop3A_165 = arith.constant 128 : i32
    %parallel_loop3A_166 = arith.constant 1 : i32
    scf.for %parallel_loop3A_207 = %parallel_loop3A_164 to %parallel_loop3A_165 step %parallel_loop3A_166  : i32 {
      %parallel_loop3A_208 = arith.constant 16 : i32
      %parallel_loop3A_209 = arith.muli %parallel_loop3A_207, %parallel_loop3A_208 : i32
      %parallel_loop3A_210 = vector.broadcast %parallel_loop3A_209 : i32 to vector<16xi32>
      %parallel_loop3A_211 = arith.addi %parallel_loop3A_210, %iota3A : vector<16xi32>
      %parallel_loop3A_212 = tpu.vector_load_idx %arg25[%parallel_loop3A_211, %broadcast_in_dim3A_163] : memref<2048x8xf32, #tpu.memory_space<vmem>>[vector<16xi32>, vector<16xi32>], vector<16xf32>,
      %parallel_loop3A_213 = tpu.vector_load_idx %arg24[%parallel_loop3A_211, %broadcast_in_dim3A_163] : memref<2048x8xf32, #tpu.memory_space<vmem>>[vector<16xi32>, vector<16xi32>], vector<16xf32>,
      %parallel_loop3A_214 = arith.divf %parallel_loop3A_212, %parallel_loop3A_213 : vector<16xf32>
      %parallel_loop3A_215 = tpu.vector_load_idx %arg26[%parallel_loop3A_211, %broadcast_in_dim3A_163] : memref<2048x8xf32, #tpu.memory_space<vmem>>[vector<16xi32>, vector<16xi32>], vector<16xf32>,
      %parallel_loop3A_216 = arith.mulf %parallel_loop3A_214, %parallel_loop3A_215 : vector<16xf32>
      %parallel_loop3A_217 = arith.constant 2.44140625E-4 : f32
      %parallel_loop3A_218 = vector.broadcast %parallel_loop3A_217 : f32 to vector<16xf32>
      %parallel_loop3A_219 = arith.mulf %parallel_loop3A_216, %parallel_loop3A_218 : vector<16xf32>
      tpu.vector_store_idx %arg23[%parallel_loop3A_211, %broadcast_in_dim3A_163], %parallel_loop3A_219 : memref<2048x8xf32, #tpu.memory_space<vmem>>[vector<16xi32>, vector<16xi32>], vector<16xf32>,
    } {sc.loop_unroll_factor = 4 : i64, sc.parallel_access}
    %broadcast_in_dim3A_167 = arith.constant 2 : i32
    %broadcast_in_dim3A_168 = vector.broadcast %broadcast_in_dim3A_167 : i32 to vector<16xi32>
    %parallel_loop3A_169 = arith.constant 0 : i32
    %parallel_loop3A_170 = arith.constant 128 : i32
    %parallel_loop3A_171 = arith.constant 1 : i32
    scf.for %parallel_loop3A_207 = %parallel_loop3A_169 to %parallel_loop3A_170 step %parallel_loop3A_171  : i32 {
      %parallel_loop3A_208 = arith.constant 16 : i32
      %parallel_loop3A_209 = arith.muli %parallel_loop3A_207, %parallel_loop3A_208 : i32
      %parallel_loop3A_210 = vector.broadcast %parallel_loop3A_209 : i32 to vector<16xi32>
      %parallel_loop3A_211 = arith.addi %parallel_loop3A_210, %iota3A : vector<16xi32>
      %parallel_loop3A_212 = tpu.vector_load_idx %arg25[%parallel_loop3A_211, %broadcast_in_dim3A_168] : memref<2048x8xf32, #tpu.memory_space<vmem>>[vector<16xi32>, vector<16xi32>], vector<16xf32>,
      %parallel_loop3A_213 = tpu.vector_load_idx %arg24[%parallel_loop3A_211, %broadcast_in_dim3A_168] : memref<2048x8xf32, #tpu.memory_space<vmem>>[vector<16xi32>, vector<16xi32>], vector<16xf32>,
      %parallel_loop3A_214 = arith.divf %parallel_loop3A_212, %parallel_loop3A_213 : vector<16xf32>
      %parallel_loop3A_215 = tpu.vector_load_idx %arg26[%parallel_loop3A_211, %broadcast_in_dim3A_168] : memref<2048x8xf32, #tpu.memory_space<vmem>>[vector<16xi32>, vector<16xi32>], vector<16xf32>,
      %parallel_loop3A_216 = arith.mulf %parallel_loop3A_214, %parallel_loop3A_215 : vector<16xf32>
      %parallel_loop3A_217 = arith.constant 2.44140625E-4 : f32
      %parallel_loop3A_218 = vector.broadcast %parallel_loop3A_217 : f32 to vector<16xf32>
      %parallel_loop3A_219 = arith.mulf %parallel_loop3A_216, %parallel_loop3A_218 : vector<16xf32>
      tpu.vector_store_idx %arg23[%parallel_loop3A_211, %broadcast_in_dim3A_168], %parallel_loop3A_219 : memref<2048x8xf32, #tpu.memory_space<vmem>>[vector<16xi32>, vector<16xi32>], vector<16xf32>,
    } {sc.loop_unroll_factor = 4 : i64, sc.parallel_access}
    %broadcast_in_dim3A_172 = arith.constant 3 : i32
    %broadcast_in_dim3A_173 = vector.broadcast %broadcast_in_dim3A_172 : i32 to vector<16xi32>
    %parallel_loop3A_174 = arith.constant 0 : i32
    %parallel_loop3A_175 = arith.constant 128 : i32
    %parallel_loop3A_176 = arith.constant 1 : i32
    scf.for %parallel_loop3A_207 = %parallel_loop3A_174 to %parallel_loop3A_175 step %parallel_loop3A_176  : i32 {
      %parallel_loop3A_208 = arith.constant 16 : i32
      %parallel_loop3A_209 = arith.muli %parallel_loop3A_207, %parallel_loop3A_208 : i32
      %parallel_loop3A_210 = vector.broadcast %parallel_loop3A_209 : i32 to vector<16xi32>
      %parallel_loop3A_211 = arith.addi %parallel_loop3A_210, %iota3A : vector<16xi32>
      %parallel_loop3A_212 = tpu.vector_load_idx %arg25[%parallel_loop3A_211, %broadcast_in_dim3A_173] : memref<2048x8xf32, #tpu.memory_space<vmem>>[vector<16xi32>, vector<16xi32>], vector<16xf32>,
      %parallel_loop3A_213 = tpu.vector_load_idx %arg24[%parallel_loop3A_211, %broadcast_in_dim3A_173] : memref<2048x8xf32, #tpu.memory_space<vmem>>[vector<16xi32>, vector<16xi32>], vector<16xf32>,
      %parallel_loop3A_214 = arith.divf %parallel_loop3A_212, %parallel_loop3A_213 : vector<16xf32>
      %parallel_loop3A_215 = tpu.vector_load_idx %arg26[%parallel_loop3A_211, %broadcast_in_dim3A_173] : memref<2048x8xf32, #tpu.memory_space<vmem>>[vector<16xi32>, vector<16xi32>], vector<16xf32>,
      %parallel_loop3A_216 = arith.mulf %parallel_loop3A_214, %parallel_loop3A_215 : vector<16xf32>
      %parallel_loop3A_217 = arith.constant 2.44140625E-4 : f32
      %parallel_loop3A_218 = vector.broadcast %parallel_loop3A_217 : f32 to vector<16xf32>
      %parallel_loop3A_219 = arith.mulf %parallel_loop3A_216, %parallel_loop3A_218 : vector<16xf32>
      tpu.vector_store_idx %arg23[%parallel_loop3A_211, %broadcast_in_dim3A_173], %parallel_loop3A_219 : memref<2048x8xf32, #tpu.memory_space<vmem>>[vector<16xi32>, vector<16xi32>], vector<16xf32>,
    } {sc.loop_unroll_factor = 4 : i64, sc.parallel_access}
    %broadcast_in_dim3A_177 = arith.constant 4 : i32
    %broadcast_in_dim3A_178 = vector.broadcast %broadcast_in_dim3A_177 : i32 to vector<16xi32>
    %parallel_loop3A_179 = arith.constant 0 : i32
    %parallel_loop3A_180 = arith.constant 128 : i32
    %parallel_loop3A_181 = arith.constant 1 : i32
    scf.for %parallel_loop3A_207 = %parallel_loop3A_179 to %parallel_loop3A_180 step %parallel_loop3A_181  : i32 {
      %parallel_loop3A_208 = arith.constant 16 : i32
      %parallel_loop3A_209 = arith.muli %parallel_loop3A_207, %parallel_loop3A_208 : i32
      %parallel_loop3A_210 = vector.broadcast %parallel_loop3A_209 : i32 to vector<16xi32>
      %parallel_loop3A_211 = arith.addi %parallel_loop3A_210, %iota3A : vector<16xi32>
      %parallel_loop3A_212 = tpu.vector_load_idx %arg25[%parallel_loop3A_211, %broadcast_in_dim3A_178] : memref<2048x8xf32, #tpu.memory_space<vmem>>[vector<16xi32>, vector<16xi32>], vector<16xf32>,
      %parallel_loop3A_213 = tpu.vector_load_idx %arg24[%parallel_loop3A_211, %broadcast_in_dim3A_178] : memref<2048x8xf32, #tpu.memory_space<vmem>>[vector<16xi32>, vector<16xi32>], vector<16xf32>,
      %parallel_loop3A_214 = arith.divf %parallel_loop3A_212, %parallel_loop3A_213 : vector<16xf32>
      %parallel_loop3A_215 = tpu.vector_load_idx %arg26[%parallel_loop3A_211, %broadcast_in_dim3A_178] : memref<2048x8xf32, #tpu.memory_space<vmem>>[vector<16xi32>, vector<16xi32>], vector<16xf32>,
      %parallel_loop3A_216 = arith.mulf %parallel_loop3A_214, %parallel_loop3A_215 : vector<16xf32>
      %parallel_loop3A_217 = arith.constant 2.44140625E-4 : f32
      %parallel_loop3A_218 = vector.broadcast %parallel_loop3A_217 : f32 to vector<16xf32>
      %parallel_loop3A_219 = arith.mulf %parallel_loop3A_216, %parallel_loop3A_218 : vector<16xf32>
      tpu.vector_store_idx %arg23[%parallel_loop3A_211, %broadcast_in_dim3A_178], %parallel_loop3A_219 : memref<2048x8xf32, #tpu.memory_space<vmem>>[vector<16xi32>, vector<16xi32>], vector<16xf32>,
    } {sc.loop_unroll_factor = 4 : i64, sc.parallel_access}
    %broadcast_in_dim3A_182 = arith.constant 5 : i32
    %broadcast_in_dim3A_183 = vector.broadcast %broadcast_in_dim3A_182 : i32 to vector<16xi32>
    %parallel_loop3A_184 = arith.constant 0 : i32
    %parallel_loop3A_185 = arith.constant 128 : i32
    %parallel_loop3A_186 = arith.constant 1 : i32
    scf.for %parallel_loop3A_207 = %parallel_loop3A_184 to %parallel_loop3A_185 step %parallel_loop3A_186  : i32 {
      %parallel_loop3A_208 = arith.constant 16 : i32
      %parallel_loop3A_209 = arith.muli %parallel_loop3A_207, %parallel_loop3A_208 : i32
      %parallel_loop3A_210 = vector.broadcast %parallel_loop3A_209 : i32 to vector<16xi32>
      %parallel_loop3A_211 = arith.addi %parallel_loop3A_210, %iota3A : vector<16xi32>
      %parallel_loop3A_212 = tpu.vector_load_idx %arg25[%parallel_loop3A_211, %broadcast_in_dim3A_183] : memref<2048x8xf32, #tpu.memory_space<vmem>>[vector<16xi32>, vector<16xi32>], vector<16xf32>,
      %parallel_loop3A_213 = tpu.vector_load_idx %arg24[%parallel_loop3A_211, %broadcast_in_dim3A_183] : memref<2048x8xf32, #tpu.memory_space<vmem>>[vector<16xi32>, vector<16xi32>], vector<16xf32>,
      %parallel_loop3A_214 = arith.divf %parallel_loop3A_212, %parallel_loop3A_213 : vector<16xf32>
      %parallel_loop3A_215 = tpu.vector_load_idx %arg26[%parallel_loop3A_211, %broadcast_in_dim3A_183] : memref<2048x8xf32, #tpu.memory_space<vmem>>[vector<16xi32>, vector<16xi32>], vector<16xf32>,
      %parallel_loop3A_216 = arith.mulf %parallel_loop3A_214, %parallel_loop3A_215 : vector<16xf32>
      %parallel_loop3A_217 = arith.constant 2.44140625E-4 : f32
      %parallel_loop3A_218 = vector.broadcast %parallel_loop3A_217 : f32 to vector<16xf32>
      %parallel_loop3A_219 = arith.mulf %parallel_loop3A_216, %parallel_loop3A_218 : vector<16xf32>
      tpu.vector_store_idx %arg23[%parallel_loop3A_211, %broadcast_in_dim3A_183], %parallel_loop3A_219 : memref<2048x8xf32, #tpu.memory_space<vmem>>[vector<16xi32>, vector<16xi32>], vector<16xf32>,
    } {sc.loop_unroll_factor = 4 : i64, sc.parallel_access}
    %broadcast_in_dim3A_187 = arith.constant 6 : i32
    %broadcast_in_dim3A_188 = vector.broadcast %broadcast_in_dim3A_187 : i32 to vector<16xi32>
    %parallel_loop3A_189 = arith.constant 0 : i32
    %parallel_loop3A_190 = arith.constant 128 : i32
    %parallel_loop3A_191 = arith.constant 1 : i32
    scf.for %parallel_loop3A_207 = %parallel_loop3A_189 to %parallel_loop3A_190 step %parallel_loop3A_191  : i32 {
      %parallel_loop3A_208 = arith.constant 16 : i32
      %parallel_loop3A_209 = arith.muli %parallel_loop3A_207, %parallel_loop3A_208 : i32
      %parallel_loop3A_210 = vector.broadcast %parallel_loop3A_209 : i32 to vector<16xi32>
      %parallel_loop3A_211 = arith.addi %parallel_loop3A_210, %iota3A : vector<16xi32>
      %parallel_loop3A_212 = tpu.vector_load_idx %arg25[%parallel_loop3A_211, %broadcast_in_dim3A_188] : memref<2048x8xf32, #tpu.memory_space<vmem>>[vector<16xi32>, vector<16xi32>], vector<16xf32>,
      %parallel_loop3A_213 = tpu.vector_load_idx %arg24[%parallel_loop3A_211, %broadcast_in_dim3A_188] : memref<2048x8xf32, #tpu.memory_space<vmem>>[vector<16xi32>, vector<16xi32>], vector<16xf32>,
      %parallel_loop3A_214 = arith.divf %parallel_loop3A_212, %parallel_loop3A_213 : vector<16xf32>
      %parallel_loop3A_215 = tpu.vector_load_idx %arg26[%parallel_loop3A_211, %broadcast_in_dim3A_188] : memref<2048x8xf32, #tpu.memory_space<vmem>>[vector<16xi32>, vector<16xi32>], vector<16xf32>,
      %parallel_loop3A_216 = arith.mulf %parallel_loop3A_214, %parallel_loop3A_215 : vector<16xf32>
      %parallel_loop3A_217 = arith.constant 2.44140625E-4 : f32
      %parallel_loop3A_218 = vector.broadcast %parallel_loop3A_217 : f32 to vector<16xf32>
      %parallel_loop3A_219 = arith.mulf %parallel_loop3A_216, %parallel_loop3A_218 : vector<16xf32>
      tpu.vector_store_idx %arg23[%parallel_loop3A_211, %broadcast_in_dim3A_188], %parallel_loop3A_219 : memref<2048x8xf32, #tpu.memory_space<vmem>>[vector<16xi32>, vector<16xi32>], vector<16xf32>,
    } {sc.loop_unroll_factor = 4 : i64, sc.parallel_access}
    %broadcast_in_dim3A_192 = arith.constant 7 : i32
    %broadcast_in_dim3A_193 = vector.broadcast %broadcast_in_dim3A_192 : i32 to vector<16xi32>
    %parallel_loop3A_194 = arith.constant 0 : i32
    %parallel_loop3A_195 = arith.constant 128 : i32
    %parallel_loop3A_196 = arith.constant 1 : i32
    scf.for %parallel_loop3A_207 = %parallel_loop3A_194 to %parallel_loop3A_195 step %parallel_loop3A_196  : i32 {
      %parallel_loop3A_208 = arith.constant 16 : i32
      %parallel_loop3A_209 = arith.muli %parallel_loop3A_207, %parallel_loop3A_208 : i32
      %parallel_loop3A_210 = vector.broadcast %parallel_loop3A_209 : i32 to vector<16xi32>
      %parallel_loop3A_211 = arith.addi %parallel_loop3A_210, %iota3A : vector<16xi32>
      %parallel_loop3A_212 = tpu.vector_load_idx %arg25[%parallel_loop3A_211, %broadcast_in_dim3A_193] : memref<2048x8xf32, #tpu.memory_space<vmem>>[vector<16xi32>, vector<16xi32>], vector<16xf32>,
      %parallel_loop3A_213 = tpu.vector_load_idx %arg24[%parallel_loop3A_211, %broadcast_in_dim3A_193] : memref<2048x8xf32, #tpu.memory_space<vmem>>[vector<16xi32>, vector<16xi32>], vector<16xf32>,
      %parallel_loop3A_214 = arith.divf %parallel_loop3A_212, %parallel_loop3A_213 : vector<16xf32>
      %parallel_loop3A_215 = tpu.vector_load_idx %arg26[%parallel_loop3A_211, %broadcast_in_dim3A_193] : memref<2048x8xf32, #tpu.memory_space<vmem>>[vector<16xi32>, vector<16xi32>], vector<16xf32>,
      %parallel_loop3A_216 = arith.mulf %parallel_loop3A_214, %parallel_loop3A_215 : vector<16xf32>
      %parallel_loop3A_217 = arith.constant 2.44140625E-4 : f32
      %parallel_loop3A_218 = vector.broadcast %parallel_loop3A_217 : f32 to vector<16xf32>
      %parallel_loop3A_219 = arith.mulf %parallel_loop3A_216, %parallel_loop3A_218 : vector<16xf32>
      tpu.vector_store_idx %arg23[%parallel_loop3A_211, %broadcast_in_dim3A_193], %parallel_loop3A_219 : memref<2048x8xf32, #tpu.memory_space<vmem>>[vector<16xi32>, vector<16xi32>], vector<16xf32>,
    } {sc.loop_unroll_factor = 4 : i64, sc.parallel_access}
    "tpu.region"() ({
      %run_scoped3A = tpu.sem_alloc : memref<!tpu.dma_semaphore, #tpu.memory_space<semaphore_mem>>
      %dma_start3A_207 = arith.constant 0 : i32
      %dma_start3A_208 = arith.constant 0 : i32
      %dma_start3A_209 = tpu.memref_slice %arg13[%dma_start3A_207, %dma_start3A_208] : memref<10240x8xf32, #tpu.memory_space<vmem_shared>> -> memref<10240x8xf32, #tpu.memory_space<vmem_shared>>
      tpu.enqueue_indirect_dma source(%arg23 : memref<2048x8xf32, #tpu.memory_space<vmem>>) target(%dma_start3A_209 : memref<10240x8xf32, #tpu.memory_space<vmem_shared>>) offsets(%arg18 : memref<2048xi32, #tpu.memory_space<vmem>>) semaphore(%run_scoped3A : memref<!tpu.dma_semaphore, #tpu.memory_space<semaphore_mem>>) {add = true}
      %dma_wait3A_210 = arith.constant 0 : i32
      %dma_wait3A_211 = arith.constant 0 : i32
      %dma_wait3A_212 = tpu.memref_slice %arg13[%dma_wait3A_210, %dma_wait3A_211] : memref<10240x8xf32, #tpu.memory_space<vmem_shared>> -> memref<10240x8xf32, #tpu.memory_space<vmem_shared>>
      tpu.wait_indirect_dma semaphore(%run_scoped3A : memref<!tpu.dma_semaphore, #tpu.memory_space<semaphore_mem>>) src(%arg23 : memref<2048x8xf32, #tpu.memory_space<vmem>>) dst(%dma_wait3A_212 : memref<10240x8xf32, #tpu.memory_space<vmem_shared>>)
      tpu.yield
    }) : () -> ()
    "tpu.region"() ({
      %run_scoped3A = tpu.sem_alloc : memref<!tpu.dma_semaphore, #tpu.memory_space<semaphore_mem>>
      %dma_start3A_207 = arith.constant 0 : i32
      %dma_start3A_208 = arith.constant 0 : i32
      %dma_start3A_209 = tpu.memref_slice %arg15[%dma_start3A_207, %dma_start3A_208] : memref<136x8xf32, #tpu.memory_space<vmem_shared>> -> memref<136x8xf32, #tpu.memory_space<vmem_shared>>
      tpu.enqueue_indirect_dma source(%arg23 : memref<2048x8xf32, #tpu.memory_space<vmem>>) target(%dma_start3A_209 : memref<136x8xf32, #tpu.memory_space<vmem_shared>>) offsets(%arg16 : memref<2048xi32, #tpu.memory_space<vmem>>) semaphore(%run_scoped3A : memref<!tpu.dma_semaphore, #tpu.memory_space<semaphore_mem>>) {add = true}
      %dma_wait3A_210 = arith.constant 0 : i32
      %dma_wait3A_211 = arith.constant 0 : i32
      %dma_wait3A_212 = tpu.memref_slice %arg15[%dma_wait3A_210, %dma_wait3A_211] : memref<136x8xf32, #tpu.memory_space<vmem_shared>> -> memref<136x8xf32, #tpu.memory_space<vmem_shared>>
      tpu.wait_indirect_dma semaphore(%run_scoped3A : memref<!tpu.dma_semaphore, #tpu.memory_space<semaphore_mem>>) src(%arg23 : memref<2048x8xf32, #tpu.memory_space<vmem>>) dst(%dma_wait3A_212 : memref<136x8xf32, #tpu.memory_space<vmem_shared>>)
      tpu.yield
    }) : () -> ()
    %barrier3A_197 = arith.constant 0 : index
    tpu.barrier barrier_id(%barrier3A_197)
    %mul3A_198 = arith.constant 640 : i32
    %mul3A_199 = arith.muli %arg1, %mul3A_198 : i32
    %mul3A_200 = arith.constant 640 : i32
    %mul3A_201 = arith.muli %arg1, %mul3A_200 : i32
    "tpu.region"() ({
      %run_scoped3A = tpu.sem_alloc : memref<!tpu.dma_semaphore, #tpu.memory_space<semaphore_mem>>
      %dma_start3A_207 = arith.constant 0 : i32
      %dma_start3A_208 = arith.constant 0 : i32
      %dma_start3A_209 = tpu.memref_slice %arg11[%arg0, %dma_start3A_207, %dma_start3A_208] : memref<2x10240x8xf32, #tpu.memory_space<hbm>> -> memref<1x10240x8xf32, #tpu.memory_space<hbm>>
      %dma_start3A_210 = tpu.memref_squeeze %dma_start3A_209 : memref<1x10240x8xf32, #tpu.memory_space<hbm>> -> memref<10240x8xf32, #tpu.memory_space<hbm>>
      %dma_start3A_211 = arith.constant 0 : i32
      %dma_start3A_212 = tpu.memref_slice %dma_start3A_210[%mul3A_201, %dma_start3A_211] : memref<10240x8xf32, #tpu.memory_space<hbm>> -> memref<640x8xf32, #tpu.memory_space<hbm>>
      %dma_start3A_213 = arith.constant 0 : i32
      %dma_start3A_214 = tpu.memref_slice %arg13[%mul3A_199, %dma_start3A_213] : memref<10240x8xf32, #tpu.memory_space<vmem_shared>> -> memref<640x8xf32, #tpu.memory_space<vmem_shared>>
      tpu.enqueue_dma source(%dma_start3A_214 : memref<640x8xf32, #tpu.memory_space<vmem_shared>>) target(%dma_start3A_212 : memref<640x8xf32, #tpu.memory_space<hbm>>) target_semaphore(%run_scoped3A : memref<!tpu.dma_semaphore, #tpu.memory_space<semaphore_mem>>)
      %dma_wait3A_215 = arith.constant 0 : i32
      %dma_wait3A_216 = arith.constant 0 : i32
      %dma_wait3A_217 = tpu.memref_slice %arg11[%arg0, %dma_wait3A_215, %dma_wait3A_216] : memref<2x10240x8xf32, #tpu.memory_space<hbm>> -> memref<1x10240x8xf32, #tpu.memory_space<hbm>>
      %dma_wait3A_218 = tpu.memref_squeeze %dma_wait3A_217 : memref<1x10240x8xf32, #tpu.memory_space<hbm>> -> memref<10240x8xf32, #tpu.memory_space<hbm>>
      %dma_wait3A_219 = arith.constant 0 : i32
      %dma_wait3A_220 = tpu.memref_slice %dma_wait3A_218[%mul3A_201, %dma_wait3A_219] : memref<10240x8xf32, #tpu.memory_space<hbm>> -> memref<640x8xf32, #tpu.memory_space<hbm>>
      %dma_wait3A_221 = arith.constant 0 : i32
      %dma_wait3A_222 = tpu.memref_slice %arg13[%mul3A_199, %dma_wait3A_221] : memref<10240x8xf32, #tpu.memory_space<vmem_shared>> -> memref<640x8xf32, #tpu.memory_space<vmem_shared>>
      tpu.wait_dma2 semaphore(%run_scoped3A : memref<!tpu.dma_semaphore, #tpu.memory_space<semaphore_mem>>) src(%dma_wait3A_222 : memref<640x8xf32, #tpu.memory_space<vmem_shared>>) dst(%dma_wait3A_220 : memref<640x8xf32, #tpu.memory_space<hbm>>)
      tpu.yield
    }) : () -> ()
    %eq3A_202 = arith.constant 0 : i32
    %eq3A_203 = arith.cmpi eq, %arg1, %eq3A_202 : i32
    %convert_element_type3A_204 = arith.extui %eq3A_203 : i1 to i32
    %cond3A_205 = arith.constant 0 : i32
    %cond3A_206 = arith.cmpi ne, %convert_element_type3A_204, %cond3A_205 : i32
    scf.if %cond3A_206 {
      "tpu.region"() ({
        %run_scoped3A = tpu.sem_alloc : memref<!tpu.dma_semaphore, #tpu.memory_space<semaphore_mem>>
        %dma_start3A_207 = arith.constant 0 : i32
        %dma_start3A_208 = arith.constant 0 : i32
        %dma_start3A_209 = tpu.memref_slice %arg12[%arg0, %dma_start3A_207, %dma_start3A_208] : memref<2x136x8xf32, #tpu.memory_space<hbm>> -> memref<1x136x8xf32, #tpu.memory_space<hbm>>
        %dma_start3A_210 = tpu.memref_squeeze %dma_start3A_209 : memref<1x136x8xf32, #tpu.memory_space<hbm>> -> memref<136x8xf32, #tpu.memory_space<hbm>>
        tpu.enqueue_dma source(%arg15 : memref<136x8xf32, #tpu.memory_space<vmem_shared>>) target(%dma_start3A_210 : memref<136x8xf32, #tpu.memory_space<hbm>>) target_semaphore(%run_scoped3A : memref<!tpu.dma_semaphore, #tpu.memory_space<semaphore_mem>>)
        %dma_wait3A_211 = arith.constant 0 : i32
        %dma_wait3A_212 = arith.constant 0 : i32
        %dma_wait3A_213 = tpu.memref_slice %arg12[%arg0, %dma_wait3A_211, %dma_wait3A_212] : memref<2x136x8xf32, #tpu.memory_space<hbm>> -> memref<1x136x8xf32, #tpu.memory_space<hbm>>
        %dma_wait3A_214 = tpu.memref_squeeze %dma_wait3A_213 : memref<1x136x8xf32, #tpu.memory_space<hbm>> -> memref<136x8xf32, #tpu.memory_space<hbm>>
        tpu.wait_dma2 semaphore(%run_scoped3A : memref<!tpu.dma_semaphore, #tpu.memory_space<semaphore_mem>>) src(%arg15 : memref<136x8xf32, #tpu.memory_space<vmem_shared>>) dst(%dma_wait3A_214 : memref<136x8xf32, #tpu.memory_space<hbm>>)
        tpu.yield
      }) : () -> ()
    } else {
    }
    return
  }
}

module attributes {stable_mosaic.version = 14 : i64} {
  func.func @_dense1_body(%arg0: i32, %arg1: memref<4x1000x256xf32, #tpu.memory_space<vmem>>, %arg2: memref<256x64xf32, #tpu.memory_space<vmem>>, %arg3: memref<1x64xf32, #tpu.memory_space<vmem>>, %arg4: memref<1024x16xf32, #tpu.memory_space<vmem>>, %arg5: memref<1x16xf32, #tpu.memory_space<vmem>>, %arg6: memref<4x1000x64xf32, #tpu.memory_space<vmem>>, %arg7: memref<2x1000x8xf32, #tpu.memory_space<vmem>>) attributes {dimension_semantics = [#tpu.dimension_semantics<arbitrary>], iteration_bounds = array<i64: 10>, scalar_prefetch = 0 : i64, scratch_operands = 0 : i64, tpu.core_type = #tpu.core_type<tc>, window_params = [{transform_indices = @transform_0, window_bounds = array<i64: 4, 1000, 256>}, {pipeline_mode = #tpu.pipeline_mode<synchronous>, transform_indices = @transform_1, window_bounds = array<i64: 256, 64>}, {pipeline_mode = #tpu.pipeline_mode<synchronous>, transform_indices = @transform_2, window_bounds = array<i64: 1, 64>}, {pipeline_mode = #tpu.pipeline_mode<synchronous>, transform_indices = @transform_3, window_bounds = array<i64: 1024, 16>}, {pipeline_mode = #tpu.pipeline_mode<synchronous>, transform_indices = @transform_4, window_bounds = array<i64: 1, 16>}, {transform_indices = @transform_5, window_bounds = array<i64: 4, 1000, 64>}, {transform_indices = @transform_6, window_bounds = array<i64: 2, 1000, 8>}]} {
    %get3A = arith.constant 0 : index
    %get3A_0 = arith.constant 0 : index
    %get3A_1 = arith.constant 0 : index
    %get3A_2 = vector.load %arg1[%get3A, %get3A_0, %get3A_1] : memref<4x1000x256xf32, #tpu.memory_space<vmem>>, vector<1x1000x256xf32>
    %get3A_3 = vector.shape_cast %get3A_2 : vector<1x1000x256xf32> to vector<1000x256xf32>
    %reduce_sum3A = arith.constant dense<0.000000e+00> : vector<1000xf32>
    %reduce_sum3A_4 = vector.multi_reduction <add>, %get3A_3, %reduce_sum3A [1] : vector<1000x256xf32> to vector<1000xf32>
    %broadcast_in_dim3A = vector.shape_cast %reduce_sum3A_4 : vector<1000xf32> to vector<1000x1xf32>
    %div3A = arith.constant 2.560000e+02 : f32
    %div3A_5 = vector.broadcast %div3A : f32 to vector<1000x1xf32>
    %div3A_6 = arith.divf %broadcast_in_dim3A, %div3A_5 : vector<1000x1xf32>
    %sub3A = vector.broadcast %div3A_6 : vector<1000x1xf32> to vector<1000x256xf32>
    %sub3A_7 = arith.subf %get3A_3, %sub3A : vector<1000x256xf32>
    %mul3A = arith.mulf %sub3A_7, %sub3A_7 : vector<1000x256xf32>
    %reduce_sum3A_8 = arith.constant dense<0.000000e+00> : vector<1000xf32>
    %reduce_sum3A_9 = vector.multi_reduction <add>, %mul3A, %reduce_sum3A_8 [1] : vector<1000x256xf32> to vector<1000xf32>
    %broadcast_in_dim3A_10 = vector.shape_cast %reduce_sum3A_9 : vector<1000xf32> to vector<1000x1xf32>
    %div3A_11 = arith.constant 2.560000e+02 : f32
    %div3A_12 = vector.broadcast %div3A_11 : f32 to vector<1000x1xf32>
    %div3A_13 = arith.divf %broadcast_in_dim3A_10, %div3A_12 : vector<1000x1xf32>
    %add3A = arith.constant 9.99999974E-6 : f32
    %add3A_14 = vector.broadcast %add3A : f32 to vector<1000x1xf32>
    %add3A_15 = arith.addf %div3A_13, %add3A_14 : vector<1000x1xf32>
    %rsqrt3A = math.rsqrt %add3A_15 : vector<1000x1xf32>
    %mul3A_16 = vector.broadcast %rsqrt3A : vector<1000x1xf32> to vector<1000x256xf32>
    %mul3A_17 = arith.mulf %sub3A_7, %mul3A_16 : vector<1000x256xf32>
    %get3A_18 = arith.constant 0 : index
    %get3A_19 = arith.constant 0 : index
    %get3A_20 = vector.load %arg2[%get3A_18, %get3A_19] : memref<256x64xf32, #tpu.memory_space<vmem>>, vector<256x64xf32>
    %dot_general3A = arith.constant dense<0.000000e+00> : vector<1000x64xf32>
    %dot_general3A_21 = tpu.matmul %mul3A_17, %get3A_20, %dot_general3A {dimension_numbers = #tpu.dot_dimension_numbers<[1], [0], [0], [1], [0, 0, 1, 1], [], []>, transpose_lhs_hint = false} : vector<1000x256xf32>, vector<256x64xf32>, vector<1000x64xf32> -> vector<1000x64xf32>
    %get3A_22 = arith.constant 0 : index
    %get3A_23 = arith.constant 0 : index
    %get3A_24 = vector.load %arg3[%get3A_22, %get3A_23] : memref<1x64xf32, #tpu.memory_space<vmem>>, vector<1x64xf32>
    %add3A_25 = vector.broadcast %get3A_24 : vector<1x64xf32> to vector<1000x64xf32>
    %add3A_26 = arith.addf %dot_general3A_21, %add3A_25 : vector<1000x64xf32>
    %swap3A = arith.constant 0 : index
    %swap3A_27 = arith.constant 0 : index
    %swap3A_28 = arith.constant 0 : index
    %swap3A_29 = vector.load %arg6[%swap3A, %swap3A_27, %swap3A_28] : memref<4x1000x64xf32, #tpu.memory_space<vmem>>, vector<1x1000x64xf32>
    %swap3A_30 = vector.shape_cast %swap3A_29 : vector<1x1000x64xf32> to vector<1000x64xf32>
    %swap3A_31 = vector.shape_cast %add3A_26 : vector<1000x64xf32> to vector<1x1000x64xf32>
    tpu.vector_store %arg6[%swap3A, %swap3A_27, %swap3A_28], %swap3A_31 {strides = array<i32>} : memref<4x1000x64xf32, #tpu.memory_space<vmem>>, vector<1x1000x64xf32>,
    %get3A_32 = arith.constant 1 : index
    %get3A_33 = arith.constant 0 : index
    %get3A_34 = arith.constant 0 : index
    %get3A_35 = vector.load %arg1[%get3A_32, %get3A_33, %get3A_34] : memref<4x1000x256xf32, #tpu.memory_space<vmem>>, vector<1x1000x256xf32>
    %get3A_36 = vector.shape_cast %get3A_35 : vector<1x1000x256xf32> to vector<1000x256xf32>
    %reduce_sum3A_37 = arith.constant dense<0.000000e+00> : vector<1000xf32>
    %reduce_sum3A_38 = vector.multi_reduction <add>, %get3A_36, %reduce_sum3A_37 [1] : vector<1000x256xf32> to vector<1000xf32>
    %broadcast_in_dim3A_39 = vector.shape_cast %reduce_sum3A_38 : vector<1000xf32> to vector<1000x1xf32>
    %div3A_40 = arith.constant 2.560000e+02 : f32
    %div3A_41 = vector.broadcast %div3A_40 : f32 to vector<1000x1xf32>
    %div3A_42 = arith.divf %broadcast_in_dim3A_39, %div3A_41 : vector<1000x1xf32>
    %sub3A_43 = vector.broadcast %div3A_42 : vector<1000x1xf32> to vector<1000x256xf32>
    %sub3A_44 = arith.subf %get3A_36, %sub3A_43 : vector<1000x256xf32>
    %mul3A_45 = arith.mulf %sub3A_44, %sub3A_44 : vector<1000x256xf32>
    %reduce_sum3A_46 = arith.constant dense<0.000000e+00> : vector<1000xf32>
    %reduce_sum3A_47 = vector.multi_reduction <add>, %mul3A_45, %reduce_sum3A_46 [1] : vector<1000x256xf32> to vector<1000xf32>
    %broadcast_in_dim3A_48 = vector.shape_cast %reduce_sum3A_47 : vector<1000xf32> to vector<1000x1xf32>
    %div3A_49 = arith.constant 2.560000e+02 : f32
    %div3A_50 = vector.broadcast %div3A_49 : f32 to vector<1000x1xf32>
    %div3A_51 = arith.divf %broadcast_in_dim3A_48, %div3A_50 : vector<1000x1xf32>
    %add3A_52 = arith.constant 9.99999974E-6 : f32
    %add3A_53 = vector.broadcast %add3A_52 : f32 to vector<1000x1xf32>
    %add3A_54 = arith.addf %div3A_51, %add3A_53 : vector<1000x1xf32>
    %rsqrt3A_55 = math.rsqrt %add3A_54 : vector<1000x1xf32>
    %mul3A_56 = vector.broadcast %rsqrt3A_55 : vector<1000x1xf32> to vector<1000x256xf32>
    %mul3A_57 = arith.mulf %sub3A_44, %mul3A_56 : vector<1000x256xf32>
    %get3A_58 = arith.constant 0 : index
    %get3A_59 = arith.constant 0 : index
    %get3A_60 = vector.load %arg2[%get3A_58, %get3A_59] : memref<256x64xf32, #tpu.memory_space<vmem>>, vector<256x64xf32>
    %dot_general3A_61 = arith.constant dense<0.000000e+00> : vector<1000x64xf32>
    %dot_general3A_62 = tpu.matmul %mul3A_57, %get3A_60, %dot_general3A_61 {dimension_numbers = #tpu.dot_dimension_numbers<[1], [0], [0], [1], [0, 0, 1, 1], [], []>, transpose_lhs_hint = false} : vector<1000x256xf32>, vector<256x64xf32>, vector<1000x64xf32> -> vector<1000x64xf32>
    %get3A_63 = arith.constant 0 : index
    %get3A_64 = arith.constant 0 : index
    %get3A_65 = vector.load %arg3[%get3A_63, %get3A_64] : memref<1x64xf32, #tpu.memory_space<vmem>>, vector<1x64xf32>
    %add3A_66 = vector.broadcast %get3A_65 : vector<1x64xf32> to vector<1000x64xf32>
    %add3A_67 = arith.addf %dot_general3A_62, %add3A_66 : vector<1000x64xf32>
    %swap3A_68 = arith.constant 1 : index
    %swap3A_69 = arith.constant 0 : index
    %swap3A_70 = arith.constant 0 : index
    %swap3A_71 = vector.load %arg6[%swap3A_68, %swap3A_69, %swap3A_70] : memref<4x1000x64xf32, #tpu.memory_space<vmem>>, vector<1x1000x64xf32>
    %swap3A_72 = vector.shape_cast %swap3A_71 : vector<1x1000x64xf32> to vector<1000x64xf32>
    %swap3A_73 = vector.shape_cast %add3A_67 : vector<1000x64xf32> to vector<1x1000x64xf32>
    tpu.vector_store %arg6[%swap3A_68, %swap3A_69, %swap3A_70], %swap3A_73 {strides = array<i32>} : memref<4x1000x64xf32, #tpu.memory_space<vmem>>, vector<1x1000x64xf32>,
    %get3A_74 = arith.constant 2 : index
    %get3A_75 = arith.constant 0 : index
    %get3A_76 = arith.constant 0 : index
    %get3A_77 = vector.load %arg1[%get3A_74, %get3A_75, %get3A_76] : memref<4x1000x256xf32, #tpu.memory_space<vmem>>, vector<1x1000x256xf32>
    %get3A_78 = vector.shape_cast %get3A_77 : vector<1x1000x256xf32> to vector<1000x256xf32>
    %reduce_sum3A_79 = arith.constant dense<0.000000e+00> : vector<1000xf32>
    %reduce_sum3A_80 = vector.multi_reduction <add>, %get3A_78, %reduce_sum3A_79 [1] : vector<1000x256xf32> to vector<1000xf32>
    %broadcast_in_dim3A_81 = vector.shape_cast %reduce_sum3A_80 : vector<1000xf32> to vector<1000x1xf32>
    %div3A_82 = arith.constant 2.560000e+02 : f32
    %div3A_83 = vector.broadcast %div3A_82 : f32 to vector<1000x1xf32>
    %div3A_84 = arith.divf %broadcast_in_dim3A_81, %div3A_83 : vector<1000x1xf32>
    %sub3A_85 = vector.broadcast %div3A_84 : vector<1000x1xf32> to vector<1000x256xf32>
    %sub3A_86 = arith.subf %get3A_78, %sub3A_85 : vector<1000x256xf32>
    %mul3A_87 = arith.mulf %sub3A_86, %sub3A_86 : vector<1000x256xf32>
    %reduce_sum3A_88 = arith.constant dense<0.000000e+00> : vector<1000xf32>
    %reduce_sum3A_89 = vector.multi_reduction <add>, %mul3A_87, %reduce_sum3A_88 [1] : vector<1000x256xf32> to vector<1000xf32>
    %broadcast_in_dim3A_90 = vector.shape_cast %reduce_sum3A_89 : vector<1000xf32> to vector<1000x1xf32>
    %div3A_91 = arith.constant 2.560000e+02 : f32
    %div3A_92 = vector.broadcast %div3A_91 : f32 to vector<1000x1xf32>
    %div3A_93 = arith.divf %broadcast_in_dim3A_90, %div3A_92 : vector<1000x1xf32>
    %add3A_94 = arith.constant 9.99999974E-6 : f32
    %add3A_95 = vector.broadcast %add3A_94 : f32 to vector<1000x1xf32>
    %add3A_96 = arith.addf %div3A_93, %add3A_95 : vector<1000x1xf32>
    %rsqrt3A_97 = math.rsqrt %add3A_96 : vector<1000x1xf32>
    %mul3A_98 = vector.broadcast %rsqrt3A_97 : vector<1000x1xf32> to vector<1000x256xf32>
    %mul3A_99 = arith.mulf %sub3A_86, %mul3A_98 : vector<1000x256xf32>
    %get3A_100 = arith.constant 0 : index
    %get3A_101 = arith.constant 0 : index
    %get3A_102 = vector.load %arg2[%get3A_100, %get3A_101] : memref<256x64xf32, #tpu.memory_space<vmem>>, vector<256x64xf32>
    %dot_general3A_103 = arith.constant dense<0.000000e+00> : vector<1000x64xf32>
    %dot_general3A_104 = tpu.matmul %mul3A_99, %get3A_102, %dot_general3A_103 {dimension_numbers = #tpu.dot_dimension_numbers<[1], [0], [0], [1], [0, 0, 1, 1], [], []>, transpose_lhs_hint = false} : vector<1000x256xf32>, vector<256x64xf32>, vector<1000x64xf32> -> vector<1000x64xf32>
    %get3A_105 = arith.constant 0 : index
    %get3A_106 = arith.constant 0 : index
    %get3A_107 = vector.load %arg3[%get3A_105, %get3A_106] : memref<1x64xf32, #tpu.memory_space<vmem>>, vector<1x64xf32>
    %add3A_108 = vector.broadcast %get3A_107 : vector<1x64xf32> to vector<1000x64xf32>
    %add3A_109 = arith.addf %dot_general3A_104, %add3A_108 : vector<1000x64xf32>
    %swap3A_110 = arith.constant 2 : index
    %swap3A_111 = arith.constant 0 : index
    %swap3A_112 = arith.constant 0 : index
    %swap3A_113 = vector.load %arg6[%swap3A_110, %swap3A_111, %swap3A_112] : memref<4x1000x64xf32, #tpu.memory_space<vmem>>, vector<1x1000x64xf32>
    %swap3A_114 = vector.shape_cast %swap3A_113 : vector<1x1000x64xf32> to vector<1000x64xf32>
    %swap3A_115 = vector.shape_cast %add3A_109 : vector<1000x64xf32> to vector<1x1000x64xf32>
    tpu.vector_store %arg6[%swap3A_110, %swap3A_111, %swap3A_112], %swap3A_115 {strides = array<i32>} : memref<4x1000x64xf32, #tpu.memory_space<vmem>>, vector<1x1000x64xf32>,
    %get3A_116 = arith.constant 3 : index
    %get3A_117 = arith.constant 0 : index
    %get3A_118 = arith.constant 0 : index
    %get3A_119 = vector.load %arg1[%get3A_116, %get3A_117, %get3A_118] : memref<4x1000x256xf32, #tpu.memory_space<vmem>>, vector<1x1000x256xf32>
    %get3A_120 = vector.shape_cast %get3A_119 : vector<1x1000x256xf32> to vector<1000x256xf32>
    %reduce_sum3A_121 = arith.constant dense<0.000000e+00> : vector<1000xf32>
    %reduce_sum3A_122 = vector.multi_reduction <add>, %get3A_120, %reduce_sum3A_121 [1] : vector<1000x256xf32> to vector<1000xf32>
    %broadcast_in_dim3A_123 = vector.shape_cast %reduce_sum3A_122 : vector<1000xf32> to vector<1000x1xf32>
    %div3A_124 = arith.constant 2.560000e+02 : f32
    %div3A_125 = vector.broadcast %div3A_124 : f32 to vector<1000x1xf32>
    %div3A_126 = arith.divf %broadcast_in_dim3A_123, %div3A_125 : vector<1000x1xf32>
    %sub3A_127 = vector.broadcast %div3A_126 : vector<1000x1xf32> to vector<1000x256xf32>
    %sub3A_128 = arith.subf %get3A_120, %sub3A_127 : vector<1000x256xf32>
    %mul3A_129 = arith.mulf %sub3A_128, %sub3A_128 : vector<1000x256xf32>
    %reduce_sum3A_130 = arith.constant dense<0.000000e+00> : vector<1000xf32>
    %reduce_sum3A_131 = vector.multi_reduction <add>, %mul3A_129, %reduce_sum3A_130 [1] : vector<1000x256xf32> to vector<1000xf32>
    %broadcast_in_dim3A_132 = vector.shape_cast %reduce_sum3A_131 : vector<1000xf32> to vector<1000x1xf32>
    %div3A_133 = arith.constant 2.560000e+02 : f32
    %div3A_134 = vector.broadcast %div3A_133 : f32 to vector<1000x1xf32>
    %div3A_135 = arith.divf %broadcast_in_dim3A_132, %div3A_134 : vector<1000x1xf32>
    %add3A_136 = arith.constant 9.99999974E-6 : f32
    %add3A_137 = vector.broadcast %add3A_136 : f32 to vector<1000x1xf32>
    %add3A_138 = arith.addf %div3A_135, %add3A_137 : vector<1000x1xf32>
    %rsqrt3A_139 = math.rsqrt %add3A_138 : vector<1000x1xf32>
    %mul3A_140 = vector.broadcast %rsqrt3A_139 : vector<1000x1xf32> to vector<1000x256xf32>
    %mul3A_141 = arith.mulf %sub3A_128, %mul3A_140 : vector<1000x256xf32>
    %get3A_142 = arith.constant 0 : index
    %get3A_143 = arith.constant 0 : index
    %get3A_144 = vector.load %arg2[%get3A_142, %get3A_143] : memref<256x64xf32, #tpu.memory_space<vmem>>, vector<256x64xf32>
    %dot_general3A_145 = arith.constant dense<0.000000e+00> : vector<1000x64xf32>
    %dot_general3A_146 = tpu.matmul %mul3A_141, %get3A_144, %dot_general3A_145 {dimension_numbers = #tpu.dot_dimension_numbers<[1], [0], [0], [1], [0, 0, 1, 1], [], []>, transpose_lhs_hint = false} : vector<1000x256xf32>, vector<256x64xf32>, vector<1000x64xf32> -> vector<1000x64xf32>
    %get3A_147 = arith.constant 0 : index
    %get3A_148 = arith.constant 0 : index
    %get3A_149 = vector.load %arg3[%get3A_147, %get3A_148] : memref<1x64xf32, #tpu.memory_space<vmem>>, vector<1x64xf32>
    %add3A_150 = vector.broadcast %get3A_149 : vector<1x64xf32> to vector<1000x64xf32>
    %add3A_151 = arith.addf %dot_general3A_146, %add3A_150 : vector<1000x64xf32>
    %swap3A_152 = arith.constant 3 : index
    %swap3A_153 = arith.constant 0 : index
    %swap3A_154 = arith.constant 0 : index
    %swap3A_155 = vector.load %arg6[%swap3A_152, %swap3A_153, %swap3A_154] : memref<4x1000x64xf32, #tpu.memory_space<vmem>>, vector<1x1000x64xf32>
    %swap3A_156 = vector.shape_cast %swap3A_155 : vector<1x1000x64xf32> to vector<1000x64xf32>
    %swap3A_157 = vector.shape_cast %add3A_151 : vector<1000x64xf32> to vector<1x1000x64xf32>
    tpu.vector_store %arg6[%swap3A_152, %swap3A_153, %swap3A_154], %swap3A_157 {strides = array<i32>} : memref<4x1000x64xf32, #tpu.memory_space<vmem>>, vector<1x1000x64xf32>,
    %concatenate3A = tpu.concatenate %mul3A_17, %mul3A_57, %mul3A_99, %mul3A_141 in 1 : vector<1000x256xf32>, vector<1000x256xf32>, vector<1000x256xf32>, vector<1000x256xf32> -> vector<1000x1024xf32>
    %get3A_158 = arith.constant 0 : index
    %get3A_159 = arith.constant 0 : index
    %get3A_160 = vector.load %arg4[%get3A_158, %get3A_159] : memref<1024x16xf32, #tpu.memory_space<vmem>>, vector<1024x16xf32>
    %dot_general3A_161 = arith.constant dense<0.000000e+00> : vector<1000x16xf32>
    %dot_general3A_162 = tpu.matmul %concatenate3A, %get3A_160, %dot_general3A_161 {dimension_numbers = #tpu.dot_dimension_numbers<[1], [0], [0], [1], [0, 0, 1, 1], [], []>, transpose_lhs_hint = false} : vector<1000x1024xf32>, vector<1024x16xf32>, vector<1000x16xf32> -> vector<1000x16xf32>
    %get3A_163 = arith.constant 0 : index
    %get3A_164 = arith.constant 0 : index
    %get3A_165 = vector.load %arg5[%get3A_163, %get3A_164] : memref<1x16xf32, #tpu.memory_space<vmem>>, vector<1x16xf32>
    %add3A_166 = vector.broadcast %get3A_165 : vector<1x16xf32> to vector<1000x16xf32>
    %add3A_167 = arith.addf %dot_general3A_162, %add3A_166 : vector<1000x16xf32>
    %slice3A = vector.extract_strided_slice %add3A_167 {offsets = [0, 0], sizes = [1000, 8], strides = [1, 1]} : vector<1000x16xf32> to vector<1000x8xf32>
    %swap3A_168 = arith.constant 0 : index
    %swap3A_169 = arith.constant 0 : index
    %swap3A_170 = arith.constant 0 : index
    %swap3A_171 = vector.load %arg7[%swap3A_168, %swap3A_169, %swap3A_170] : memref<2x1000x8xf32, #tpu.memory_space<vmem>>, vector<1x1000x8xf32>
    %swap3A_172 = vector.shape_cast %swap3A_171 : vector<1x1000x8xf32> to vector<1000x8xf32>
    %swap3A_173 = vector.shape_cast %slice3A : vector<1000x8xf32> to vector<1x1000x8xf32>
    tpu.vector_store %arg7[%swap3A_168, %swap3A_169, %swap3A_170], %swap3A_173 {strides = array<i32>} : memref<2x1000x8xf32, #tpu.memory_space<vmem>>, vector<1x1000x8xf32>,
    %slice3A_174 = vector.extract_strided_slice %add3A_167 {offsets = [0, 8], sizes = [1000, 8], strides = [1, 1]} : vector<1000x16xf32> to vector<1000x8xf32>
    %swap3A_175 = arith.constant 1 : index
    %swap3A_176 = arith.constant 0 : index
    %swap3A_177 = arith.constant 0 : index
    %swap3A_178 = vector.load %arg7[%swap3A_175, %swap3A_176, %swap3A_177] : memref<2x1000x8xf32, #tpu.memory_space<vmem>>, vector<1x1000x8xf32>
    %swap3A_179 = vector.shape_cast %swap3A_178 : vector<1x1000x8xf32> to vector<1000x8xf32>
    %swap3A_180 = vector.shape_cast %slice3A_174 : vector<1000x8xf32> to vector<1x1000x8xf32>
    tpu.vector_store %arg7[%swap3A_175, %swap3A_176, %swap3A_177], %swap3A_180 {strides = array<i32>} : memref<2x1000x8xf32, #tpu.memory_space<vmem>>, vector<1x1000x8xf32>,
    return
  }
  func.func @transform_0(%arg0: i32) -> (i32, i32, i32) {
    %c0_i32 = arith.constant 0 : i32
    %c0_i32_0 = arith.constant 0 : i32
    %c0_i32_1 = arith.constant 0 : i32
    return %c0_i32, %arg0, %c0_i32_0 : i32, i32, i32
  }
  func.func @transform_1(%arg0: i32) -> (i32, i32) {
    %c0_i32 = arith.constant 0 : i32
    %c0_i32_0 = arith.constant 0 : i32
    %c0_i32_1 = arith.constant 0 : i32
    return %c0_i32, %c0_i32_0 : i32, i32
  }
  func.func @transform_2(%arg0: i32) -> (i32, i32) {
    %c0_i32 = arith.constant 0 : i32
    %c0_i32_0 = arith.constant 0 : i32
    %c0_i32_1 = arith.constant 0 : i32
    return %c0_i32, %c0_i32_0 : i32, i32
  }
  func.func @transform_3(%arg0: i32) -> (i32, i32) {
    %c0_i32 = arith.constant 0 : i32
    %c0_i32_0 = arith.constant 0 : i32
    %c0_i32_1 = arith.constant 0 : i32
    return %c0_i32, %c0_i32_0 : i32, i32
  }
  func.func @transform_4(%arg0: i32) -> (i32, i32) {
    %c0_i32 = arith.constant 0 : i32
    %c0_i32_0 = arith.constant 0 : i32
    %c0_i32_1 = arith.constant 0 : i32
    return %c0_i32, %c0_i32_0 : i32, i32
  }
  func.func @transform_5(%arg0: i32) -> (i32, i32, i32) {
    %c0_i32 = arith.constant 0 : i32
    %c0_i32_0 = arith.constant 0 : i32
    %c0_i32_1 = arith.constant 0 : i32
    return %c0_i32, %arg0, %c0_i32_0 : i32, i32, i32
  }
  func.func @transform_6(%arg0: i32) -> (i32, i32, i32) {
    %c0_i32 = arith.constant 0 : i32
    %c0_i32_0 = arith.constant 0 : i32
    %c0_i32_1 = arith.constant 0 : i32
    return %c0_i32, %arg0, %c0_i32_0 : i32, i32, i32
  }
}

module attributes {stable_mosaic.version = 14 : i64} {
  func.func @_dense3_body(%arg0: i32, %arg1: i32, %arg2: memref<1x1000x8xf32, #tpu.memory_space<vmem>>, %arg3: memref<2x1000x64xf32, #tpu.memory_space<vmem>>, %arg4: memref<1x136x8xf32, #tpu.memory_space<vmem>>, %arg5: memref<136x64xf32, #tpu.memory_space<vmem>>, %arg6: memref<1x8x64xf32, #tpu.memory_space<vmem>>) attributes {dimension_semantics = [#tpu.dimension_semantics<arbitrary>, #tpu.dimension_semantics<arbitrary>], iteration_bounds = array<i64: 2, 10>, scalar_prefetch = 0 : i64, scratch_operands = 0 : i64, tpu.core_type = #tpu.core_type<tc>, window_params = [{transform_indices = @transform_0, window_bounds = array<i64: 1, 1000, 8>}, {transform_indices = @transform_1, window_bounds = array<i64: 2, 1000, 64>}, {transform_indices = @transform_2, window_bounds = array<i64: 1, 136, 8>}, {pipeline_mode = #tpu.pipeline_mode<synchronous>, transform_indices = @transform_3, window_bounds = array<i64: 136, 64>}, {transform_indices = @transform_4, window_bounds = array<i64: 1, 8, 64>}]} {
    %get3A = arith.constant 0 : index
    %get3A_0 = arith.constant 0 : index
    %get3A_1 = arith.constant 0 : index
    %get3A_2 = vector.load %arg2[%get3A, %get3A_0, %get3A_1] : memref<1x1000x8xf32, #tpu.memory_space<vmem>>, vector<1x1000x8xf32>
    %get3A_3 = vector.shape_cast %get3A_2 : vector<1x1000x8xf32> to vector<1000x8xf32>
    %iota3A = tpu.iota {dimensions = array<i32: 1>} : vector<1000x8xi32>
    %broadcast_in_dim3A = arith.constant 0.000000e+00 : f32
    %broadcast_in_dim3A_4 = vector.broadcast %broadcast_in_dim3A : f32 to vector<8x64xf32>
    %jit3A = arith.constant 4 : i32
    %div3A = vector.broadcast %jit3A : i32 to vector<1000x8xi32>
    %div3A_5 = arith.divsi %iota3A, %div3A : vector<1000x8xi32>
    %sign3A = arith.constant 0 : i32
    %sign3A_6 = vector.broadcast %sign3A : i32 to vector<1000x8xi32>
    %sign3A_7 = arith.cmpi sgt, %iota3A, %sign3A_6 : vector<1000x8xi32>
    %sign3A_8 = arith.extui %sign3A_7 : vector<1000x8xi1> to vector<1000x8xi32>
    %sign3A_9 = arith.constant 0 : i32
    %sign3A_10 = vector.broadcast %sign3A_9 : i32 to vector<1000x8xi32>
    %sign3A_11 = arith.cmpi slt, %iota3A, %sign3A_10 : vector<1000x8xi32>
    %sign3A_12 = arith.extui %sign3A_11 : vector<1000x8xi1> to vector<1000x8xi32>
    %sign3A_13 = arith.subi %sign3A_8, %sign3A_12 : vector<1000x8xi32>
    %sign3A_14 = arith.constant 0 : i32
    %sign3A_15 = arith.cmpi sgt, %jit3A, %sign3A_14 : i32
    %sign3A_16 = arith.extui %sign3A_15 : i1 to i32
    %sign3A_17 = arith.constant 0 : i32
    %sign3A_18 = arith.cmpi slt, %jit3A, %sign3A_17 : i32
    %sign3A_19 = arith.extui %sign3A_18 : i1 to i32
    %sign3A_20 = arith.subi %sign3A_16, %sign3A_19 : i32
    %ne3A = vector.broadcast %sign3A_20 : i32 to vector<1000x8xi32>
    %ne3A_21 = arith.cmpi ne, %sign3A_13, %ne3A : vector<1000x8xi32>
    %rem3A = vector.broadcast %jit3A : i32 to vector<1000x8xi32>
    %rem3A_22 = arith.remsi %iota3A, %rem3A : vector<1000x8xi32>
    %ne3A_23 = arith.constant 0 : i32
    %ne3A_24 = vector.broadcast %ne3A_23 : i32 to vector<1000x8xi32>
    %ne3A_25 = arith.cmpi ne, %rem3A_22, %ne3A_24 : vector<1000x8xi32>
    %and3A = arith.andi %ne3A_21, %ne3A_25 : vector<1000x8xi1>
    %sub3A = arith.constant 1 : i32
    %sub3A_26 = vector.broadcast %sub3A : i32 to vector<1000x8xi32>
    %sub3A_27 = arith.subi %div3A_5, %sub3A_26 : vector<1000x8xi32>
    %select_n3A = arith.select %and3A, %sub3A_27, %div3A_5 : vector<1000x8xi1>, vector<1000x8xi32>
    %eq3A = arith.constant 0 : i32
    %eq3A_28 = vector.broadcast %eq3A : i32 to vector<1000x8xi32>
    %eq3A_29 = arith.cmpi eq, %select_n3A, %eq3A_28 : vector<1000x8xi32>
    %convert_element_type3A = arith.extui %eq3A_29 : vector<1000x8xi1> to vector<1000x8xi32>
    %convert_element_type3A_30 = arith.sitofp %convert_element_type3A : vector<1000x8xi32> to vector<1000x8xf32>
    %mul3A = arith.mulf %get3A_3, %convert_element_type3A_30 : vector<1000x8xf32>
    %get3A_31 = arith.constant 0 : index
    %get3A_32 = arith.constant 0 : index
    %get3A_33 = arith.constant 0 : index
    %get3A_34 = vector.load %arg3[%get3A_31, %get3A_32, %get3A_33] : memref<2x1000x64xf32, #tpu.memory_space<vmem>>, vector<1x1000x64xf32>
    %get3A_35 = vector.shape_cast %get3A_34 : vector<1x1000x64xf32> to vector<1000x64xf32>
    %dot_general3A = arith.constant dense<0.000000e+00> : vector<8x64xf32>
    %dot_general3A_36 = tpu.matmul %mul3A, %get3A_35, %dot_general3A {dimension_numbers = #tpu.dot_dimension_numbers<[0], [0], [1], [1], [0, 1, 1, 1], [], []>, transpose_lhs_hint = false} : vector<1000x8xf32>, vector<1000x64xf32>, vector<8x64xf32> -> vector<8x64xf32>
    %add3A = arith.addf %broadcast_in_dim3A_4, %dot_general3A_36 : vector<8x64xf32>
    %jit3A_37 = arith.constant 4 : i32
    %div3A_38 = vector.broadcast %jit3A_37 : i32 to vector<1000x8xi32>
    %div3A_39 = arith.divsi %iota3A, %div3A_38 : vector<1000x8xi32>
    %sign3A_40 = arith.constant 0 : i32
    %sign3A_41 = vector.broadcast %sign3A_40 : i32 to vector<1000x8xi32>
    %sign3A_42 = arith.cmpi sgt, %iota3A, %sign3A_41 : vector<1000x8xi32>
    %sign3A_43 = arith.extui %sign3A_42 : vector<1000x8xi1> to vector<1000x8xi32>
    %sign3A_44 = arith.constant 0 : i32
    %sign3A_45 = vector.broadcast %sign3A_44 : i32 to vector<1000x8xi32>
    %sign3A_46 = arith.cmpi slt, %iota3A, %sign3A_45 : vector<1000x8xi32>
    %sign3A_47 = arith.extui %sign3A_46 : vector<1000x8xi1> to vector<1000x8xi32>
    %sign3A_48 = arith.subi %sign3A_43, %sign3A_47 : vector<1000x8xi32>
    %sign3A_49 = arith.constant 0 : i32
    %sign3A_50 = arith.cmpi sgt, %jit3A_37, %sign3A_49 : i32
    %sign3A_51 = arith.extui %sign3A_50 : i1 to i32
    %sign3A_52 = arith.constant 0 : i32
    %sign3A_53 = arith.cmpi slt, %jit3A_37, %sign3A_52 : i32
    %sign3A_54 = arith.extui %sign3A_53 : i1 to i32
    %sign3A_55 = arith.subi %sign3A_51, %sign3A_54 : i32
    %ne3A_56 = vector.broadcast %sign3A_55 : i32 to vector<1000x8xi32>
    %ne3A_57 = arith.cmpi ne, %sign3A_48, %ne3A_56 : vector<1000x8xi32>
    %rem3A_58 = vector.broadcast %jit3A_37 : i32 to vector<1000x8xi32>
    %rem3A_59 = arith.remsi %iota3A, %rem3A_58 : vector<1000x8xi32>
    %ne3A_60 = arith.constant 0 : i32
    %ne3A_61 = vector.broadcast %ne3A_60 : i32 to vector<1000x8xi32>
    %ne3A_62 = arith.cmpi ne, %rem3A_59, %ne3A_61 : vector<1000x8xi32>
    %and3A_63 = arith.andi %ne3A_57, %ne3A_62 : vector<1000x8xi1>
    %sub3A_64 = arith.constant 1 : i32
    %sub3A_65 = vector.broadcast %sub3A_64 : i32 to vector<1000x8xi32>
    %sub3A_66 = arith.subi %div3A_39, %sub3A_65 : vector<1000x8xi32>
    %select_n3A_67 = arith.select %and3A_63, %sub3A_66, %div3A_39 : vector<1000x8xi1>, vector<1000x8xi32>
    %eq3A_68 = arith.constant 1 : i32
    %eq3A_69 = vector.broadcast %eq3A_68 : i32 to vector<1000x8xi32>
    %eq3A_70 = arith.cmpi eq, %select_n3A_67, %eq3A_69 : vector<1000x8xi32>
    %convert_element_type3A_71 = arith.extui %eq3A_70 : vector<1000x8xi1> to vector<1000x8xi32>
    %convert_element_type3A_72 = arith.sitofp %convert_element_type3A_71 : vector<1000x8xi32> to vector<1000x8xf32>
    %mul3A_73 = arith.mulf %get3A_3, %convert_element_type3A_72 : vector<1000x8xf32>
    %get3A_74 = arith.constant 1 : index
    %get3A_75 = arith.constant 0 : index
    %get3A_76 = arith.constant 0 : index
    %get3A_77 = vector.load %arg3[%get3A_74, %get3A_75, %get3A_76] : memref<2x1000x64xf32, #tpu.memory_space<vmem>>, vector<1x1000x64xf32>
    %get3A_78 = vector.shape_cast %get3A_77 : vector<1x1000x64xf32> to vector<1000x64xf32>
    %dot_general3A_79 = arith.constant dense<0.000000e+00> : vector<8x64xf32>
    %dot_general3A_80 = tpu.matmul %mul3A_73, %get3A_78, %dot_general3A_79 {dimension_numbers = #tpu.dot_dimension_numbers<[0], [0], [1], [1], [0, 1, 1, 1], [], []>, transpose_lhs_hint = false} : vector<1000x8xf32>, vector<1000x64xf32>, vector<8x64xf32> -> vector<8x64xf32>
    %add3A_81 = arith.addf %add3A, %dot_general3A_80 : vector<8x64xf32>
    %eq3A_82 = arith.constant 0 : i32
    %eq3A_83 = arith.cmpi eq, %arg1, %eq3A_82 : i32
    %convert_element_type3A_84 = arith.extui %eq3A_83 : i1 to i32
    %cond3A = arith.constant 0 : i32
    %cond3A_85 = arith.cmpi ne, %convert_element_type3A_84, %cond3A : i32
    scf.if %cond3A_85 {
      %get3A_97 = arith.constant 0 : index
      %get3A_98 = arith.constant 0 : index
      %get3A_99 = arith.constant 0 : index
      %get3A_100 = vector.load %arg4[%get3A_97, %get3A_98, %get3A_99] : memref<1x136x8xf32, #tpu.memory_space<vmem>>, vector<1x136x8xf32>
      %get3A_101 = vector.shape_cast %get3A_100 : vector<1x136x8xf32> to vector<136x8xf32>
      %get3A_102 = arith.constant 0 : index
      %get3A_103 = arith.constant 0 : index
      %get3A_104 = vector.load %arg5[%get3A_102, %get3A_103] : memref<136x64xf32, #tpu.memory_space<vmem>>, vector<136x64xf32>
      %dot_general3A_105 = arith.constant dense<0.000000e+00> : vector<8x64xf32>
      %dot_general3A_106 = tpu.matmul %get3A_101, %get3A_104, %dot_general3A_105 {dimension_numbers = #tpu.dot_dimension_numbers<[0], [0], [1], [1], [0, 1, 1, 1], [], []>, transpose_lhs_hint = false} : vector<136x8xf32>, vector<136x64xf32>, vector<8x64xf32> -> vector<8x64xf32>
      %swap3A_107 = arith.constant 0 : index
      %swap3A_108 = arith.constant 0 : index
      %swap3A_109 = arith.constant 0 : index
      %swap3A_110 = vector.load %arg6[%swap3A_107, %swap3A_108, %swap3A_109] : memref<1x8x64xf32, #tpu.memory_space<vmem>>, vector<1x8x64xf32>
      %swap3A_111 = vector.shape_cast %swap3A_110 : vector<1x8x64xf32> to vector<8x64xf32>
      %swap3A_112 = vector.shape_cast %dot_general3A_106 : vector<8x64xf32> to vector<1x8x64xf32>
      tpu.vector_store %arg6[%swap3A_107, %swap3A_108, %swap3A_109], %swap3A_112 {strides = array<i32>} : memref<1x8x64xf32, #tpu.memory_space<vmem>>, vector<1x8x64xf32>,
    } else {
    }
    %get3A_86 = arith.constant 0 : index
    %get3A_87 = arith.constant 0 : index
    %get3A_88 = arith.constant 0 : index
    %get3A_89 = vector.load %arg6[%get3A_86, %get3A_87, %get3A_88] : memref<1x8x64xf32, #tpu.memory_space<vmem>>, vector<1x8x64xf32>
    %get3A_90 = vector.shape_cast %get3A_89 : vector<1x8x64xf32> to vector<8x64xf32>
    %add3A_91 = arith.addf %get3A_90, %add3A_81 : vector<8x64xf32>
    %swap3A = arith.constant 0 : index
    %swap3A_92 = arith.constant 0 : index
    %swap3A_93 = arith.constant 0 : index
    %swap3A_94 = vector.load %arg6[%swap3A, %swap3A_92, %swap3A_93] : memref<1x8x64xf32, #tpu.memory_space<vmem>>, vector<1x8x64xf32>
    %swap3A_95 = vector.shape_cast %swap3A_94 : vector<1x8x64xf32> to vector<8x64xf32>
    %swap3A_96 = vector.shape_cast %add3A_91 : vector<8x64xf32> to vector<1x8x64xf32>
    tpu.vector_store %arg6[%swap3A, %swap3A_92, %swap3A_93], %swap3A_96 {strides = array<i32>} : memref<1x8x64xf32, #tpu.memory_space<vmem>>, vector<1x8x64xf32>,
    return
  }
  func.func @transform_0(%arg0: i32, %arg1: i32) -> (i32, i32, i32) {
    %c0_i32 = arith.constant 0 : i32
    %c0_i32_0 = arith.constant 0 : i32
    return %arg0, %arg1, %c0_i32 : i32, i32, i32
  }
  func.func @transform_1(%arg0: i32, %arg1: i32) -> (i32, i32, i32) {
    %c0_i32 = arith.constant 0 : i32
    %c0_i32_0 = arith.constant 0 : i32
    return %arg0, %arg1, %c0_i32 : i32, i32, i32
  }
  func.func @transform_2(%arg0: i32, %arg1: i32) -> (i32, i32, i32) {
    %c0_i32 = arith.constant 0 : i32
    %c0_i32_0 = arith.constant 0 : i32
    %c0_i32_1 = arith.constant 0 : i32
    return %arg0, %c0_i32, %c0_i32_0 : i32, i32, i32
  }
  func.func @transform_3(%arg0: i32, %arg1: i32) -> (i32, i32) {
    %c0_i32 = arith.constant 0 : i32
    %c0_i32_0 = arith.constant 0 : i32
    %c0_i32_1 = arith.constant 0 : i32
    return %c0_i32, %c0_i32_0 : i32, i32
  }
  func.func @transform_4(%arg0: i32, %arg1: i32) -> (i32, i32, i32) {
    %c0_i32 = arith.constant 0 : i32
    %c0_i32_0 = arith.constant 0 : i32
    %c0_i32_1 = arith.constant 0 : i32
    return %arg0, %c0_i32, %c0_i32_0 : i32, i32, i32
  }
}

</mosaic_0001>

<sc_bundles>
// kernel: kernel.5.cloned.1.call-start
scs
__scs_entry_jumppad:
0x0: {  	(pc) =	sbr.rel $0x88, $3  }
0x1: {  	(tag) =	ssettag $0x0;
	lr =	simm.s32 $0x1  }
0x2: {  	[smem:$0x3F91] =	sst lr;
	_ =	strace $0xD0000000  }
0x3: {  	_ = 	snop  }
0x4: {  	_ = 	snop  }
0x5: {  	_ = 	snop  }
0x6: {  	_ = 	snop  }
0x7: {  	_ = 	snop  }
__scs_overlays_trampoline_lowered:
0x8: {  	[smem:$0x3FA0] =	sst s0  }
0x9: {  	[smem:$0x3FA1] =	sst s1  }
0xa: {  	[smem:$0x3FA2] =	sst s2  }
0xb: {  	[smem:$0x3FA3] =	sst s3  }
0xc: {  	[smem:$0x3FA4] =	sst s4  }
0xd: {  	[smem:$0x3FA5] =	sst s5  }
0xe: {  	[smem:$0x3FA6] =	sst s6  }
0xf: {  	[smem:$0x3FA7] =	sst s7  }
0x10: {  	[smem:$0x3FA8] =	sst s8  }
0x11: {  	[smem:$0x3FA9] =	sst s9;
	s0 =	simm.s32 @!p0 $0x0  }
0x12: {  	s1 =	sld [smem:$0x3F8F];
	s0 =	simm.s32 @p0 $0x1  }
0x13: {  	[smem:$0x3FAA] =	sst s0;
	s0 =	simm.s32 @!p1 $0x0  }
0x14: {  	s2 =	sld [smem:$0x3F8E];
	s0 =	simm.s32 @p1 $0x1  }
0x15: {  	[smem:$0x3FAB] =	sst s0;
	s0 =	simm.s32 @!p2 $0x0  }
0x16: {  	s3 =	sld [smem:$0x3FDB];
	s0 =	simm.s32 @p2 $0x1  }
0x17: {  	s4 =	simm.s32 $0x1BF5;
	[smem:$0x3FAD] =	sst s0  }
0x18: {  	s0 =	sld [smem:$0x3F90];
	_ =	swait.ge [sflag:s4], $0x0  }
0x19: {  	s7 =	sld [smem:$0x3F91]  }
0x1a: {  	s8 =	sadd.s32 $0xFFFFE003, lr  }
0x1b: {  	s9 =	sadd.s32 $0xFFFFFEF7, lr;
	s5 =	simm.s32 $0xFFFFFFFF;
	p2 =	slt.u32 s8, $0xFFFFF086  }
0x1c: {  	p1 =	slt.u32 s9, $0xF7A;
	s5 =	simm.s32 @!p2 $0x0  }
0x1d: {  	s5 =	simm.s32 @p1 $0x1;
	p0 =	seq.s32 s7, s2  }
0x1e: {  	s7 =	smul.u32 @!p0 $0xF7A, s2;
	p2 =	seq.s32 @!p0 s5, $0x0  }
0x1f: {  	s9 =	smul.u32 $0xF7A, s1;
	s8 =	simm.s32 @!p0 $0x1BF5;
	p2 =	por !p2, p0  }
0x20: {  	[sflag:s8] =	ssyncset.s32 @!p0 $0xFFFFF086;
	s6 =	sadd.s32 @!p0 s3, s7;
	s7 =	simm.s32 @!p0 $0x108  }
0x21: {  	s3 =	sadd.s32 s3, s9;
	s6 =	sadd.s32 @!p0 $0x88, s6;
	s7 =	simm.s32 @p2 $0x1082  }
0x22: {  	[simem:s7], [sflag:s8] =	dma.local @!p0 [hbm:s6], $0xF7A  }
0x23: {  	s9 =	sor.u32 $0xD0000000, s2;
	s6 =	simm.s32 $0x108;
	_ =	swait.ge @!p0 [sflag:s8], $0x0  }
0x24: {  	s3 =	sadd.s32 $0x88, s3;
	s6 =	simm.s32 @!p1 $0x1082;
	[sflag:s4] =	ssyncset.s32 $0xFFFFF086  }
0x25: {  	[simem:s6], [sflag:s4] =	dma.local [hbm:s3], $0xF7A  }
0x26: {  	[smem:$0x3F91] =	sst s1;
	(tag) =	ssettag s2;
	_ =	strace s9  }
0x27: {  	s1 =	sld [smem:$0x3FA1]  }
0x28: {  	s2 =	sld [smem:$0x3FA2]  }
0x29: {  	s4 =	sld [smem:$0x3FA4]  }
0x2a: {  	p0 =	seq.s32 s5, $0x0;
	s5 =	sld [smem:$0x3FA5]  }
0x2b: {  	s6 =	sld [smem:$0x3FA6]  }
0x2c: {  	s7 =	sld [smem:$0x3FA7]  }
0x2d: {  	s3 =	simm.s32 $0x108;
	s8 =	sld [smem:$0x3FA8]  }
0x2e: {  	s3 =	simm.s32 @!p0 $0x1082;
	s9 =	sld [smem:$0x3FA9]  }
0x2f: {  	lr =	sadd.s32 s0, s3;
	s0 =	sld [smem:$0x3FA0]  }
0x30: {  	s3 =	sld [smem:$0x3FA3]  }
0x31: {  	[smem:$0x3FAC] =	sst s10  }
0x32: {  	s10 =	sld [smem:$0x3FAA];
	_ =	sdelay $0x3  }
0x33: {  	p0 =	seq.s32 s10, $0x1;
	s10 =	sld [smem:$0x3FAC];
	_ =	sdelay $0x3  }
0x34: {  	[smem:$0x3FAC] =	sst s10  }
0x35: {  	s10 =	sld [smem:$0x3FAB];
	_ =	sdelay $0x3  }
0x36: {  	p1 =	seq.s32 s10, $0x1;
	s10 =	sld [smem:$0x3FAC];
	_ =	sdelay $0x3  }
0x37: {  	[smem:$0x3FAC] =	sst s10  }
0x38: {  	s10 =	sld [smem:$0x3FAD]  }
0x39: {  	_ = 	snop;
	(pc) =	sbr.ind lr, $3  }
0x3a: {  	_ = 	snop  }
0x3b: {  	_ = 	snop  }
0x3c: {  	p2 =	seq.s32 s10, $0x1;
	s10 =	sld [smem:$0x3FAC]  }
0x3d: {  	_ =	shalt  }
0x3e: {  	_ =	shalt  }
0x3f: {  	_ =	shalt  }
0x40: {  	_ =	shalt  }
0x41: {  	_ =	shalt  }
0x42: {  	_ =	shalt  }
0x43: {  	_ =	shalt  }
0x44: {  	_ =	shalt  }
0x45: {  	_ =	shalt  }
0x46: {  	_ =	shalt  }
0x47: {  	_ =	shalt  }
0x48: {  	_ =	shalt  }
0x49: {  	_ =	shalt  }
0x4a: {  	_ =	shalt  }
0x4b: {  	_ =	shalt  }
0x4c: {  	_ =	shalt  }
0x4d: {  	_ =	shalt  }
0x4e: {  	_ =	shalt  }
0x4f: {  	_ =	shalt  }
0x50: {  	_ =	shalt  }
0x51: {  	_ =	shalt  }
0x52: {  	_ =	shalt  }
0x53: {  	_ =	shalt  }
0x54: {  	_ =	shalt  }
0x55: {  	_ =	shalt  }
0x56: {  	_ =	shalt  }
0x57: {  	_ =	shalt  }
0x58: {  	_ =	shalt  }
0x59: {  	_ =	shalt  }
0x5a: {  	_ =	shalt  }
0x5b: {  	_ =	shalt  }
0x5c: {  	_ =	shalt  }
0x5d: {  	_ =	shalt  }
0x5e: {  	_ =	shalt  }
0x5f: {  	_ =	shalt  }
0x60: {  	_ =	shalt  }
0x61: {  	_ =	shalt  }
0x62: {  	_ =	shalt  }
0x63: {  	_ =	shalt  }
0x64: {  	_ =	shalt  }
0x65: {  	_ =	shalt  }
0x66: {  	_ =	shalt  }
0x67: {  	_ =	shalt  }
0x68: {  	_ =	shalt  }
0x69: {  	_ =	shalt  }
0x6a: {  	_ =	shalt  }
0x6b: {  	_ =	shalt  }
0x6c: {  	_ =	shalt  }
0x6d: {  	_ =	shalt  }
0x6e: {  	_ =	shalt  }
0x6f: {  	_ =	shalt  }
0x70: {  	_ =	shalt  }
0x71: {  	_ =	shalt  }
0x72: {  	_ =	shalt  }
0x73: {  	_ =	shalt  }
0x74: {  	_ =	shalt  }
0x75: {  	_ =	shalt  }
0x76: {  	_ =	shalt  }
0x77: {  	_ =	shalt  }
0x78: {  	_ =	shalt  }
0x79: {  	_ =	shalt  }
0x7a: {  	_ =	shalt  }
0x7b: {  	_ =	shalt  }
0x7c: {  	_ =	shalt  }
0x7d: {  	_ =	shalt  }
0x7e: {  	_ =	shalt  }
0x7f: {  	_ =	shalt  }
0x80: {  	_ =	shalt  }
0x81: {  	_ =	shalt  }
0x82: {  	_ =	shalt  }
0x83: {  	_ =	shalt  }
0x84: {  	_ =	shalt  }
0x85: {  	_ =	shalt  }
0x86: {  	_ =	shalt  }
0x87: {  	_ =	shalt  }
.Lfunc_end0:
.L_simem_size_0:
called_computation_lowered:
.L_overlay_start_0:
0x88: {  	s2 =	sld [smem:$0x3FD9]  }
0x89: {  	s3 =	sld [smem:$0x3FFE];
	_ =	sdelay $0x1  }
0x8a: {  	s1 =	srdreg.scid  }
0x8b: {  	s0 =	sand.u32 $0x1, s1  }
0x8c: {  	s17 =	sshll.u32 s0, $0xA;
	s2 =	sadd.s32 s3, s2  }
0x8d: {  	s2 =	sadd.s32 s2, s17  }
0x8e: {  	[smem:$0x3FB8] =	sst s2  }
0x8f: {  	_ = 	snop  }
0x90: {  	s2 =	sld [smem:$0x3FC8]  }
0x91: {  	s18 =	sld [smem:$0x3FC7]  }
0x92: {  	s4 =	sld [smem:$0x3FD0];
	(tm) =	ssettm $0x1  }
0x93: {  	s5 =	sld [smem:$0x3FFB];
	_ =	sdelay $0x3  }
0x94: {  	_ =	strace s5  }
0x95: {  	s5 =	sld [smem:$0x3FFC];
	_ =	sdelay $0x3  }
0x96: {  	_ =	strace s5  }
0x97: {  	s5 =	sld [smem:$0x3FFD];
	_ =	sdelay $0x3  }
0x98: {  	_ =	strace s5  }
0x99: {  	_ =	strace $0x8FFFFFFF  }
0x9a: {  	s19 =	sld [smem:$0x3FDB];
	_ =	sdelay $0x1  }
0x9b: {  	s6 =	simm.s32 $_scs_section_size  }
0x9c: {  	s7 =	simm.s32 $_size__tile_overlayer_lowered;
	s8 =	simm.s32 $_tile_overlayer_lowered  }
0x9d: {  	s22 =	simm.s32 $0x1BFF;
	s21 =	sshll.u32 s8, $0x1;
	s5 =	sadd.s32 s6, s19  }
0x9e: {  	s9 =	simm.s32 $0x0;
	s20 =	sshll.u32 s7, $0x1;
	s7 =	sadd.s32 s21, s5  }
0x9f: {  	[timem:s9], [sflag:s22] =	dma.local [hbm:s7], s20  }
0xa0: {  	_ =	swait.ge [sflag:s22], s20  }
0xa1: {  	s6 =	ssub.s32 $0x0, s20;
	[sflag:s22] =	ssyncset.done $0x0  }
0xa2: {  	[sflag:s22] =	ssyncadd.s32 s6;
	_ =	sdelay $0x1  }
0xa3: {  	s23 =	simm.s32 $0x1B8B  }
0xa4: {  	_ =	swait.ge [sflag:s23], $0x1  }
0xa5: {  	[sflag:s23] =	ssyncset.done $0x0  }
0xa6: {  	s25 =	simm.s32 $0x1B8E;
	s24 =	sld [smem:$0x3FFE];
	[sflag:s23] =	ssyncadd.s32 $0xFFFFFFFF  }
0xa7: {  	s26 =	simm.s32 $execute0_lowered;
	[smem:$0x3FD2] =	sst s25  }
0xa8: {  	s7 =	sshll.u32 s26, $0x1;
	_ =	strace $0x80000046;
	[dreg:$0x1] =	wrdreg $0xFFFFFFFF  }
0xa9: {  	s28 =	simm.s32 $_size_execute0_lowered;
	s5 =	sadd.s32 s5, s7;
	[dreg:$0x0] =	wrdreg $0x0  }
0xaa: {  	s7 =	sshll.u32 s28, $0x1;
	[dreg:$0x2] =	wrdreg s5  }
0xab: {  	[dreg:$0x3] =	wrdreg s7  }
0xac: {  	[dreg:$0x4] =	wrdreg $0xC0  }
0xad: {  	_ =	task [dreg:s9], $0x5FFFF  }
0xae: {  	[dreg:$0x1] =	wrdreg $0xFFFFFFFF  }
0xaf: {  	[dreg:$0x0] =	wrdreg $0x60  }
0xb0: {  	[dreg:$0x2] =	wrdreg s24  }
0xb1: {  	[dreg:$0x3] =	wrdreg s4  }
0xb2: {  	[dreg:$0x4] =	wrdreg s2  }
0xb3: {  	[dreg:$0x5] =	wrdreg s18  }
0xb4: {  	[dreg:$0x6] =	wrdreg $0x0  }
0xb5: {  	[dreg:$0x7] =	wrdreg $0x2C880  }
0xb6: {  	[dreg:$0x8] =	wrdreg $0x14400  }
0xb7: {  	[dreg:$0x9] =	wrdreg $0x9  }
0xb8: {  	_ =	task.clear_ibuf [dreg:s9], $0xAFFFF;
	_ =	strace $0x90000046  }
0xb9: {  	s29 =	simm.s32 $0x9;
	_ =	strace $0x80000048  }
0xba: {  	_ =	swait.ge [sflag:s29], $0x1  }
0xbb: {  	[sflag:s29] =	ssyncadd.s32 $0xFFFFFFFF  }
0xbc: {  	_ =	strace $0x90000048  }
0xbd: {  	_ =	sfence  }
0xbe: {  	s30 =	sld [smem:$0x0];
	_ =	sdelay $0x2  }
0xbf: {  	s31 =	sshll.u32 s1, $0xD;
	s1 =	sshrl.u32 s1, $0x2  }
0xc0: {  	s3 =	sand.u32 $0x4000, s31;
	s1 =	sadd.s32 s1, s30  }
0xc1: {  	s0 =	sor.u32 s3, s0;
	s1 =	sshll.u32 s1, $0x11  }
0xc2: {  	s0 =	sor.u32 s1, s0  }
0xc3: {  	s0 =	sadd.s32 $0x8F2B, s0  }
0xc4: {  	[sflag:s0] =	ssyncadd.remote.s32 $0x1  }
0xc5: {  	_ =	sfence.sel $0xFFFF  }
0xc6: {  	[dreg:$0x0] =	wrdreg $0xFFFFFFFF;
	(pc) =	sbr.abs _section_cstart, $3  }
0xc7: {  	[dreg:$0x1] =	wrdreg $0xFFFFFFFF  }
0xc8: {  	_ =	task.clear_ibuf [dreg:s9], $0x2FFFF;
	_ =	strace $0x9FFFFFFF  }
0xc9: {  	(tm) =	ssettm $0x7FFFFFFF  }
tec
execute0_lowered:
.L_overlay_start_1:
0x0: {  	(tag) =	ssettag $0x1  }
0x1: {  	s0 =	rddreg [dreg:$0x0]  }
0x2: {  	s1 =	rddreg [dreg:$0x2]  }
0x3: {  	s2 =	rddreg [dreg:$0x3]  }
0x4: {  	s13 =	rddreg [dreg:$0x4]  }
0x5: {  	s14 =	rddreg [dreg:$0x5]  }
0x6: {  	s3 =	srdreg.scid;
	s18 =	rddreg [dreg:$0x6]  }
0x7: {  	s5 =	simm.s32 $0x0;
	s19 =	stileid.u32;
	s28 =	simm.s32 $0x3  }
0x8: {  	s29 =	simm.s32 $0x800;
	s30 =	simm.s32 $0x3488;
	s31 =	simm.s32 $0x7488  }
0x9: {  	s3 =	sand.u32 $0x1, s3;
	[smem:$0x7FF] =	sst s5;
	s7 =	sadd.s32 $0xA5200, s0  }
0xa: {  	s17 =	sadd.s32 $0xA5400, s0;
	s20 =	sshll.u32 s19, $0x8;
	s9 =	sadd.s32 $0xA6600, s0  }
0xb: {  	s16 =	smul.u32 $0x1400, s19;
	s22 =	sshll.u32 s19, $0xB;
	p0 =	sne.s32 s19, $0x0  }
0xc: {  	s19 =	simm.s32 $0x1C88;
	s4 =	smul.u32 $0x2710, s3;
	_ =	strace $0x80000047  }
0xd: {  	s6 =	sshll.u32 s3, $0xC;
	[dreg:$0x8] =	wrdreg s7;
	s8 =	smul.u32 $0x2800, s3  }
0xe: {  	[dreg:$0x9] =	wrdreg s17;
	s12 =	sadd.s32 s20, s0;
	s10 =	smul.u32 $0x88, s3  }
0xf: {  	s3 =	ssub.s32 $0x2, s3;
	s1 =	sadd.s32 s1, s20;
	s21 =	sadd.s32 s2, s20  }
0x10: {  	s20 =	simm.s32 $0x1488;
	s6 =	sadd.s32 s6, s0;
	[dreg:$0xa] =	wrdreg s1  }
0x11: {  	s11 =	sshrl.u32 s3, $0x1;
	[dreg:$0xb] =	wrdreg s21;
	s23 =	sadd.s32 $0xA5600, s12  }
0x12: {  	s24 =	sadd.s32 s16, s13;
	s1 =	sadd.s32 s22, s14;
	s26 =	sshrl.u32 s16, $0x3  }
0x13: {  	s22 =	simm.s32 $0x4;
	s21 =	simm.s32 $0xB488;
	s4 =	sadd.s32 s4, s0  }
0x14: {  	s8 =	sadd.s32 s8, s0;
	s0 =	sadd.s32 s10, s0;
	[dreg:$0xc] =	wrdreg s23  }
0x15: {  	s3 =	ssub.s32 s3, s11;
	[dreg:$0xd] =	wrdreg s24;
	s15 =	sadd.s32 $0xA3200, s6  }
0x16: {  	s24 =	simm.s32 $0x0;
	s14 =	sadd.s32 $0x9E200, s4;
	s25 =	sadd.s32 $0xA6A00, s8  }
0x17: {  	s16 =	sadd.s32 $0xABA00, s0;
	s17 =	smax.u32 s3, $0x1;
	s3 =	smov.u32 s18  }
0x18: {  	v0 =	vlaneseq.u32;
	s18 =	simm.s32 $0x2488;
	s0 =	simm.s32 $0xF488;
	s23 =	sadd.s32 s26, s25  }
0x19: {  	v0 =	vmul.u32 $0x8, v0;
	s25 =	sshrl.u32 s1, $0x3;
	s26 =	simm.s32 $0x1;
	s1 =	simm.s32 $0x2  }
.LBB2_1:
0x1a: {  	s2 =	rddreg [dreg:$0xa]  }
0x1b: {  	[tilespmem:s18], [sflag:$0x1] =	stream.linear.gather [hbm4b:s2+s5], $0x800, $0x38;
	[tilespmem:$0x13588] =	vst v63  }
0x1c: {  	s6 =	rddreg [dreg:$0xb]  }
0x1d: {  	[tilespmem:s19], [sflag:$0x2] =	stream.linear.gather [hbm4b:s6+s5], $0x800, $0x38;
	[tilespmem:$0x13588] =	vst v63  }
0x1e: {  	s7 =	rddreg [dreg:$0xc]  }
0x1f: {  	[tilespmem:s20], [sflag:$0x3] =	stream.linear.gather [hbm4b:s7+s5], $0x800, $0x38;
	[tilespmem:$0x13588] =	vst v63  }
0x20: {  	s8 =	rddreg [dreg:$0x1];
	s4 =	simm.s32 $0x13488  }
0x21: {  	[tilespmem:s4], [sflag:$0x4] =	stream.linear.gather [hbm4b:s8+s5], $0x100, $0x38;
	[tilespmem:$0x13588] =	vst v63  }
0x22: {  	_ =	swait.ge [sflag:s22], $0x100  }
0x23: {  	[sflag:s22] =	ssyncset.done $0x0  }
0x24: {  	s11 =	simm.s32 $0x1400;
	s10 =	rddreg [dreg:$0x9];
	[sflag:s22] =	ssyncadd.s32 $0xFFFFFF00  }
0x25: {  	[tilespmem:s11], [sflag:$0x4] =	stream.linear.gather [hbm4b:s10+s5], $0x40, $0x38;
	[tilespmem:$0x13588] =	vst v63  }
0x26: {  	s12 =	stileid.u32;
	_ =	swait.ge [sflag:s22], $0x40  }
0x27: {  	s2 =	sshll.u32 s12, $0x6;
	[sflag:s22] =	ssyncset.done $0x0;
	s13 =	rddreg [dreg:$0xd]  }
0x28: {  	s2 =	sor.u32 $0x1C04, s2;
	[sflag:s22] =	ssyncadd.s32 $0xFFFFFFC0;
	s7 =	sshrl.u32 s13, $0x3  }
0x29: {  	[spmem:s7], [sflag:s2] =	dma.local [hbm:s9], $0x280  }
0x2a: {  	_ =	swait.ge [sflag:s22], $0x280  }
0x2b: {  	[sflag:s22] =	ssyncset.done $0x0  }
0x2c: {  	[sflag:s22] =	ssyncadd.s32 $0xFFFFFD80  }
0x2d: {  	[spmem:s25], [sflag:s2] =	dma.local [hbm:s9], $0x100  }
0x2e: {  	_ =	swait.ge [sflag:s22], $0x100  }
0x2f: {  	s4 =	sshrl.u32 @!p0 s3, $0x3;
	[sflag:s22] =	ssyncset.done $0x0  }
0x30: {  	s13 =	smov.u32 s3;
	s3 =	simm.s32 @!p0 $0x4;
	[sflag:s22] =	ssyncadd.s32 $0xFFFFFF00  }
0x31: {  	[spmem:s4], [sflag:s2] =	dma.local @!p0 [hbm:s9], $0x88  }
0x32: {  	_ =	swait.ge @!p0 [sflag:s3], $0x88  }
0x33: {  	[sflag:s3] =	ssyncset.done @!p0 $0x0  }
0x34: {  	[sflag:s3] =	ssyncadd.s32 @!p0 $0xFFFFFF78  }
0x35: {  	_ =	swait.ge [sflag:s26], $0x800  }
0x36: {  	[sflag:s26] =	ssyncset.done $0x0  }
0x37: {  	[sflag:s26] =	ssyncadd.s32 $0xFFFFF800  }
0x38: {  	_ =	swait.ge [sflag:s28], $0x800  }
0x39: {  	[sflag:s28] =	ssyncset.done $0x0  }
0x3a: {  	[sflag:s28] =	ssyncadd.s32 $0xFFFFF800  }
0x3b: {  	[tilespmem:s30], [sflag:$0x1] =	stream.indirect.gather [hbm4b:s14+s29], $0x8, s18, s29, $0xb8;
	[tilespmem:$0x13588] =	vst v63  }
0x3c: {  	s6 =	rddreg [dreg:$0x8]  }
0x3d: {  	[tilespmem:s31], [sflag:$0x3] =	stream.indirect.gather [hbm4b:s6+s29], $0x8, s20, s29, $0xb8;
	[tilespmem:$0x13588] =	vst v63  }
0x3e: {  	_ =	swait.ge [sflag:s1], $0x800  }
0x3f: {  	[sflag:s1] =	ssyncset.done $0x0  }
0x40: {  	s8 =	simm.s32 $0x0;
	[sflag:s1] =	ssyncadd.s32 $0xFFFFF800  }
0x41: {  	[tilespmem:s0], [sflag:$0x2] =	stream.indirect.gather [hbm4b:s15+s29], $0x8, s19, s29, $0xb8;
	[tilespmem:$0x13588] =	vst v63  }
0x42: {  	v1 =	vmov s8;
	[bflag:$0x0] =	sbarrier.arrive $0xFFFF  }
0x43: {  	v1 =	vshll.u32 v1, $0x3;
	_ =	swait.ge [sflag:s26], $0x4000  }
0x44: {  	v24 =	vor.u32 v0, v1;
	[sflag:s26] =	ssyncset.done $0x0  }
0x45: {  	v4 =	vor.u32 $0x1, v24;
	[sflag:s26] =	ssyncadd.s32 $0xFFFFC000  }
0x46: {  	v26 =	vor.u32 $0x3, v24;
	_ =	swait.ge [sflag:s28], $0x4000  }
0x47: {  	[sflag:s28] =	ssyncset.done $0x0  }
0x48: {  	[sflag:s28] =	ssyncadd.s32 $0xFFFFC000  }
0x49: {  	v1 =	vld.idx.msk [tilespmem:v24+s30+$0x0], $0xffff  }
0x4a: {  	v2 =	vld.idx.msk [tilespmem:v4+s30+$0x0], $0xffff  }
0x4b: {  	v3 =	vld.idx.msk [tilespmem:v26+s31+$0x0], $0xffff;
	[tilespmem:$0x1FEB0] =	vst v4  }
0x4c: {  	v4 =	vld.idx.msk [tilespmem:v4+s31+$0x0], $0xffff  }
0x4d: {  	v27 =	vor.u32 $0x2, v24;
	v5 =	vld.idx.msk [tilespmem:v24+s31+$0x0], $0xffff  }
0x4e: {  	v6 =	vld.idx.msk [tilespmem:v26+s30+$0x0], $0xffff;
	_ =	sdelay $0x2  }
0x4f: {  	v2 =	vadd.f32 v4, v2  }
0x50: {  	v52 =	vld.idx.msk [tilespmem:v27+s31+$0x0], $0xffff;
	v1 =	vadd.f32 v5, v1  }
0x51: {  	v53 =	vld.idx.msk [tilespmem:v27+s30+$0x0], $0xffff;
	v3 =	vadd.f32 v3, v6;
	v2 =	vadd.f32 v2, v2  }
0x52: {  	v1 =	vadd.f32 v1, v1  }
0x53: {  	v3 =	vadd.f32 v3, v3;
	v2 =	vmul.f32 $1.442695020e+00, v2  }
0x54: {  	v1 =	vmul.f32 $1.442695020e+00, v1  }
0x55: {  	s10 =	simm.s32 $0x10;
	(erf) = vpow2.f32 v2;
	v2 =	vmul.f32 $1.442695020e+00, v3  }
0x56: {  	v10 =	vld [tilespmem:$0x13488];
	v3 =	vmov s10;
	(erf) = vpow2.f32 v1;
	v1 =	vadd.f32 v52, v53  }
0x57: {  	v9 =	vld [tilespmem:$0x134B8];
	(erf) = vpow2.f32 v2;
	v2 =	vshll.u32 v3, $0x3  }
0x58: {  	v23 =	vld [tilespmem:$0x134C8];
	v1 =	vadd.f32 v1, v1;
	v25 =	vor.u32 v0, v2  }
0x59: {  	v54 =	vld [tilespmem:$0x134D8]  }
0x5a: {  	v55 =	vld [tilespmem:$0x13508];
	v29 =	vor.u32 $0x1, v25;
	v1 =	vmul.f32 $1.442695020e+00, v1  }
0x5b: {  	v56 =	vld [tilespmem:$0x13518]  }
0x5c: {  	v21 =	vld [tilespmem:$0x13548]  }
0x5d: {  	v28 =	vor.u32 $0x3, v25;
	(erf) = vpow2.f32 v1;
	v2 =	vld.idx.msk [tilespmem:v25+s30+$0x0], $0xffff  }
0x5e: {  	v31 =	vor.u32 $0x2, v25;
	v8 =	vld.idx.msk [tilespmem:v25+s31+$0x0], $0xffff;
	v1 =	vpop (erf)  }
0x5f: {  	v12 =	vld.idx.msk [tilespmem:v29+s30+$0x0], $0xffff;
	v7 =	vpop (erf)  }
0x60: {  	v13 =	vld.idx.msk [tilespmem:v29+s31+$0x0], $0xffff;
	v7 =	vadd.f32 $1.000000000e+00, v7;
	v11 =	vpop (erf)  }
0x61: {  	s11 =	simm.s32 $0x20;
	v58 =	vld [tilespmem:$0x13578];
	v11 =	vadd.f32 $1.000000000e+00, v11  }
0x62: {  	v57 =	vmov s11;
	v15 =	vld.idx.msk [tilespmem:v28+s30+$0x0], $0xffff;
	v1 =	vadd.f32 $1.000000000e+00, v1;
	(erf) = vrcp.f32 v7  }
0x63: {  	v7 =	vshll.u32 v57, $0x3;
	(erf) = vrcp.f32 v11;
	v11 =	vld.idx.msk [tilespmem:v31+s31+$0x0], $0xffff  }
0x64: {  	v33 =	vor.u32 v0, v7;
	(erf) = vrcp.f32 v1;
	v1 =	vadd.f32 v8, v2;
	v2 =	vld.idx.msk [tilespmem:v31+s30+$0x0], $0xffff;
	[tilespmem:$0x1FEC0] =	vst v7  }
0x65: {  	v13 =	vadd.f32 v13, v12;
	v32 =	vor.u32 $0x1, v33;
	v16 =	vld.idx.msk [tilespmem:v28+s31+$0x0], $0xffff  }
0x66: {  	v59 =	vld [tilespmem:$0x1400];
	v14 =	vpop (erf);
	v1 =	vadd.f32 v1, v1  }
0x67: {  	v19 =	vld [tilespmem:$0x1410];
	v13 =	vadd.f32 v13, v13;
	v14 =	vadd.f32 $1.000000000e+00, v14  }
0x68: {  	v61 =	vld [tilespmem:$0x134F8];
	v1 =	vmul.f32 $1.442695020e+00, v1  }
0x69: {  	v5 =	vld [tilespmem:$0x1430];
	v13 =	vmul.f32 $1.442695020e+00, v13;
	(erf) = vrcp.f32 v14;
	v2 =	vadd.f32 v11, v2  }
0x6a: {  	(erf) = vpow2.f32 v1;
	v15 =	vadd.f32 v16, v15;
	v16 =	vld.idx.msk [tilespmem:v32+s30+$0x0], $0xffff  }
0x6b: {  	v30 =	vor.u32 $0x3, v33;
	v2 =	vadd.f32 v2, v2;
	(erf) = vpow2.f32 v13;
	v13 =	vld.idx.msk [tilespmem:v32+s31+$0x0], $0xffff  }
0x6c: {  	v4 =	vld [tilespmem:$0x134E8];
	v1 =	vpop (erf)  }
0x6d: {  	v3 =	vld [tilespmem:$0x13498];
	v14 =	vpop (erf);
	v1 =	vadd.f32 v1, v1;
	v2 =	vmul.f32 $1.442695020e+00, v2  }
0x6e: {  	v8 =	vld [tilespmem:$0x13558];
	v34 =	vor.u32 $0x2, v33;
	v15 =	vadd.f32 v15, v15;
	v18 =	vpop (erf);
	v14 =	vadd.f32 v14, v14  }
0x6f: {  	v17 =	vld.idx.msk [tilespmem:v33+s30+$0x0], $0xffff;
	v18 =	vadd.f32 v18, v18;
	v1 =	vsub.f32 $1.000000000e+00, v1;
	(erf) = vpow2.f32 v2  }
0x70: {  	v20 =	vld.idx.msk [tilespmem:v30+s31+$0x0], $0xffff;
	v22 =	vsub.f32 $1.000000000e+00, v14;
	v14 =	vmul.f32 $1.442695020e+00, v15;
	v16 =	vadd.f32 v13, v16  }
0x71: {  	v12 =	vmovc v55;
	v2 =	vld.idx.msk [tilespmem:v30+s30+$0x0], $0xffff;
	v35 =	vsub.f32 $1.000000000e+00, v18;
	v18 =	vmul.f32 v1, v21;
	v37 =	vmul.f32 v1, v10  }
0x72: {  	v11 =	vmov v56;
	v15 =	vld.idx.msk [tilespmem:v33+s31+$0x0], $0xffff;
	[tilespmem:$0x1FED0] =	vst v9;
	v40 =	vmul.f32 v1, v23;
	v1 =	vmul.f32 v1, v12  }
0x73: {  	v38 =	vpop (erf);
	v39 =	vld.idx.msk [tilespmem:v34+s31+$0x0], $0xffff;
	v36 =	vmul.f32 v22, v9;
	(erf) = vpow2.f32 v14;
	v16 =	vadd.f32 v16, v16  }
0x74: {  	v43 =	vld.idx.msk [tilespmem:v34+s30+$0x0], $0xffff;
	v38 =	vadd.f32 v38, v38;
	v41 =	vmul.f32 v35, v3;
	v42 =	vadd.f32 v18, v5  }
0x75: {  	v13 =	vld [tilespmem:$0x13528];
	v44 =	vmul.f32 v35, v11;
	v37 =	vadd.f32 v37, v59;
	v46 =	vmul.f32 v35, v54  }
0x76: {  	v9 =	vld [tilespmem:$0x1420];
	v35 =	vmul.f32 v35, v8;
	v2 =	vadd.f32 v20, v2;
	v38 =	vsub.f32 $1.000000000e+00, v38  }
0x77: {  	v53 =	vmul.f32 v22, v61;
	v14 =	vadd.f32 v15, v17;
	v37 =	vadd.f32 v41, v37  }
0x78: {  	v47 =	vmul.f32 $1.442695020e+00, v16;
	v18 =	vpop (erf);
	v17 =	vadd.f32 v40, v19;
	v42 =	vadd.f32 v35, v42  }
0x79: {  	v41 =	vmul.f32 v22, v58;
	v45 =	vadd.f32 $1.000000000e+00, v18;
	v39 =	vadd.f32 v39, v43  }
0x7a: {  	v15 =	vld [tilespmem:$0x134A8];
	v62 =	vpop (erf);
	v2 =	vadd.f32 v2, v2;
	(erf) = vpow2.f32 v47;
	v49 =	vmul.f32 v38, v4  }
0x7b: {  	v52 =	vmul.f32 v38, v13;
	v60 =	vadd.f32 v14, v14;
	v1 =	vadd.f32 v1, v9;
	v14 =	vmovc v8;
	v8 =	vld [tilespmem:$0x13538]  }
0x7c: {  	v40 =	vadd.f32 $1.000000000e+00, v62;
	v48 =	vadd.f32 v46, v17;
	(erf) = vrcp.f32 v45  }
0x7d: {  	v51 =	vpop (erf);
	v2 =	vmul.f32 $1.442695020e+00, v2;
	v63 =	vmul.f32 $1.442695020e+00, v60;
	v1 =	vadd.f32 v44, v1  }
0x7e: {  	s12 =	simm.s32 $0x30;
	v50 =	vld [tilespmem:$0x13568];
	v47 =	vadd.f32 $1.000000000e+00, v51;
	v45 =	vadd.f32 v49, v48;
	(erf) = vrcp.f32 v40  }
0x7f: {  	[tilespmem:$0x1FEE0] =	vst v54;
	v17 =	vmovc v59;
	v59 =	vmov s12;
	v54 =	vmul.f32 v38, v15;
	v1 =	vadd.f32 v52, v1  }
0x80: {  	v55 =	vadd.f32 v53, v45;
	(erf) = vrcp.f32 v47;
	v22 =	vmul.f32 v22, v8  }
0x81: {  	[tilespmem:$0x1FEF0] =	vst v58;
	v35 =	vshll.u32 v59, $0x3;
	(erf) = vpow2.f32 v63;
	v56 =	vadd.f32 v54, v37  }
0x82: {  	[tilespmem:$0x1FF00] =	vst v61;
	v58 =	vpop (erf);
	v6 =	vor.u32 v0, v35;
	v57 =	vmul.f32 $1.442695020e+00, v55;
	v1 =	vadd.f32 v22, v1  }
0x83: {  	[tilespmem:$0x1FF30] =	vst v50;
	v40 =	vadd.f32 $1.000000000e+00, v58;
	(erf) = vpow2.f32 v2;
	v36 =	vadd.f32 v36, v56  }
0x84: {  	[tilespmem:$0x1FF40] =	vst v10;
	v35 =	vor.u32 $0x1, v6;
	(erf) = vpow2.f32 v57;
	v1 =	vmul.f32 $1.442695020e+00, v1  }
0x85: {  	[tilespmem:$0x1FF50] =	vst v21;
	v2 =	vpop (erf);
	v36 =	vmul.f32 $1.442695020e+00, v36;
	(erf) = vrcp.f32 v40  }
0x86: {  	v39 =	vadd.f32 v39, v39;
	[tilespmem:$0x1FF20] =	vst v15;
	v38 =	vmul.f32 v38, v50;
	v60 =	vpop (erf);
	(erf) = vpow2.f32 v1  }
0x87: {  	[tilespmem:$0x1FF10] =	vst v8;
	v61 =	vadd.f32 v60, v60;
	(erf) = vpow2.f32 v36  }
0x88: {  	v39 =	vmul.f32 $1.442695020e+00, v39;
	v40 =	vor.u32 $0x2, v6;
	v49 =	vld.idx.msk [tilespmem:v6+s30+$0x0], $0xffff;
	[tilespmem:$0x1FF60] =	vst v23;
	v62 =	vpop (erf);
	v1 =	vadd.f32 v38, v42  }
0x89: {  	v55 =	vld.idx.msk [tilespmem:v35+s30+$0x0], $0xffff;
	v37 =	vsub.f32 $1.000000000e+00, v61;
	v63 =	vpop (erf)  }
0x8a: {  	v2 =	vadd.f32 $1.000000000e+00, v2;
	v50 =	vld.idx.msk [tilespmem:v6+s31+$0x0], $0xffff;
	v7 =	vpop (erf);
	(erf) = vpow2.f32 v39;
	v1 =	vadd.f32 v41, v1  }
0x8b: {  	v61 =	vld.idx.msk [tilespmem:v35+s31+$0x0], $0xffff;
	[tilespmem:$0x1FF70] =	vst v9;
	v36 =	vadd.f32 v62, v62;
	v20 =	vmul.f32 v37, v10;
	v39 =	vadd.f32 $1.000000000e+00, v7  }
0x8c: {  	[tilespmem:$0x1FF80] =	vst v5;
	v59 =	vadd.f32 v63, v63;
	v22 =	vmul.f32 v37, v21;
	v23 =	vmul.f32 v37, v23;
	v58 =	vpop (erf)  }
0x8d: {  	v43 =	vld.idx.msk [tilespmem:v40+s31+$0x0], $0xffff;
	[tilespmem:$0x1FF90] =	vst v19;
	v37 =	vmul.f32 v37, v12;
	v60 =	vadd.f32 $1.000000000e+00, v58;
	v44 =	vsub.f32 $1.000000000e+00, v36;
	v38 =	vpop (erf)  }
0x8e: {  	[tilespmem:$0x1FFA0] =	vst v13;
	v48 =	vsub.f32 $1.000000000e+00, v59;
	(erf) = vrcp.f32 v39;
	v46 =	vmul.f32 $1.442695020e+00, v1;
	v1 =	vpop (erf)  }
0x8f: {  	v58 =	vld.idx.msk [tilespmem:v40+s30+$0x0], $0xffff;
	[tilespmem:$0x1FFB0] =	vst v4;
	v45 =	vadd.f32 v20, v17;
	v51 =	vadd.f32 v37, v9;
	(erf) = vrcp.f32 v60;
	v39 =	vpop (erf)  }
0x90: {  	[tilespmem:$0x1FFC0] =	vst v24;
	v62 =	vadd.f32 v22, v5;
	v56 =	vadd.f32 v23, v19;
	(erf) = vrcp.f32 v2;
	v2 =	vpop (erf)  }
0x91: {  	v42 =	vor.u32 $0x3, v6;
	v54 =	vmul.f32 v44, v14;
	v53 =	vmul.f32 v44, v11;
	[tilespmem:v24+s21+$0x0] =	vst.idx.msk $0xffff, v2  }
0x92: {  	v47 =	vmul.f32 v48, v13;
	v52 =	vmul.f32 v48, v4;
	v55 =	vadd.f32 v61, v55;
	[tilespmem:$0x1FFD0] =	vst v3  }
0x93: {  	v36 =	vmov v6;
	v57 =	vadd.f32 v1, v1;
	v1 =	vadd.f32 v50, v49;
	v63 =	vpop (erf);
	[tilespmem:$0x1FFE0] =	vst v25  }
0x94: {  	s3 =	simm.s32 $0x2;
	s6 =	simm.s32 $0x50;
	v37 =	vmovc v25;
	v50 =	vadd.f32 v54, v62;
	v49 =	vmul.f32 v44, v3;
	v54 =	vadd.f32 $1.000000000e+00, v63;
	[tilespmem:$0x1FFF0] =	vst v6  }
.LBB2_2:
0x95: {  	v6 =	vld [tilespmem:$0x1FEE0]  }
0x96: {  	v9 =	vld [tilespmem:$0x1FF30]  }
0x97: {  	v60 =	vld.idx.msk [tilespmem:v42+s30+$0x0], $0xffff  }
0x98: {  	v8 =	vld [tilespmem:$0x1FEF0]  }
0x99: {  	s8 =	sadd.s32 $0xFFFFFFF0, s6;
	v20 =	vld [tilespmem:$0x1FF10];
	v1 =	vadd.f32 v1, v1;
	v57 =	vsub.f32 $1.000000000e+00, v57  }
0x9a: {  	v10 =	vld [tilespmem:$0x1FF20];
	v23 =	vmov s8;
	v51 =	vadd.f32 v53, v51;
	v55 =	vadd.f32 v55, v55  }
0x9b: {  	v18 =	vld [tilespmem:$0x1FF00];
	v45 =	vadd.f32 v49, v45;
	v3 =	vshll.u32 v23, $0x3;
	v1 =	vmul.f32 $1.442695020e+00, v1  }
0x9c: {  	v41 =	vmovc v33;
	v19 =	vld [tilespmem:$0x1FED0];
	v33 =	vor.u32 v0, v3;
	v55 =	vmul.f32 $1.442695020e+00, v55;
	v47 =	vadd.f32 v47, v51  }
0x9d: {  	v4 =	vadd.f32 v43, v58;
	v43 =	vmovc v40;
	v40 =	vld.idx.msk [tilespmem:v42+s31+$0x0], $0xffff;
	v53 =	vor.u32 $0x3, v33;
	v63 =	vor.u32 $0x2, v33  }
0x9e: {  	v15 =	vld [tilespmem:$0x1FF60];
	v2 =	vmul.f32 v44, v6;
	v59 =	vmul.f32 v48, v9;
	v44 =	vmovc v28;
	v28 =	vmovc v42;
	v42 =	vor.u32 $0x1, v33  }
0x9f: {  	v25 =	vld [tilespmem:$0x1FF40];
	v24 =	vmul.f32 v57, v20;
	v7 =	vmul.f32 v48, v10;
	v4 =	vadd.f32 v4, v4  }
0xa0: {  	v13 =	vld [tilespmem:$0x1FF50];
	v62 =	vmul.f32 v57, v8;
	v61 =	vpop (erf);
	v2 =	vadd.f32 v2, v56;
	v50 =	vadd.f32 v59, v50  }
0xa1: {  	v16 =	vld [tilespmem:$0x1FF80];
	v51 =	vmul.f32 v57, v19;
	v5 =	vpop (erf);
	v45 =	vadd.f32 v7, v45;
	v24 =	vadd.f32 v24, v47  }
0xa2: {  	v7 =	vld [tilespmem:$0x1FFD0];
	v56 =	vmul.f32 $1.442695020e+00, v4;
	v21 =	vpop (erf);
	(erf) = vrcp.f32 v54;
	v23 =	vadd.f32 v5, v5  }
0xa3: {  	v4 =	vadd.f32 v61, v61;
	v5 =	vmul.f32 v57, v18;
	v61 =	vld.idx.msk [tilespmem:v33+s31+$0x0], $0xffff;
	v2 =	vadd.f32 v52, v2  }
0xa4: {  	v21 =	vadd.f32 v21, v21;
	(erf) = vpow2.f32 v1;
	v1 =	vld.idx.msk [tilespmem:v33+s30+$0x0], $0xffff;
	v40 =	vadd.f32 v40, v60  }
0xa5: {  	v50 =	vadd.f32 v62, v50;
	v58 =	vld.idx.msk [tilespmem:v42+s30+$0x0], $0xffff;
	v52 =	vsub.f32 $1.000000000e+00, v23;
	(erf) = vpow2.f32 v55  }
0xa6: {  	v24 =	vmul.f32 $1.442695020e+00, v24;
	v54 =	vsub.f32 $1.000000000e+00, v4;
	(erf) = vpow2.f32 v56;
	v56 =	vld.idx.msk [tilespmem:v42+s31+$0x0], $0xffff  }
0xa7: {  	v40 =	vadd.f32 v40, v40;
	(erf) = vpow2.f32 v46;
	v47 =	vmul.f32 v52, v8;
	v8 =	vld [tilespmem:$0x1FEB0]  }
0xa8: {  	v55 =	vld.idx.msk [tilespmem:v53+s31+$0x0], $0xffff;
	v2 =	vadd.f32 v5, v2;
	v49 =	vmul.f32 v52, v19;
	v60 =	vmul.f32 v54, v15  }
0xa9: {  	v21 =	vsub.f32 $1.000000000e+00, v21;
	v46 =	vld.idx.msk [tilespmem:v53+s30+$0x0], $0xffff;
	v22 =	vmul.f32 v54, v25;
	v23 =	vmul.f32 v54, v13  }
0xaa: {  	v19 =	vadd.f32 v51, v45;
	v40 =	vmul.f32 $1.442695020e+00, v40;
	v1 =	vadd.f32 v61, v1;
	v61 =	vld [tilespmem:$0x1FF90]  }
0xab: {  	v59 =	vld.idx.msk [tilespmem:v63+s31+$0x0], $0xffff;
	v3 =	vmul.f32 v21, v7;
	v4 =	vmul.f32 v21, v11;
	v22 =	vadd.f32 v22, v17  }
0xac: {  	v48 =	vld.idx.msk [tilespmem:v63+s30+$0x0], $0xffff;
	v62 =	vmul.f32 v21, v6;
	v23 =	vadd.f32 v23, v16;
	v56 =	vadd.f32 v56, v58;
	v5 =	vpop (erf)  }
0xad: {  	v3 =	vadd.f32 v3, v22;
	v1 =	vadd.f32 v1, v1;
	v6 =	vpop (erf);
	(erf) = vpow2.f32 v40  }
0xae: {  	v21 =	vmul.f32 v21, v14;
	v40 =	vadd.f32 v55, v46;
	v55 =	vadd.f32 v56, v56  }
0xaf: {  	v2 =	vmul.f32 $1.442695020e+00, v2;
	v58 =	vmul.f32 $1.442695020e+00, v19;
	v56 =	vadd.f32 v60, v61;
	[tilespmem:v8+s21+$0x0] =	vst.idx.msk $0xffff, v38;
	v8 =	vmovc v32  }
0xb0: {  	v46 =	vmul.f32 v54, v12;
	v5 =	vadd.f32 v5, v5;
	v54 =	vpop (erf);
	[tilespmem:$0x1FEB0] =	vst v8;
	v8 =	vmul.f32 $1.442695020e+00, v55  }
0xb1: {  	v22 =	vpop (erf);
	v55 =	vadd.f32 v59, v48;
	v59 =	vadd.f32 v62, v56;
	v62 =	vmul.f32 $1.442695020e+00, v50;
	v50 =	vld [tilespmem:$0x1FF70]  }
0xb2: {  	v6 =	vadd.f32 $1.000000000e+00, v6;
	v40 =	vadd.f32 v40, v40;
	v60 =	vpop (erf);
	(erf) = vpow2.f32 v8;
	v8 =	vld [tilespmem:$0x1FFB0]  }
0xb3: {  	v19 =	vld [tilespmem:$0x1FFA0];
	v1 =	vmul.f32 $1.442695020e+00, v1;
	v57 =	vadd.f32 $1.000000000e+00, v54;
	v5 =	vsub.f32 $1.000000000e+00, v5  }
0xb4: {  	v54 =	vmov s6;
	[tilespmem:v27+s21+$0x0] =	vst.idx.msk $0xffff, v39;
	v40 =	vmul.f32 $1.442695020e+00, v40;
	v39 =	vadd.f32 v55, v55  }
0xb5: {  	v22 =	vadd.f32 $1.000000000e+00, v22;
	v51 =	vmul.f32 v5, v10;
	(erf) = vrcp.f32 v6  }
0xb6: {  	[tilespmem:v26+s21+$0x0] =	vst.idx.msk $0xffff, v60;
	v39 =	vmul.f32 $1.442695020e+00, v39;
	v46 =	vadd.f32 v46, v50;
	v60 =	vpop (erf);
	(erf) = vpow2.f32 v58  }
0xb7: {  	v27 =	vmovc v34;
	v34 =	vmovc v63;
	v3 =	vadd.f32 v51, v3;
	v63 =	vmul.f32 v5, v8;
	(erf) = vpow2.f32 v24  }
0xb8: {  	v4 =	vadd.f32 v4, v46;
	v24 =	vmul.f32 v5, v19;
	v46 =	vmul.f32 v52, v18  }
0xb9: {  	v3 =	vadd.f32 v49, v3;
	v5 =	vmul.f32 v5, v9;
	(erf) = vpow2.f32 v2  }
0xba: {  	v10 =	vadd.f32 $1.000000000e+00, v60;
	v2 =	vadd.f32 v63, v59;
	(erf) = vpow2.f32 v62  }
0xbb: {  	v4 =	vadd.f32 v24, v4;
	v24 =	vmul.f32 v52, v20;
	(erf) = vrcp.f32 v57  }
0xbc: {  	v26 =	vmovc v30;
	v30 =	vmovc v53;
	v52 =	vadd.f32 v21, v23;
	v2 =	vadd.f32 v46, v2;
	(erf) = vrcp.f32 v22  }
0xbd: {  	v4 =	vadd.f32 v24, v4;
	v22 =	vshll.u32 v54, $0x3;
	(erf) = vpow2.f32 v1;
	v1 =	vpop (erf)  }
0xbe: {  	v5 =	vadd.f32 v5, v52;
	v22 =	vor.u32 v0, v22;
	v9 =	vmul.f32 $1.442695020e+00, v2;
	v53 =	vpop (erf)  }
0xbf: {  	v32 =	vmovc v42;
	(erf) = vpow2.f32 v40;
	v4 =	vmul.f32 $1.442695020e+00, v4;
	v21 =	vadd.f32 v53, v53  }
0xc0: {  	v1 =	vadd.f32 $1.000000000e+00, v1;
	v5 =	vadd.f32 v47, v5;
	v24 =	vpop (erf);
	(erf) = vpow2.f32 v9  }
0xc1: {  	v9 =	vmul.f32 $1.442695020e+00, v3;
	v2 =	vpop (erf);
	(erf) = vrcp.f32 v10;
	v57 =	vsub.f32 $1.000000000e+00, v21  }
0xc2: {  	v46 =	vmul.f32 $1.442695020e+00, v5;
	[tilespmem:v37+s21+$0x0] =	vst.idx.msk $0xffff, v24;
	v24 =	vor.u32 $0x1, v22;
	v55 =	vpop (erf);
	(erf) = vpow2.f32 v4  }
0xc3: {  	v37 =	vmov v36;
	[tilespmem:v29+s21+$0x0] =	vst.idx.msk $0xffff, v55;
	v56 =	vpop (erf);
	(erf) = vpow2.f32 v9;
	v59 =	vmul.f32 v57, v25  }
0xc4: {  	v36 =	vmov v22;
	v6 =	vmul.f32 v57, v12;
	v3 =	vpop (erf);
	[tilespmem:v31+s21+$0x0] =	vst.idx.msk $0xffff, v2;
	(erf) = vpow2.f32 v39  }
0xc5: {  	v40 =	vor.u32 $0x2, v36;
	v62 =	vmul.f32 v57, v15;
	[tilespmem:v44+s21+$0x0] =	vst.idx.msk $0xffff, v56;
	v3 =	vadd.f32 v3, v3  }
0xc6: {  	v60 =	vmul.f32 v57, v13;
	v2 =	vpop (erf);
	v45 =	vadd.f32 v59, v17;
	v51 =	vadd.f32 v6, v50;
	v4 =	vld.idx.msk [tilespmem:v22+s30+$0x0], $0xffff  }
0xc7: {  	v42 =	vor.u32 $0x3, v36;
	v56 =	vadd.f32 v62, v61;
	v58 =	vpop (erf);
	v49 =	vld.idx.msk [tilespmem:v24+s30+$0x0], $0xffff;
	v2 =	vadd.f32 v2, v2  }
0xc8: {  	s3 =	sadd.s32 $0x2, s3;
	v29 =	vmov v35;
	v22 =	vld.idx.msk [tilespmem:v22+s31+$0x0], $0xffff;
	v21 =	vadd.f32 $1.000000000e+00, v58;
	v31 =	vpop (erf);
	v44 =	vsub.f32 $1.000000000e+00, v3  }
0xc9: {  	p1 =	slt.u32 s3, $0x7E;
	v35 =	vmov v24;
	v20 =	vld.idx.msk [tilespmem:v24+s31+$0x0], $0xffff;
	v3 =	vadd.f32 v60, v16;
	v63 =	vadd.f32 $1.000000000e+00, v31;
	v38 =	vpop (erf)  }
.Ltmp0:
0xca: {  	v48 =	vsub.f32 $1.000000000e+00, v2;
	(erf) = vrcp.f32 v21;
	v2 =	vmul.f32 v44, v14;
	v60 =	vpop (erf);
	(pc) =	sbr.rel @p1 .LBB2_2-.Ltmp0, $4  }
0xcb: {  	v31 =	vmov v43;
	v53 =	vmul.f32 v44, v11;
	(erf) = vrcp.f32 v63;
	v39 =	vpop (erf)  }
0xcc: {  	v58 =	vld.idx.msk [tilespmem:v40+s30+$0x0], $0xffff;
	v47 =	vmul.f32 v48, v19;
	v52 =	vmul.f32 v48, v8;
	v57 =	vadd.f32 v60, v60;
	v62 =	vpop (erf)  }
0xcd: {  	v43 =	vld.idx.msk [tilespmem:v40+s31+$0x0], $0xffff;
	(erf) = vrcp.f32 v1;
	v1 =	vadd.f32 v22, v4;
	v50 =	vadd.f32 v2, v3;
	v63 =	vpop (erf)  }
0xce: {  	s6 =	sadd.s32 $0x20, s6;
	v55 =	vadd.f32 v20, v49;
	v49 =	vmul.f32 v44, v7;
	[tilespmem:v41+s21+$0x0] =	vst.idx.msk $0xffff, v62;
	v54 =	vadd.f32 $1.000000000e+00, v63  }
0xcf: {  	_ =	sdelay $0x2  }
0xd0: {  	v8 =	vld [tilespmem:$0x1FEE0]  }
0xd1: {  	v4 =	vld.idx.msk [tilespmem:v42+s30+$0x0], $0xffff  }
0xd2: {  	v20 =	vld [tilespmem:$0x1FF30]  }
0xd3: {  	v1 =	vadd.f32 v1, v1;
	v21 =	vld.idx.msk [tilespmem:v42+s31+$0x0], $0xffff  }
0xd4: {  	v13 =	vld [tilespmem:$0x1FEF0]  }
0xd5: {  	v24 =	vadd.f32 v53, v51;
	v60 =	vld [tilespmem:$0x1FF10];
	v1 =	vmul.f32 $1.442695020e+00, v1  }
0xd6: {  	v5 =	vsub.f32 $1.000000000e+00, v57;
	(erf) = vrcp.f32 v54;
	v62 =	vadd.f32 v49, v45  }
0xd7: {  	v10 =	vld [tilespmem:$0x1FED0];
	v24 =	vadd.f32 v47, v24;
	v2 =	vadd.f32 v43, v58;
	(erf) = vpow2.f32 v1  }
0xd8: {  	v54 =	vld [tilespmem:$0x1FF20];
	v58 =	vadd.f32 v55, v55;
	v22 =	vpop (erf);
	v3 =	vmul.f32 v44, v8;
	v6 =	vmul.f32 v48, v20  }
0xd9: {  	v16 =	vld [tilespmem:$0x1FF60];
	v2 =	vadd.f32 v2, v2;
	v23 =	vmul.f32 v5, v13;
	v41 =	vpop (erf);
	v1 =	vadd.f32 v22, v22  }
0xda: {  	v15 =	vld [tilespmem:$0x1FF50];
	v43 =	vmul.f32 v5, v60;
	v4 =	vadd.f32 v21, v4;
	v41 =	vadd.f32 v41, v41  }
0xdb: {  	v22 =	vmul.f32 $1.442695020e+00, v58;
	v58 =	vld [tilespmem:$0x1FF00];
	v3 =	vadd.f32 v3, v56;
	v6 =	vadd.f32 v6, v50  }
0xdc: {  	v53 =	vld [tilespmem:$0x1FF40];
	v2 =	vmul.f32 $1.442695020e+00, v2;
	v4 =	vadd.f32 v4, v4;
	v1 =	vsub.f32 $1.000000000e+00, v1  }
0xdd: {  	v59 =	vpop (erf);
	(erf) = vpow2.f32 v22;
	v22 =	vmul.f32 v48, v54;
	v24 =	vadd.f32 v43, v24  }
0xde: {  	v51 =	vadd.f32 v59, v59;
	(erf) = vpow2.f32 v2;
	v63 =	vmul.f32 v1, v16  }
0xdf: {  	v7 =	vld [tilespmem:$0x1FFD0];
	v21 =	vsub.f32 $1.000000000e+00, v41;
	v48 =	vmul.f32 v1, v15;
	v24 =	vmul.f32 $1.442695020e+00, v24  }
0xe0: {  	v3 =	vadd.f32 v52, v3;
	v61 =	vmul.f32 v5, v58;
	(erf) = vpow2.f32 v46  }
0xe1: {  	v6 =	vadd.f32 v23, v6;
	v46 =	vmul.f32 v1, v53;
	v5 =	vmul.f32 v5, v10  }
0xe2: {  	v52 =	vld [tilespmem:$0x1FF90];
	v41 =	vsub.f32 $1.000000000e+00, v51;
	v1 =	vmul.f32 v1, v12;
	v50 =	vmul.f32 v21, v58  }
0xe3: {  	v2 =	vadd.f32 v61, v3;
	v3 =	vmul.f32 $1.442695020e+00, v4;
	v4 =	vadd.f32 v22, v62  }
0xe4: {  	v18 =	vld [tilespmem:$0x1FFB0];
	v57 =	vpop (erf);
	v6 =	vmul.f32 $1.442695020e+00, v6;
	v22 =	vmul.f32 v41, v7  }
0xe5: {  	v9 =	vld [tilespmem:$0x1FF70];
	v61 =	vpop (erf);
	(erf) = vpow2.f32 v3;
	v3 =	vadd.f32 v57, v57;
	v4 =	vadd.f32 v5, v4  }
0xe6: {  	v19 =	vld [tilespmem:$0x1FFA0];
	v56 =	vmul.f32 v41, v11;
	v59 =	vmul.f32 v41, v8;
	v62 =	vadd.f32 $1.000000000e+00, v61  }
0xe7: {  	v63 =	vadd.f32 v63, v52;
	v3 =	vsub.f32 $1.000000000e+00, v3;
	v4 =	vmul.f32 $1.442695020e+00, v4  }
0xe8: {  	v2 =	vmul.f32 $1.442695020e+00, v2;
	(erf) = vrcp.f32 v62  }
0xe9: {  	v45 =	vpop (erf);
	v23 =	vadd.f32 v59, v63;
	(erf) = vpow2.f32 v4;
	v49 =	vmul.f32 v3, v18  }
0xea: {  	v1 =	vadd.f32 v1, v9;
	v5 =	vadd.f32 $1.000000000e+00, v45;
	(erf) = vpow2.f32 v24  }
0xeb: {  	v55 =	vmul.f32 v3, v19;
	v24 =	vpop (erf);
	(erf) = vpow2.f32 v2;
	v2 =	vadd.f32 v49, v23  }
0xec: {  	v23 =	vadd.f32 v46, v17;
	v51 =	vadd.f32 $1.000000000e+00, v24;
	(erf) = vpow2.f32 v6  }
0xed: {  	v1 =	vadd.f32 v56, v1;
	v24 =	vmul.f32 v3, v54;
	(erf) = vrcp.f32 v5  }
0xee: {  	v4 =	vpop (erf);
	v2 =	vadd.f32 v50, v2;
	v22 =	vadd.f32 v22, v23;
	(erf) = vrcp.f32 v51;
	v51 =	vld [tilespmem:$0x1FF80]  }
0xef: {  	v56 =	vmul.f32 v21, v60  }
0xf0: {  	v1 =	vadd.f32 v55, v1;
	v23 =	vpop (erf);
	v2 =	vmul.f32 $1.442695020e+00, v2;
	v22 =	vadd.f32 v24, v22  }
0xf1: {  	v44 =	vmul.f32 v21, v10;
	v57 =	vadd.f32 $1.000000000e+00, v23  }
0xf2: {  	v3 =	vmul.f32 v3, v20;
	v1 =	vadd.f32 v56, v1;
	v24 =	vpop (erf);
	(erf) = vpow2.f32 v2  }
0xf3: {  	v2 =	vmul.f32 v41, v14;
	v5 =	vpop (erf);
	(erf) = vrcp.f32 v57;
	v23 =	vadd.f32 v48, v51  }
0xf4: {  	v59 =	vadd.f32 v44, v22;
	v22 =	vpop (erf)  }
0xf5: {  	v1 =	vmul.f32 $1.442695020e+00, v1;
	v2 =	vadd.f32 v2, v23;
	v23 =	vadd.f32 v24, v24;
	v24 =	vpop (erf)  }
0xf6: {  	v21 =	vmul.f32 v21, v13;
	v6 =	vmul.f32 $1.442695020e+00, v59;
	v41 =	vpop (erf)  }
0xf7: {  	(erf) = vpow2.f32 v1;
	v2 =	vadd.f32 v3, v2;
	v1 =	vsub.f32 $1.000000000e+00, v23;
	v3 =	vpop (erf)  }
0xf8: {  	(erf) = vpow2.f32 v6;
	v3 =	vadd.f32 v3, v3  }
0xf9: {  	v61 =	vpop (erf);
	v23 =	vmul.f32 v1, v53;
	v2 =	vadd.f32 v21, v2;
	v21 =	vmul.f32 v1, v12  }
0xfa: {  	v62 =	vmul.f32 v1, v15;
	v6 =	vadd.f32 v61, v61;
	v3 =	vsub.f32 $1.000000000e+00, v3  }
0xfb: {  	v1 =	vmul.f32 v1, v16;
	v44 =	vpop (erf);
	v23 =	vadd.f32 v23, v17;
	v21 =	vadd.f32 v21, v9  }
0xfc: {  	v43 =	vadd.f32 v62, v51;
	v6 =	vsub.f32 $1.000000000e+00, v6;
	v50 =	vpop (erf);
	v2 =	vmul.f32 $1.442695020e+00, v2  }
0xfd: {  	v63 =	vmul.f32 v3, v14;
	v46 =	vadd.f32 v50, v50;
	v55 =	vmul.f32 v3, v11  }
0xfe: {  	v1 =	vadd.f32 v1, v52;
	v56 =	vmul.f32 v3, v7;
	v3 =	vmul.f32 v3, v8  }
0xff: {  	v57 =	vmul.f32 v6, v19;
	v46 =	vsub.f32 $1.000000000e+00, v46;
	v21 =	vadd.f32 v55, v21  }
0x100: {  	v59 =	vmul.f32 v6, v54;
	v61 =	vmul.f32 v6, v18;
	v23 =	vadd.f32 v56, v23  }
0x101: {  	v6 =	vmul.f32 v6, v20;
	v62 =	vmul.f32 v46, v60;
	v21 =	vadd.f32 v57, v21  }
0x102: {  	v1 =	vadd.f32 v3, v1;
	v3 =	vadd.f32 v59, v23;
	v23 =	vmul.f32 v46, v10  }
0x103: {  	(erf) = vpow2.f32 v2;
	v43 =	vadd.f32 v63, v43;
	v21 =	vadd.f32 v62, v21  }
0x104: {  	v1 =	vadd.f32 v61, v1;
	v63 =	vmul.f32 v46, v58;
	v3 =	vadd.f32 v23, v3  }
0x105: {  	v6 =	vadd.f32 v6, v43;
	v23 =	vmul.f32 v46, v13;
	v2 =	vmul.f32 $1.442695020e+00, v21;
	v21 =	vld [tilespmem:$0x1FEB0]  }
0x106: {  	v1 =	vadd.f32 v63, v1;
	v3 =	vmul.f32 $1.442695020e+00, v3  }
0x107: {  	v6 =	vadd.f32 v23, v6  }
0x108: {  	v1 =	vmul.f32 $1.442695020e+00, v1;
	(erf) = vpow2.f32 v3  }
0x109: {  	[tilespmem:v37+s21+$0x0] =	vst.idx.msk $0xffff, v5;
	(erf) = vpow2.f32 v2;
	v2 =	vmul.f32 $1.442695020e+00, v6  }
0x10a: {  	[tilespmem:v29+s21+$0x0] =	vst.idx.msk $0xffff, v24  }
0x10b: {  	[tilespmem:v31+s21+$0x0] =	vst.idx.msk $0xffff, v22  }
0x10c: {  	[tilespmem:v28+s21+$0x0] =	vst.idx.msk $0xffff, v41;
	(erf) = vpow2.f32 v1;
	v1 =	vpop (erf)  }
0x10d: {  	(erf) = vpow2.f32 v2;
	v2 =	vpop (erf);
	[tilespmem:v21+s21+$0x0] =	vst.idx.msk $0xffff, v38  }
0x10e: {  	[tilespmem:v33+s21+$0x0] =	vst.idx.msk $0xffff, v2  }
0x10f: {  	[tilespmem:v27+s21+$0x0] =	vst.idx.msk $0xffff, v39  }
0x110: {  	[tilespmem:v32+s21+$0x0] =	vst.idx.msk $0xffff, v44  }
0x111: {  	[tilespmem:v26+s21+$0x0] =	vst.idx.msk $0xffff, v4  }
0x112: {  	v2 =	vpop (erf);
	[tilespmem:v34+s21+$0x0] =	vst.idx.msk $0xffff, v1  }
0x113: {  	[tilespmem:v30+s21+$0x0] =	vst.idx.msk $0xffff, v2  }
0x114: {  	v22 =	vld [tilespmem:$0x1FFC0];
	_ =	sdelay $0x3  }
0x115: {  	v1 =	vpop (erf)  }
0x116: {  	v2 =	vpop (erf);
	v34 =	vor.u32 $0x5, v22  }
0x117: {  	[tilespmem:v36+s21+$0x0] =	vst.idx.msk $0xffff, v1;
	v1 =	vpop (erf);
	v37 =	vor.u32 $0x6, v22  }
0x118: {  	[tilespmem:v35+s21+$0x0] =	vst.idx.msk $0xffff, v1;
	v38 =	vor.u32 $0x4, v22  }
0x119: {  	v1 =	vpop (erf);
	[tilespmem:v40+s21+$0x0] =	vst.idx.msk $0xffff, v2  }
0x11a: {  	[tilespmem:v42+s21+$0x0] =	vst.idx.msk $0xffff, v1  }
0x11b: {  	v1 =	vld.idx.msk [tilespmem:v34+s30+$0x0], $0xffff  }
0x11c: {  	v2 =	vld.idx.msk [tilespmem:v37+s31+$0x0], $0xffff  }
0x11d: {  	v3 =	vld.idx.msk [tilespmem:v38+s30+$0x0], $0xffff  }
0x11e: {  	v4 =	vld.idx.msk [tilespmem:v34+s31+$0x0], $0xffff  }
0x11f: {  	v5 =	vld.idx.msk [tilespmem:v38+s31+$0x0], $0xffff;
	[tilespmem:$0x1FEA0] =	vst v37  }
0x120: {  	v6 =	vld.idx.msk [tilespmem:v37+s30+$0x0], $0xffff;
	_ =	sdelay $0x1  }
0x121: {  	v39 =	vld [tilespmem:$0x1FFE0]  }
0x122: {  	v31 =	vor.u32 $0x7, v22;
	v1 =	vadd.f32 v4, v1  }
0x123: {  	v3 =	vadd.f32 v5, v3  }
0x124: {  	v2 =	vadd.f32 v2, v6;
	v1 =	vadd.f32 v1, v1  }
0x125: {  	v3 =	vadd.f32 v3, v3  }
0x126: {  	v25 =	vor.u32 $0x5, v39;
	v2 =	vadd.f32 v2, v2;
	v1 =	vmul.f32 $1.442695020e+00, v1  }
0x127: {  	v40 =	vld.idx.msk [tilespmem:v31+s31+$0x0], $0xffff;
	v3 =	vmul.f32 $1.442695020e+00, v3  }
0x128: {  	v41 =	vld.idx.msk [tilespmem:v31+s30+$0x0], $0xffff;
	v2 =	vmul.f32 $1.442695020e+00, v2;
	(erf) = vpow2.f32 v1  }
0x129: {  	(erf) = vpow2.f32 v3  }
0x12a: {  	v27 =	vor.u32 $0x6, v39;
	(erf) = vpow2.f32 v2  }
0x12b: {  	v1 =	vld.idx.msk [tilespmem:v25+s31+$0x0], $0xffff  }
0x12c: {  	v32 =	vor.u32 $0x4, v39;
	v2 =	vld.idx.msk [tilespmem:v25+s30+$0x0], $0xffff  }
0x12d: {  	v3 =	vadd.f32 v40, v41  }
0x12e: {  	v47 =	vld [tilespmem:$0x1FEC0]  }
0x12f: {  	v23 =	vor.u32 $0x7, v39;
	v42 =	vld.idx.msk [tilespmem:v27+s31+$0x0], $0xffff;
	v3 =	vadd.f32 v3, v3  }
0x130: {  	v22 =	vld.idx.msk [tilespmem:v27+s30+$0x0], $0xffff  }
0x131: {  	v43 =	vld.idx.msk [tilespmem:v32+s30+$0x0], $0xffff;
	v3 =	vmul.f32 $1.442695020e+00, v3;
	v1 =	vadd.f32 v1, v2;
	v44 =	vpop (erf)  }
0x132: {  	v24 =	vld.idx.msk [tilespmem:v32+s31+$0x0], $0xffff;
	v2 =	vadd.f32 $1.000000000e+00, v44;
	v45 =	vpop (erf)  }
0x133: {  	(erf) = vpow2.f32 v3;
	v1 =	vadd.f32 v1, v1;
	v3 =	vadd.f32 $1.000000000e+00, v45;
	v46 =	vpop (erf)  }
0x134: {  	v29 =	vld.idx.msk [tilespmem:v23+s31+$0x0], $0xffff;
	v6 =	vadd.f32 $1.000000000e+00, v46;
	(erf) = vrcp.f32 v2  }
0x135: {  	v1 =	vmul.f32 $1.442695020e+00, v1;
	v2 =	vld.idx.msk [tilespmem:v23+s30+$0x0], $0xffff;
	(erf) = vrcp.f32 v3;
	v3 =	vadd.f32 v42, v22  }
0x136: {  	v4 =	vor.u32 v0, v47;
	(erf) = vrcp.f32 v6  }
0x137: {  	(erf) = vpow2.f32 v1;
	v1 =	vadd.f32 v24, v43;
	v3 =	vadd.f32 v3, v3  }
0x138: {  	v30 =	vor.u32 $0x7, v4  }
0x139: {  	v33 =	vor.u32 $0x6, v4;
	v3 =	vmul.f32 $1.442695020e+00, v3;
	v1 =	vadd.f32 v1, v1  }
0x13a: {  	v24 =	vor.u32 $0x5, v4;
	v2 =	vadd.f32 v29, v2  }
0x13b: {  	v1 =	vmul.f32 $1.442695020e+00, v1;
	(erf) = vpow2.f32 v3  }
0x13c: {  	v48 =	vpop (erf);
	v2 =	vadd.f32 v2, v2  }
0x13d: {  	v56 =	vld.idx.msk [tilespmem:v30+s31+$0x0], $0xffff;
	v29 =	vor.u32 $0x4, v4;
	v35 =	vpop (erf);
	(erf) = vpow2.f32 v1  }
0x13e: {  	v22 =	vld.idx.msk [tilespmem:v33+s31+$0x0], $0xffff;
	v2 =	vmul.f32 $1.442695020e+00, v2;
	v49 =	vpop (erf)  }
0x13f: {  	v3 =	vld.idx.msk [tilespmem:v24+s30+$0x0], $0xffff;
	v1 =	vpop (erf)  }
0x140: {  	v36 =	vld.idx.msk [tilespmem:v24+s31+$0x0], $0xffff;
	(erf) = vpow2.f32 v2;
	v55 =	vpop (erf)  }
0x141: {  	v26 =	vmov v34;
	v2 =	vld.idx.msk [tilespmem:v33+s30+$0x0], $0xffff;
	v34 =	vadd.f32 $1.000000000e+00, v55  }
0x142: {  	v50 =	vld.idx.msk [tilespmem:v29+s30+$0x0], $0xffff  }
0x143: {  	v37 =	vld.idx.msk [tilespmem:v29+s31+$0x0], $0xffff;
	(erf) = vrcp.f32 v34  }
0x144: {  	v39 =	vld.idx.msk [tilespmem:v30+s30+$0x0], $0xffff;
	v57 =	vpop (erf)  }
0x145: {  	v28 =	vmov v38;
	v6 =	vadd.f32 v49, v49;
	v38 =	vadd.f32 $1.000000000e+00, v57  }
0x146: {  	v3 =	vadd.f32 v36, v3;
	v2 =	vadd.f32 v22, v2;
	v22 =	vpop (erf)  }
0x147: {  	v6 =	vsub.f32 $1.000000000e+00, v6;
	v22 =	vadd.f32 $1.000000000e+00, v22;
	(erf) = vrcp.f32 v38  }
0x148: {  	v4 =	vadd.f32 v37, v50;
	v3 =	vadd.f32 v3, v3  }
0x149: {  	v36 =	vmul.f32 v6, v12;
	v34 =	vadd.f32 v56, v39;
	v59 =	vpop (erf);
	(erf) = vrcp.f32 v22  }
0x14a: {  	v43 =	vmul.f32 v6, v53;
	v4 =	vadd.f32 v4, v4;
	v37 =	vadd.f32 $1.000000000e+00, v59  }
0x14b: {  	v5 =	vmul.f32 v6, v16;
	v3 =	vmul.f32 $1.442695020e+00, v3;
	v2 =	vadd.f32 v2, v2  }
0x14c: {  	v34 =	vadd.f32 v34, v34;
	v4 =	vmul.f32 $1.442695020e+00, v4;
	(erf) = vrcp.f32 v37;
	v22 =	vpop (erf)  }
0x14d: {  	v2 =	vmul.f32 $1.442695020e+00, v2;
	(erf) = vpow2.f32 v3;
	v3 =	vadd.f32 v22, v22  }
0x14e: {  	v1 =	vadd.f32 v1, v1;
	v22 =	vmul.f32 $1.442695020e+00, v34;
	(erf) = vpow2.f32 v4  }
0x14f: {  	(erf) = vpow2.f32 v2;
	v2 =	vadd.f32 $1.000000000e+00, v48;
	v3 =	vsub.f32 $1.000000000e+00, v3  }
0x150: {  	v1 =	vsub.f32 $1.000000000e+00, v1;
	v4 =	vmul.f32 v6, v15;
	(erf) = vpow2.f32 v22;
	v61 =	vpop (erf)  }
0x151: {  	(erf) = vrcp.f32 v2;
	v2 =	vadd.f32 v61, v61;
	v6 =	vmul.f32 v3, v7;
	v7 =	vld [tilespmem:$0x1FFF0]  }
0x152: {  	v40 =	vmul.f32 v1, v18;
	v22 =	vpop (erf)  }
0x153: {  	v44 =	vmul.f32 v1, v54;
	v47 =	vadd.f32 v5, v52;
	v22 =	vadd.f32 v22, v22  }
0x154: {  	v45 =	vmul.f32 v1, v19;
	v50 =	vadd.f32 v4, v51;
	v41 =	vsub.f32 $1.000000000e+00, v2  }
0x155: {  	v55 =	vmul.f32 v3, v8;
	v42 =	vmul.f32 v3, v14;
	v2 =	vpop (erf);
	v22 =	vsub.f32 $1.000000000e+00, v22  }
0x156: {  	v59 =	vmul.f32 v41, v18;
	v34 =	vor.u32 $0x4, v7;
	v38 =	vor.u32 $0x6, v7;
	v62 =	vpop (erf)  }
0x157: {  	v2 =	vadd.f32 v2, v2;
	v37 =	vadd.f32 $1.000000000e+00, v62;
	v57 =	vmul.f32 v22, v12  }
0x158: {  	v39 =	vor.u32 $0x5, v7;
	v63 =	vpop (erf);
	v62 =	vmul.f32 v22, v53;
	v53 =	vmul.f32 v22, v15  }
0x159: {  	v46 =	vsub.f32 $1.000000000e+00, v2;
	v2 =	vadd.f32 $1.000000000e+00, v63;
	v56 =	vpop (erf);
	(erf) = vrcp.f32 v37  }
0x15a: {  	v63 =	vmul.f32 v22, v16;
	v22 =	vmul.f32 v41, v54;
	v5 =	vadd.f32 $1.000000000e+00, v56;
	v61 =	vpop (erf)  }
0x15b: {  	v48 =	vadd.f32 v62, v17;
	(erf) = vrcp.f32 v2;
	v2 =	vmul.f32 v3, v11;
	v3 =	vpop (erf)  }
0x15c: {  	v4 =	vadd.f32 v57, v9;
	v57 =	vmul.f32 v1, v20;
	v56 =	vld.idx.msk [tilespmem:v38+s31+$0x0], $0xffff;
	v3 =	vadd.f32 v3, v3  }
0x15d: {  	v37 =	vadd.f32 $1.000000000e+00, v61;
	(erf) = vrcp.f32 v5;
	v5 =	vld.idx.msk [tilespmem:v38+s30+$0x0], $0xffff;
	v6 =	vadd.f32 v6, v48  }
0x15e: {  	v2 =	vadd.f32 v2, v4;
	v49 =	vsub.f32 $1.000000000e+00, v3;
	v3 =	vmul.f32 v41, v19  }
0x15f: {  	v61 =	vadd.f32 v63, v52;
	v54 =	vld.idx.msk [tilespmem:v34+s30+$0x0], $0xffff;
	v4 =	vadd.f32 v22, v6;
	v6 =	vmul.f32 v46, v10  }
0x160: {  	v21 =	vmovc v23;
	v60 =	vmul.f32 v46, v60;
	v51 =	vld.idx.msk [tilespmem:v39+s31+$0x0], $0xffff;
	v22 =	vor.u32 $0x7, v7;
	v3 =	vadd.f32 v3, v2  }
0x161: {  	v1 =	vld.idx.msk [tilespmem:v39+s30+$0x0], $0xffff;
	v52 =	vmul.f32 v49, v13;
	v58 =	vmul.f32 v49, v58;
	v48 =	vadd.f32 v6, v4  }
0x162: {  	s3 =	simm.s32 $0x2;
	s6 =	simm.s32 $0x50;
	v63 =	vld.idx.msk [tilespmem:v34+s31+$0x0], $0xffff;
	v2 =	vadd.f32 v56, v5;
	v62 =	vadd.f32 v60, v3;
	v60 =	vmul.f32 v49, v10;
	v56 =	vpop (erf)  }
.LBB2_4:
0x163: {  	_ = 	snop  }
0x164: {  	v19 =	vld [tilespmem:$0x1FF00];
	_ =	sdelay $0x2  }
0x165: {  	s8 =	sadd.s32 $0xFFFFFFF0, s6;
	v20 =	vld [tilespmem:$0x1FF10];
	v5 =	vadd.f32 v55, v61;
	v1 =	vadd.f32 v51, v1  }
0x166: {  	v8 =	vld.idx.msk [tilespmem:v22+s31+$0x0], $0xffff;
	v7 =	vmov s8;
	v61 =	vmul.f32 $1.442695020e+00, v62;
	v2 =	vadd.f32 v2, v2  }
0x167: {  	v9 =	vld.idx.msk [tilespmem:v22+s30+$0x0], $0xffff;
	v3 =	vpop (erf);
	v5 =	vadd.f32 v59, v5;
	v6 =	vmul.f32 v46, v19;
	v1 =	vadd.f32 v1, v1  }
0x168: {  	v10 =	vshll.u32 v7, $0x3;
	v3 =	vadd.f32 v3, v3;
	v51 =	vmovc v27;
	v27 =	vmovc v39;
	v39 =	vadd.f32 v35, v35  }
0x169: {  	v18 =	vmovc v17;
	v5 =	vadd.f32 v6, v5;
	v6 =	vadd.f32 v43, v17;
	v17 =	vld [tilespmem:$0x1FF80];
	v1 =	vmul.f32 $1.442695020e+00, v1  }
0x16a: {  	v7 =	vor.u32 v0, v10;
	v62 =	vadd.f32 v63, v54;
	v4 =	vmul.f32 v49, v20  }
0x16b: {  	v63 =	vpop (erf);
	v49 =	vor.u32 $0x6, v7;
	(erf) = vpow2.f32 v1;
	v1 =	vsub.f32 $1.000000000e+00, v39  }
0x16c: {  	v23 =	vmovc v38;
	v38 =	vmov v25;
	v25 =	vld [tilespmem:$0x1FF70];
	v2 =	vmul.f32 $1.442695020e+00, v2;
	v3 =	vsub.f32 $1.000000000e+00, v3  }
0x16d: {  	v13 =	vmovc v11;
	v16 =	vmovc v14;
	v8 =	vadd.f32 v8, v9;
	v5 =	vmul.f32 $1.442695020e+00, v5;
	v10 =	vmul.f32 v1, v11;
	v11 =	vld [tilespmem:$0x1FFD0]  }
0x16e: {  	v43 =	vadd.f32 v53, v17;
	v53 =	vmul.f32 v3, v12;
	v9 =	vmul.f32 v1, v14;
	v14 =	vmovc v12;
	v12 =	vld [tilespmem:$0x1FEE0]  }
0x16f: {  	v55 =	vor.u32 $0x4, v7;
	v62 =	vadd.f32 v62, v62;
	v8 =	vadd.f32 v8, v8  }
0x170: {  	v59 =	vor.u32 $0x5, v7;
	v54 =	vmovc v21;
	v21 =	vmovc v22;
	v22 =	vor.u32 $0x7, v7;
	(erf) = vpow2.f32 v5;
	v5 =	vld.idx.msk [tilespmem:v49+s31+$0x0], $0xffff  }
0x171: {  	v7 =	vmul.f32 $1.442695020e+00, v62;
	v62 =	vadd.f32 v36, v25;
	v8 =	vmul.f32 $1.442695020e+00, v8;
	v36 =	vmovc v53;
	v53 =	vld.idx.msk [tilespmem:v49+s30+$0x0], $0xffff  }
0x172: {  	(erf) = vpow2.f32 v2;
	v2 =	vmul.f32 v1, v11  }
0x173: {  	v15 =	vld [tilespmem:$0x1FEF0];
	v42 =	vadd.f32 v42, v43;
	v10 =	vadd.f32 v10, v62;
	v1 =	vmul.f32 v1, v12  }
0x174: {  	v35 =	vmov v56;
	v56 =	vld.idx.msk [tilespmem:v55+s30+$0x0], $0xffff;
	v50 =	vadd.f32 v9, v50;
	v2 =	vadd.f32 v2, v6  }
0x175: {  	(erf) = vpow2.f32 v7;
	v9 =	vld.idx.msk [tilespmem:v55+s31+$0x0], $0xffff;
	v1 =	vadd.f32 v1, v47;
	v47 =	vadd.f32 v45, v10  }
0x176: {  	(erf) = vpow2.f32 v8;
	v6 =	vadd.f32 v57, v50;
	v8 =	vpop (erf);
	v5 =	vadd.f32 v5, v53  }
0x177: {  	v57 =	vld [tilespmem:$0x1FF30];
	v45 =	vadd.f32 v63, v63;
	v8 =	vadd.f32 $1.000000000e+00, v8  }
0x178: {  	v46 =	vmul.f32 v46, v15;
	v2 =	vadd.f32 v44, v2;
	v1 =	vadd.f32 v40, v1  }
0x179: {  	v10 =	vpop (erf);
	(erf) = vpow2.f32 v61;
	v4 =	vadd.f32 v4, v47;
	v6 =	vadd.f32 v52, v6  }
0x17a: {  	v39 =	vld.idx.msk [tilespmem:v59+s30+$0x0], $0xffff;
	(erf) = vrcp.f32 v8;
	v8 =	vadd.f32 v9, v56;
	v2 =	vadd.f32 v60, v2  }
0x17b: {  	v62 =	vld.idx.msk [tilespmem:v59+s31+$0x0], $0xffff;
	v56 =	vmul.f32 $1.442695020e+00, v48;
	v1 =	vadd.f32 v58, v1;
	v4 =	vmul.f32 $1.442695020e+00, v4  }
0x17c: {  	v5 =	vadd.f32 v5, v5;
	v9 =	vpop (erf);
	v50 =	vmul.f32 v41, v57;
	v2 =	vmul.f32 $1.442695020e+00, v2  }
0x17d: {  	v43 =	vld.idx.msk [tilespmem:v22+s31+$0x0], $0xffff;
	v9 =	vadd.f32 $1.000000000e+00, v9;
	v6 =	vmul.f32 $1.442695020e+00, v6;
	v1 =	vmul.f32 $1.442695020e+00, v1  }
0x17e: {  	v63 =	vld [tilespmem:$0x1FFB0];
	v5 =	vmul.f32 $1.442695020e+00, v5;
	v44 =	vpop (erf);
	v7 =	vadd.f32 v50, v42;
	(erf) = vpow2.f32 v2  }
0x17f: {  	v58 =	vadd.f32 $1.000000000e+00, v44;
	v2 =	vadd.f32 v8, v8;
	v8 =	vld.idx.msk [tilespmem:v22+s30+$0x0], $0xffff;
	(erf) = vpow2.f32 v1  }
0x180: {  	v52 =	vld [tilespmem:$0x1FF40];
	v1 =	vadd.f32 v62, v39;
	v7 =	vadd.f32 v46, v7;
	(erf) = vpow2.f32 v4  }
0x181: {  	v53 =	vld [tilespmem:$0x1FF50];
	v47 =	vpop (erf);
	v2 =	vmul.f32 $1.442695020e+00, v2;
	v4 =	vsub.f32 $1.000000000e+00, v45;
	(erf) = vpow2.f32 v6  }
0x182: {  	v50 =	vadd.f32 $1.000000000e+00, v47;
	v45 =	vld [tilespmem:$0x1FEA0];
	v7 =	vmul.f32 $1.442695020e+00, v7;
	(erf) = vrcp.f32 v9  }
0x183: {  	v1 =	vadd.f32 v1, v1;
	v9 =	vpop (erf);
	v40 =	vmul.f32 v4, v63;
	(erf) = vpow2.f32 v56  }
0x184: {  	v57 =	vmul.f32 v4, v57;
	v60 =	vadd.f32 v43, v8;
	(erf) = vrcp.f32 v58  }
0x185: {  	v47 =	vmov s6;
	v1 =	vmul.f32 $1.442695020e+00, v1;
	v61 =	vpop (erf);
	v43 =	vmul.f32 v3, v52  }
0x186: {  	v39 =	vadd.f32 v61, v61;
	(erf) = vrcp.f32 v50;
	v62 =	vadd.f32 v60, v60  }
0x187: {  	v46 =	vmov v33;
	(erf) = vpow2.f32 v1;
	v1 =	vmul.f32 v3, v53;
	v8 =	vpop (erf)  }
0x188: {  	v56 =	vld [tilespmem:$0x1FF60];
	v48 =	vsub.f32 $1.000000000e+00, v39;
	v6 =	vmul.f32 $1.442695020e+00, v62;
	[tilespmem:v28+s21+$0x0] =	vst.idx.msk $0xffff, v8;
	v8 =	vpop (erf);
	(erf) = vpow2.f32 v7  }
0x189: {  	v28 =	vmov v29;
	v29 =	vmov v55;
	(erf) = vpow2.f32 v2;
	[tilespmem:v26+s21+$0x0] =	vst.idx.msk $0xffff, v8;
	v2 =	vpop (erf)  }
0x18a: {  	v60 =	vld [tilespmem:$0x1FF20];
	v55 =	vmul.f32 v48, v12;
	v12 =	vmov v14;
	(erf) = vpow2.f32 v5;
	[tilespmem:v45+s21+$0x0] =	vst.idx.msk $0xffff, v2;
	v2 =	vpop (erf)  }
0x18b: {  	v14 =	vmov v16;
	v42 =	vmul.f32 v48, v16;
	(erf) = vpow2.f32 v6;
	[tilespmem:v31+s21+$0x0] =	vst.idx.msk $0xffff, v2;
	v2 =	vpop (erf)  }
0x18c: {  	v6 =	vmul.f32 v48, v11;
	v11 =	vmov v13;
	v13 =	vld [tilespmem:$0x1FFA0];
	v16 =	vadd.f32 v2, v2;
	v50 =	vpop (erf)  }
0x18d: {  	[tilespmem:$0x1FEA0] =	vst v46;
	v3 =	vmul.f32 v3, v56;
	v5 =	vshll.u32 v47, $0x3;
	(erf) = vrcp.f32 v37;
	v8 =	vpop (erf)  }
0x18e: {  	v26 =	vmovc v24;
	v24 =	vmovc v59;
	v5 =	vor.u32 v0, v5;
	v61 =	vadd.f32 v8, v8;
	v41 =	vsub.f32 $1.000000000e+00, v16;
	v16 =	vld [tilespmem:$0x1FF90]  }
0x18f: {  	v44 =	vmul.f32 v4, v60;
	v39 =	vor.u32 $0x5, v5;
	[tilespmem:v32+s21+$0x0] =	vst.idx.msk $0xffff, v50;
	v50 =	vadd.f32 v1, v17;
	v2 =	vpop (erf)  }
0x190: {  	[tilespmem:v38+s21+$0x0] =	vst.idx.msk $0xffff, v10;
	v38 =	vor.u32 $0x6, v5;
	v10 =	vpop (erf);
	v2 =	vadd.f32 v2, v2;
	v7 =	vsub.f32 $1.000000000e+00, v61  }
0x191: {  	v8 =	vor.u32 $0x4, v5;
	[tilespmem:v51+s21+$0x0] =	vst.idx.msk $0xffff, v9;
	v45 =	vmul.f32 v4, v13;
	v62 =	vadd.f32 $1.000000000e+00, v10;
	v10 =	vpop (erf)  }
0x192: {  	v59 =	vmul.f32 v41, v63;
	v46 =	vsub.f32 $1.000000000e+00, v2;
	v31 =	vpop (erf);
	[tilespmem:v54+s21+$0x0] =	vst.idx.msk $0xffff, v10;
	v10 =	vmul.f32 v7, v52  }
0x193: {  	v1 =	vmul.f32 v7, v12;
	v63 =	vmul.f32 v7, v56;
	v47 =	vadd.f32 v3, v16;
	v3 =	vpop (erf)  }
0x194: {  	v2 =	vadd.f32 $1.000000000e+00, v31;
	(erf) = vrcp.f32 v62;
	v9 =	vpop (erf);
	v10 =	vadd.f32 v10, v18  }
0x195: {  	v53 =	vmul.f32 v7, v53;
	v56 =	vld.idx.msk [tilespmem:v38+s30+$0x0], $0xffff;
	v3 =	vadd.f32 $1.000000000e+00, v3;
	v37 =	vadd.f32 $1.000000000e+00, v9  }
0x196: {  	(erf) = vrcp.f32 v2;
	v2 =	vmul.f32 v48, v11;
	v31 =	vpop (erf);
	v6 =	vadd.f32 v6, v10;
	v10 =	vld [tilespmem:$0x1FED0]  }
0x197: {  	s3 =	sadd.s32 $0x2, s3;
	v9 =	vld.idx.msk [tilespmem:v38+s31+$0x0], $0xffff;
	v48 =	vadd.f32 v1, v25;
	(erf) = vrcp.f32 v3;
	v3 =	vadd.f32 v31, v31  }
0x198: {  	p1 =	slt.u32 s3, $0x7E;
	v33 =	vmovc v49;
	v17 =	vmov v18;
	v52 =	vmul.f32 v41, v60;
	v54 =	vld.idx.msk [tilespmem:v8+s30+$0x0], $0xffff;
	v7 =	vmul.f32 v46, v20  }
.Ltmp1:
0x199: {  	v32 =	vmovc v34;
	v51 =	vld.idx.msk [tilespmem:v39+s31+$0x0], $0xffff;
	v2 =	vadd.f32 v2, v48;
	v49 =	vsub.f32 $1.000000000e+00, v3;
	v3 =	vmul.f32 v41, v13;
	(pc) =	sbr.rel @p1 .LBB2_4-.Ltmp1, $4  }
0x19a: {  	v34 =	vmovc v8;
	v61 =	vadd.f32 v63, v16;
	v63 =	vld.idx.msk [tilespmem:v8+s31+$0x0], $0xffff;
	v31 =	vmovc v30;
	v30 =	vmov v22;
	v22 =	vor.u32 $0x7, v5  }
0x19b: {  	v25 =	vmovc v27;
	v60 =	vadd.f32 v52, v6;
	v3 =	vadd.f32 v3, v2;
	v62 =	vmul.f32 v46, v10  }
0x19c: {  	v27 =	vmovc v23;
	v52 =	vmul.f32 v49, v15;
	v58 =	vmul.f32 v49, v19;
	v2 =	vadd.f32 v9, v56  }
0x19d: {  	s6 =	sadd.s32 $0x20, s6;
	v1 =	vld.idx.msk [tilespmem:v39+s30+$0x0], $0xffff;
	v56 =	vpop (erf);
	v48 =	vadd.f32 v62, v60;
	v60 =	vmul.f32 v49, v10;
	v62 =	vadd.f32 v7, v3  }
0x19e: {  	v3 =	vadd.f32 v55, v61;
	v55 =	vld [tilespmem:$0x1FF00];
	_ =	sdelay $0x3  }
0x19f: {  	v1 =	vadd.f32 v51, v1  }
0x1a0: {  	v3 =	vadd.f32 v59, v3;
	v4 =	vmul.f32 v46, v55  }
0x1a1: {  	v5 =	vld.idx.msk [tilespmem:v22+s31+$0x0], $0xffff;
	v1 =	vadd.f32 v1, v1  }
0x1a2: {  	v3 =	vadd.f32 v4, v3;
	v4 =	vld.idx.msk [tilespmem:v22+s30+$0x0], $0xffff  }
0x1a3: {  	v6 =	vadd.f32 v35, v35;
	v18 =	vld [tilespmem:$0x1FF70];
	v1 =	vmul.f32 $1.442695020e+00, v1  }
0x1a4: {  	v2 =	vadd.f32 v2, v2;
	v51 =	vld [tilespmem:$0x1FFD0]  }
0x1a5: {  	v7 =	vadd.f32 v63, v54;
	(erf) = vpow2.f32 v1;
	v1 =	vsub.f32 $1.000000000e+00, v6  }
0x1a6: {  	v54 =	vld [tilespmem:$0x1FEE0];
	v2 =	vmul.f32 $1.442695020e+00, v2;
	v3 =	vmul.f32 $1.442695020e+00, v3  }
0x1a7: {  	v6 =	vadd.f32 v7, v7;
	v4 =	vadd.f32 v5, v4;
	v5 =	vmul.f32 v1, v14  }
0x1a8: {  	v7 =	vadd.f32 v43, v17;
	(erf) = vpow2.f32 v3;
	v3 =	vadd.f32 v36, v18  }
0x1a9: {  	v8 =	vmul.f32 v1, v11;
	v9 =	vmul.f32 v1, v51;
	v5 =	vadd.f32 v5, v50;
	v50 =	vld [tilespmem:$0x1FF10]  }
0x1aa: {  	(erf) = vpow2.f32 v2;
	v6 =	vmul.f32 $1.442695020e+00, v6  }
0x1ab: {  	v1 =	vmul.f32 v1, v54;
	v2 =	vadd.f32 v8, v3;
	v3 =	vadd.f32 v9, v7  }
0x1ac: {  	v4 =	vadd.f32 v4, v4  }
0x1ad: {  	v1 =	vadd.f32 v1, v47;
	(erf) = vpow2.f32 v6;
	v3 =	vadd.f32 v44, v3  }
0x1ae: {  	v2 =	vadd.f32 v45, v2;
	v6 =	vpop (erf);
	v4 =	vmul.f32 $1.442695020e+00, v4;
	v7 =	vmul.f32 v49, v50  }
0x1af: {  	v9 =	vmul.f32 $1.442695020e+00, v62;
	v1 =	vadd.f32 v40, v1;
	v8 =	vpop (erf);
	v3 =	vadd.f32 v60, v3  }
0x1b0: {  	v5 =	vadd.f32 v57, v5;
	(erf) = vpow2.f32 v4;
	v10 =	vpop (erf);
	v2 =	vadd.f32 v7, v2  }
0x1b1: {  	v1 =	vadd.f32 v58, v1;
	v4 =	vadd.f32 $1.000000000e+00, v10;
	v3 =	vmul.f32 $1.442695020e+00, v3  }
0x1b2: {  	(erf) = vpow2.f32 v9;
	v2 =	vmul.f32 $1.442695020e+00, v2  }
0x1b3: {  	v1 =	vmul.f32 $1.442695020e+00, v1;
	(erf) = vrcp.f32 v4;
	v4 =	vadd.f32 v52, v5  }
0x1b4: {  	v35 =	vpop (erf);
	(erf) = vpow2.f32 v3  }
0x1b5: {  	v3 =	vpop (erf);
	v4 =	vmul.f32 $1.442695020e+00, v4;
	(erf) = vpow2.f32 v1  }
0x1b6: {  	v1 =	vadd.f32 $1.000000000e+00, v3;
	(erf) = vpow2.f32 v2;
	v2 =	vpop (erf)  }
0x1b7: {  	v3 =	vmul.f32 $1.442695020e+00, v48;
	(erf) = vpow2.f32 v4;
	v2 =	vadd.f32 $1.000000000e+00, v2  }
0x1b8: {  	v15 =	vld [tilespmem:$0x1FF80];
	(erf) = vrcp.f32 v1  }
0x1b9: {  	v49 =	vld [tilespmem:$0x1FF30];
	(erf) = vpow2.f32 v3  }
0x1ba: {  	v1 =	vpop (erf);
	(erf) = vrcp.f32 v2  }
0x1bb: {  	v2 =	vpop (erf)  }
0x1bc: {  	v3 =	vpop (erf)  }
0x1bd: {  	v1 =	vadd.f32 $1.000000000e+00, v1;
	v5 =	vpop (erf)  }
0x1be: {  	v9 =	vmul.f32 v41, v49;
	v4 =	vadd.f32 v53, v15;
	v7 =	vpop (erf)  }
0x1bf: {  	v10 =	vpop (erf)  }
0x1c0: {  	v4 =	vadd.f32 v42, v4;
	v36 =	vpop (erf)  }
0x1c1: {  	v47 =	vld [tilespmem:$0x1FEF0];
	(erf) = vrcp.f32 v1;
	v1 =	vpop (erf)  }
0x1c2: {  	v13 =	vld [tilespmem:$0x1FF60];
	v4 =	vadd.f32 v9, v4;
	v9 =	vpop (erf)  }
0x1c3: {  	v6 =	vadd.f32 v6, v6;
	v61 =	vpop (erf)  }
0x1c4: {  	v40 =	vadd.f32 v61, v61  }
0x1c5: {  	v6 =	vsub.f32 $1.000000000e+00, v6  }
0x1c6: {  	v60 =	vmul.f32 v46, v47;
	v40 =	vsub.f32 $1.000000000e+00, v40  }
0x1c7: {  	v41 =	vmul.f32 v6, v13  }
0x1c8: {  	v4 =	vadd.f32 v60, v4;
	v3 =	vadd.f32 v3, v3;
	v63 =	vmul.f32 v40, v13;
	v13 =	vmovc v11;
	v11 =	vld [tilespmem:$0x1FF40];
	_ =	sdelay $0x1  }
0x1c9: {  	v19 =	vld [tilespmem:$0x1FF90];
	v4 =	vmul.f32 $1.442695020e+00, v4;
	v3 =	vsub.f32 $1.000000000e+00, v3  }
0x1ca: {  	v16 =	vld [tilespmem:$0x1FFB0];
	v56 =	vadd.f32 v56, v56;
	v8 =	vadd.f32 v8, v8  }
0x1cb: {  	v20 =	vld [tilespmem:$0x1FF20];
	(erf) = vpow2.f32 v4;
	v4 =	vmul.f32 v3, v54;
	v1 =	vadd.f32 v1, v1;
	v48 =	vpop (erf)  }
0x1cc: {  	(erf) = vrcp.f32 v37;
	v43 =	vadd.f32 v48, v48;
	v48 =	vld [tilespmem:$0x1FFA0];
	v52 =	vmul.f32 v40, v11  }
0x1cd: {  	v57 =	vmul.f32 v3, v51;
	v1 =	vsub.f32 $1.000000000e+00, v1;
	v62 =	vmul.f32 v40, v12  }
0x1ce: {  	v37 =	vadd.f32 v63, v19;
	v44 =	vadd.f32 v52, v17;
	v52 =	vmul.f32 v6, v11;
	v11 =	vld [tilespmem:$0x1FF50]  }
0x1cf: {  	v59 =	vmul.f32 v1, v16;
	v53 =	vmul.f32 v3, v13;
	v42 =	vadd.f32 v62, v18  }
0x1d0: {  	v60 =	vmul.f32 v1, v20;
	v43 =	vsub.f32 $1.000000000e+00, v43;
	v4 =	vadd.f32 v4, v37  }
0x1d1: {  	v3 =	vmul.f32 v3, v14;
	v42 =	vadd.f32 v53, v42;
	v58 =	vmul.f32 v1, v48  }
0x1d2: {  	v19 =	vadd.f32 v41, v19;
	v62 =	vmul.f32 v43, v55;
	v4 =	vadd.f32 v59, v4  }
0x1d3: {  	v42 =	vadd.f32 v58, v42;
	v58 =	vsub.f32 $1.000000000e+00, v56;
	v40 =	vmul.f32 v40, v11  }
0x1d4: {  	v4 =	vadd.f32 v62, v4;
	v44 =	vadd.f32 v57, v44;
	v53 =	vmul.f32 v6, v11;
	v11 =	vmovc v12  }
0x1d5: {  	v61 =	vmul.f32 v43, v50;
	v6 =	vmul.f32 v6, v11;
	v11 =	vadd.f32 v40, v15  }
0x1d6: {  	v4 =	vmul.f32 $1.442695020e+00, v4;
	v63 =	vadd.f32 v60, v44;
	v44 =	vmul.f32 v58, v54  }
0x1d7: {  	v42 =	vadd.f32 v61, v42;
	v45 =	vmul.f32 v58, v51;
	v12 =	vadd.f32 v52, v17  }
0x1d8: {  	v60 =	vld [tilespmem:$0x1FED0];
	(erf) = vpow2.f32 v4;
	v4 =	vsub.f32 $1.000000000e+00, v8;
	v8 =	vpop (erf);
	v19 =	vadd.f32 v44, v19  }
0x1d9: {  	v1 =	vmul.f32 v1, v49;
	v57 =	vadd.f32 v53, v15;
	v3 =	vadd.f32 v3, v11;
	v11 =	vpop (erf)  }
0x1da: {  	v59 =	vmul.f32 v58, v14;
	v12 =	vadd.f32 v45, v12;
	v11 =	vadd.f32 v11, v11  }
0x1db: {  	v20 =	vmul.f32 v4, v20;
	v6 =	vadd.f32 v6, v18;
	v18 =	vmul.f32 v58, v13  }
0x1dc: {  	v15 =	vmul.f32 v4, v48;
	v13 =	vmul.f32 v4, v16;
	v11 =	vsub.f32 $1.000000000e+00, v11  }
0x1dd: {  	v4 =	vmul.f32 v4, v49;
	v61 =	vmul.f32 v43, v60;
	v6 =	vadd.f32 v18, v6  }
0x1de: {  	v12 =	vadd.f32 v20, v12;
	v18 =	vadd.f32 v59, v57;
	v20 =	vmul.f32 v11, v60  }
0x1df: {  	v13 =	vadd.f32 v13, v19;
	v6 =	vadd.f32 v15, v6;
	v14 =	vmul.f32 v11, v55  }
0x1e0: {  	v15 =	vmul.f32 $1.442695020e+00, v42;
	v16 =	vmul.f32 v11, v50;
	v12 =	vadd.f32 v20, v12  }
0x1e1: {  	v4 =	vadd.f32 v4, v18;
	v11 =	vmul.f32 v11, v47;
	v13 =	vadd.f32 v14, v13  }
0x1e2: {  	v19 =	vmul.f32 v43, v47;
	v6 =	vadd.f32 v16, v6;
	v12 =	vmul.f32 $1.442695020e+00, v12  }
0x1e3: {  	(erf) = vpow2.f32 v15;
	v4 =	vadd.f32 v11, v4;
	v11 =	vmul.f32 $1.442695020e+00, v13  }
0x1e4: {  	v1 =	vadd.f32 v1, v3;
	v6 =	vmul.f32 $1.442695020e+00, v6;
	(erf) = vpow2.f32 v12  }
0x1e5: {  	[tilespmem:v28+s21+$0x0] =	vst.idx.msk $0xffff, v5;
	v13 =	vadd.f32 v61, v63;
	v4 =	vmul.f32 $1.442695020e+00, v4;
	(erf) = vpow2.f32 v11  }
0x1e6: {  	[tilespmem:v26+s21+$0x0] =	vst.idx.msk $0xffff, v7;
	v1 =	vadd.f32 v19, v1;
	(erf) = vpow2.f32 v6  }
0x1e7: {  	v3 =	vmul.f32 $1.442695020e+00, v13;
	(erf) = vpow2.f32 v4;
	v4 =	vld [tilespmem:$0x1FEA0]  }
0x1e8: {  	v1 =	vmul.f32 $1.442695020e+00, v1;
	_ =	sdelay $0x1  }
0x1e9: {  	[tilespmem:v32+s21+$0x0] =	vst.idx.msk $0xffff, v9;
	(erf) = vpow2.f32 v3  }
0x1ea: {  	[tilespmem:v25+s21+$0x0] =	vst.idx.msk $0xffff, v35;
	v3 =	vpop (erf)  }
0x1eb: {  	(erf) = vpow2.f32 v1;
	[tilespmem:v27+s21+$0x0] =	vst.idx.msk $0xffff, v2;
	v1 =	vpop (erf)  }
0x1ec: {  	[tilespmem:v21+s21+$0x0] =	vst.idx.msk $0xffff, v8;
	v2 =	vpop (erf)  }
0x1ed: {  	[tilespmem:v29+s21+$0x0] =	vst.idx.msk $0xffff, v2  }
0x1ee: {  	v2 =	vpop (erf);
	[tilespmem:v4+s21+$0x0] =	vst.idx.msk $0xffff, v10  }
0x1ef: {  	[tilespmem:v24+s21+$0x0] =	vst.idx.msk $0xffff, v2  }
0x1f0: {  	v2 =	vpop (erf);
	[tilespmem:v31+s21+$0x0] =	vst.idx.msk $0xffff, v36  }
0x1f1: {  	[tilespmem:v33+s21+$0x0] =	vst.idx.msk $0xffff, v2;
	v2 =	vpop (erf)  }
0x1f2: {  	[tilespmem:v30+s21+$0x0] =	vst.idx.msk $0xffff, v2;
	v2 =	vpop (erf)  }
0x1f3: {  	[tilespmem:v34+s21+$0x0] =	vst.idx.msk $0xffff, v2  }
0x1f4: {  	[tilespmem:v39+s21+$0x0] =	vst.idx.msk $0xffff, v3  }
0x1f5: {  	[tilespmem:v38+s21+$0x0] =	vst.idx.msk $0xffff, v1;
	v1 =	vpop (erf)  }
0x1f6: {  	s3 =	rddreg [dreg:$0x5];
	[tilespmem:v22+s21+$0x0] =	vst.idx.msk $0xffff, v1  }
0x1f7: {  	[spmem:s3] =	stream.indirect.scatter.add.f32 [tilespmem:s21], [sflag:$0x4], $0x8, s19, s29, $0xb8;
	[tilespmem:$0x13588] =	vst v63  }
0x1f8: {  	_ =	swait.ge [sflag:s22], $0x4000  }
0x1f9: {  	[sflag:s22] =	ssyncset.done $0x0  }
0x1fa: {  	[sflag:s22] =	ssyncadd.s32 $0xFFFFC000  }
0x1fb: {  	s11 =	simm.s32 $0x20;
	s6 =	simm.s32 $0x10;
	[bflag:$0x0] =	sbarrier.arrive $0xFFFF  }
0x1fc: {  	v1 =	vmov s11;
	[tilespmem:s31], [sflag:$0x1] =	stream.indirect.gather [spmem:s3], $0x8, s19, s29, $0xb8;
	[tilespmem:$0x13588] =	vst v63  }
0x1fd: {  	s12 =	simm.s32 $0x0;
	v2 =	vmov s6;
	v1 =	vshll.u32 v1, $0x3;
	_ =	swait.ge [sflag:s1], $0x4000  }
0x1fe: {  	s8 =	simm.s32 $0x30;
	v3 =	vmov s12;
	v4 =	vshll.u32 v2, $0x3;
	v2 =	vor.u32 v0, v1;
	[sflag:s1] =	ssyncset.done $0x0  }
0x1ff: {  	v5 =	vmov s8;
	v3 =	vshll.u32 v3, $0x3;
	v1 =	vor.u32 v0, v4;
	[sflag:s1] =	ssyncadd.s32 $0xFFFFC000  }
0x200: {  	v5 =	vshll.u32 v5, $0x3;
	v4 =	vor.u32 v0, v3;
	_ =	swait.ge [sflag:s26], $0x4000  }
0x201: {  	v3 =	vor.u32 v0, v5;
	[sflag:s26] =	ssyncset.done $0x0  }
0x202: {  	[sflag:s26] =	ssyncadd.s32 $0xFFFFC000  }
0x203: {  	v5 =	vld.idx.msk [tilespmem:v2+s31+$0x0], $0xffff  }
0x204: {  	v7 =	vld.idx.msk [tilespmem:v1+s31+$0x0], $0xffff  }
0x205: {  	v10 =	vld.idx.msk [tilespmem:v4+s31+$0x0], $0xffff  }
0x206: {  	s12 =	simm.s32 $0x40;
	v11 =	vld.idx.msk [tilespmem:v3+s31+$0x0], $0xffff  }
0x207: {  	v9 =	vmov s12;
	v18 =	vld.idx.msk [tilespmem:v4+s21+$0x0], $0xffff  }
0x208: {  	s10 =	simm.s32 $0x60;
	v9 =	vshll.u32 v9, $0x3;
	v21 =	vld.idx.msk [tilespmem:v1+s21+$0x0], $0xffff  }
0x209: {  	v6 =	vmov s10;
	v9 =	vor.u32 v0, v9;
	v23 =	vld.idx.msk [tilespmem:v3+s21+$0x0], $0xffff  }
0x20a: {  	v6 =	vshll.u32 v6, $0x3;
	v24 =	vld.idx.msk [tilespmem:v4+s0+$0x0], $0xffff;
	(erf) = vrcp.f32 v5  }
0x20b: {  	s11 =	simm.s32 $0x50;
	v25 =	vld.idx.msk [tilespmem:v1+s0+$0x0], $0xffff;
	v5 =	vor.u32 v0, v6  }
0x20c: {  	v8 =	vmov s11;
	v26 =	vld.idx.msk [tilespmem:v3+s0+$0x0], $0xffff;
	(erf) = vrcp.f32 v10  }
0x20d: {  	s8 =	simm.s32 $0x70;
	v8 =	vshll.u32 v8, $0x3;
	v13 =	vld.idx.msk [tilespmem:v2+s0+$0x0], $0xffff;
	(erf) = vrcp.f32 v7  }
0x20e: {  	v12 =	vmov s8;
	v28 =	vld.idx.msk [tilespmem:v9+s31+$0x0], $0xffff;
	v6 =	vor.u32 v0, v8  }
0x20f: {  	v8 =	vshll.u32 v12, $0x3;
	v12 =	vld.idx.msk [tilespmem:v2+s21+$0x0], $0xffff;
	(erf) = vrcp.f32 v11  }
0x210: {  	v8 =	vor.u32 v0, v8;
	v10 =	vld.idx.msk [tilespmem:v5+s31+$0x0], $0xffff  }
0x211: {  	s10 =	simm.s32 $0xB0;
	v15 =	vld.idx.msk [tilespmem:v9+s21+$0x0], $0xffff  }
0x212: {  	v20 =	vmov s10;
	s12 =	simm.s32 $0x80;
	s11 =	simm.s32 $0xA0;
	v19 =	vld.idx.msk [tilespmem:v9+s0+$0x0], $0xffff  }
0x213: {  	s8 =	simm.s32 $0x90;
	v29 =	vshll.u32 v20, $0x3;
	v14 =	vmov s12;
	v11 =	vmov s11;
	v27 =	vld.idx.msk [tilespmem:v6+s31+$0x0], $0xffff;
	v7 =	vpop (erf)  }
0x214: {  	v11 =	vshll.u32 v11, $0x3;
	v16 =	vld.idx.msk [tilespmem:v6+s21+$0x0], $0xffff;
	v7 =	vmul.f32 v7, v12;
	v12 =	vmov s8  }
0x215: {  	v11 =	vor.u32 v0, v11;
	v31 =	vld.idx.msk [tilespmem:v8+s31+$0x0], $0xffff;
	(erf) = vrcp.f32 v10;
	v30 =	vpop (erf);
	v10 =	vshll.u32 v12, $0x3  }
0x216: {  	v22 =	vld.idx.msk [tilespmem:v6+s0+$0x0], $0xffff;
	v12 =	vshll.u32 v14, $0x3;
	v62 =	vpop (erf);
	v18 =	vmul.f32 v30, v18;
	(erf) = vrcp.f32 v28  }
0x217: {  	v32 =	vld.idx.msk [tilespmem:v5+s21+$0x0], $0xffff;
	v7 =	vmul.f32 v7, v13;
	v14 =	vor.u32 v0, v10;
	v21 =	vmul.f32 v62, v21  }
0x218: {  	v17 =	vld.idx.msk [tilespmem:v8+s21+$0x0], $0xffff;
	v13 =	vor.u32 v0, v12;
	v28 =	vpop (erf);
	(erf) = vrcp.f32 v27;
	v18 =	vmul.f32 v18, v24  }
0x219: {  	v20 =	vld.idx.msk [tilespmem:v8+s0+$0x0], $0xffff;
	v23 =	vmul.f32 v28, v23;
	v63 =	vmul.f32 $2.441406250e-04, v7;
	v7 =	vor.u32 v0, v29  }
0x21a: {  	v35 =	vld.idx.msk [tilespmem:v11+s31+$0x0], $0xffff;
	v27 =	vmov v4;
	(erf) = vrcp.f32 v31;
	v21 =	vmul.f32 v21, v25  }
0x21b: {  	v29 =	vld.idx.msk [tilespmem:v5+s0+$0x0], $0xffff;
	v25 =	vmov v1  }
0x21c: {  	v31 =	vmov v3;
	v37 =	vmul.f32 $2.441406250e-04, v18;
	v30 =	vld.idx.msk [tilespmem:v14+s31+$0x0], $0xffff;
	v18 =	vmov v7  }
0x21d: {  	v28 =	vmovc v9;
	v24 =	vmov v8;
	v38 =	vmul.f32 v23, v26;
	v26 =	vmov v5;
	v34 =	vld.idx.msk [tilespmem:v13+s31+$0x0], $0xffff  }
0x21e: {  	s6 =	simm.s32 $0xF0;
	s3 =	simm.s32 $0x8;
	[tilespmem:v2+s30+$0x0] =	vst.idx.msk $0xffff, v63;
	v36 =	vmul.f32 $2.441406250e-04, v21;
	v23 =	vmov v6;
	v21 =	vmov v11;
	v33 =	vld.idx.msk [tilespmem:v7+s31+$0x0], $0xffff;
	v39 =	vpop (erf)  }
.LBB2_6:
0x21f: {  	s8 =	sadd.s32 $0xFFFFFFE0, s6;
	s10 =	sadd.s32 $0xFFFFFFF0, s6;
	v40 =	vmov s6;
	s3 =	sadd.s32 $0x4, s3;
	v41 =	vld.idx.msk [tilespmem:v13+s21+$0x0], $0xffff;
	v32 =	vmul.f32 v39, v32;
	[tilespmem:v27+s30+$0x0] =	vst.idx.msk $0xffff, v37;
	v37 =	vmul.f32 $2.441406250e-04, v38;
	v27 =	vmovc v28  }
0x220: {  	s11 =	sadd.s32 $0xFFFFFFD0, s6;
	v28 =	vmov s8;
	v38 =	vmov s10;
	v39 =	vshll.u32 v40, $0x3;
	p1 =	slt.u32 s3, $0x7C;
	v40 =	vld.idx.msk [tilespmem:v14+s21+$0x0], $0xffff;
	[tilespmem:v25+s30+$0x0] =	vst.idx.msk $0xffff, v36;
	v25 =	vmovc v23;
	v23 =	vmovc v14  }
0x221: {  	v36 =	vshll.u32 v38, $0x3;
	v38 =	vld.idx.msk [tilespmem:v18+s21+$0x0], $0xffff;
	(erf) = vrcp.f32 v35;
	v29 =	vmul.f32 v32, v29;
	v35 =	vpop (erf);
	[tilespmem:v31+s30+$0x0] =	vst.idx.msk $0xffff, v37  }
0x222: {  	v31 =	vmov s11;
	v32 =	vshll.u32 v28, $0x3;
	v36 =	vor.u32 v0, v36;
	v37 =	vld.idx.msk [tilespmem:v13+s0+$0x0], $0xffff;
	v42 =	vpop (erf)  }
0x223: {  	v31 =	vshll.u32 v31, $0x3;
	v43 =	vld.idx.msk [tilespmem:v14+s0+$0x0], $0xffff;
	v14 =	vor.u32 v0, v32;
	v29 =	vmul.f32 $2.441406250e-04, v29;
	v44 =	vpop (erf)  }
0x224: {  	v39 =	vor.u32 v0, v39;
	v28 =	vmovc v13;
	v13 =	vor.u32 v0, v31;
	v45 =	vld.idx.msk [tilespmem:v18+s0+$0x0], $0xffff;
	(erf) = vrcp.f32 v34  }
0x225: {  	v32 =	vld.idx.msk [tilespmem:v21+s21+$0x0], $0xffff;
	(erf) = vrcp.f32 v30;
	v30 =	vmul.f32 v35, v15;
	[tilespmem:v26+s30+$0x0] =	vst.idx.msk $0xffff, v29;
	v15 =	vmov v41  }
.Ltmp2:
0x226: {  	v26 =	vmovc v21;
	v29 =	vld.idx.msk [tilespmem:v21+s0+$0x0], $0xffff;
	(erf) = vrcp.f32 v33;
	v33 =	vmul.f32 v42, v16;
	v16 =	vmovc v40;
	v21 =	vmov v36;
	(pc) =	sbr.rel @p1 .LBB2_6-.Ltmp2, $4  }
0x227: {  	v31 =	vmovc v24;
	v40 =	vmul.f32 v44, v17;
	v17 =	vmov v38;
	v35 =	vld.idx.msk [tilespmem:v36+s31+$0x0], $0xffff;
	v36 =	vmul.f32 v30, v19  }
0x228: {  	v24 =	vmovc v18;
	v18 =	vmov v39;
	v19 =	vmov v37;
	v30 =	vld.idx.msk [tilespmem:v14+s31+$0x0], $0xffff;
	v41 =	vmul.f32 v33, v22  }
0x229: {  	v38 =	vmul.f32 v40, v20;
	v22 =	vmov v43;
	v34 =	vld.idx.msk [tilespmem:v13+s31+$0x0], $0xffff;
	v37 =	vmul.f32 $2.441406250e-04, v36  }
0x22a: {  	s6 =	sadd.s32 $0x40, s6;
	v20 =	vmov v45;
	v33 =	vld.idx.msk [tilespmem:v39+s31+$0x0], $0xffff;
	v39 =	vpop (erf);
	v36 =	vmul.f32 $2.441406250e-04, v41  }
0x22b: {  	_ =	sdelay $0x1  }
0x22c: {  	(erf) = vrcp.f32 v35  }
0x22d: {  	(erf) = vrcp.f32 v34  }
0x22e: {  	(erf) = vrcp.f32 v30  }
0x22f: {  	v59 =	vld.idx.msk [tilespmem:v14+s21+$0x0], $0xffff;
	(erf) = vrcp.f32 v33  }
0x230: {  	v32 =	vmul.f32 v39, v32;
	v61 =	vld.idx.msk [tilespmem:v21+s21+$0x0], $0xffff;
	v58 =	vpop (erf)  }
0x231: {  	v38 =	vmul.f32 $2.441406250e-04, v38;
	v40 =	vld.idx.msk [tilespmem:v18+s21+$0x0], $0xffff;
	v60 =	vpop (erf);
	v15 =	vmul.f32 v58, v15  }
0x232: {  	v29 =	vmul.f32 v32, v29;
	v30 =	vld.idx.msk [tilespmem:v13+s21+$0x0], $0xffff;
	v62 =	vpop (erf);
	v16 =	vmul.f32 v60, v16  }
0x233: {  	v63 =	vld.idx.msk [tilespmem:v21+s0+$0x0], $0xffff;
	v15 =	vmul.f32 v15, v19;
	v17 =	vmul.f32 v62, v17  }
0x234: {  	v29 =	vmul.f32 $2.441406250e-04, v29;
	v19 =	vld.idx.msk [tilespmem:v13+s0+$0x0], $0xffff;
	v16 =	vmul.f32 v16, v22  }
0x235: {  	[tilespmem:v27+s30+$0x0] =	vst.idx.msk $0xffff, v37;
	v22 =	vld.idx.msk [tilespmem:v14+s0+$0x0], $0xffff;
	v15 =	vmul.f32 $2.441406250e-04, v15;
	v17 =	vmul.f32 v17, v20;
	v20 =	vpop (erf)  }
0x236: {  	[tilespmem:v25+s30+$0x0] =	vst.idx.msk $0xffff, v36;
	v25 =	vld.idx.msk [tilespmem:v18+s0+$0x0], $0xffff;
	v16 =	vmul.f32 $2.441406250e-04, v16;
	v20 =	vmul.f32 v20, v61;
	v27 =	vpop (erf)  }
0x237: {  	[tilespmem:v31+s30+$0x0] =	vst.idx.msk $0xffff, v38;
	v17 =	vmul.f32 $2.441406250e-04, v17;
	v31 =	vpop (erf);
	v27 =	vmul.f32 v27, v30  }
0x238: {  	[tilespmem:v26+s30+$0x0] =	vst.idx.msk $0xffff, v29;
	v20 =	vmul.f32 v20, v63;
	v26 =	vpop (erf);
	v29 =	vmul.f32 v31, v59  }
0x239: {  	[tilespmem:v28+s30+$0x0] =	vst.idx.msk $0xffff, v15;
	v15 =	vmul.f32 v27, v19;
	v19 =	vmul.f32 v26, v40  }
0x23a: {  	[tilespmem:v23+s30+$0x0] =	vst.idx.msk $0xffff, v16;
	v16 =	vmul.f32 $2.441406250e-04, v20;
	v20 =	vmul.f32 v29, v22  }
0x23b: {  	[tilespmem:v24+s30+$0x0] =	vst.idx.msk $0xffff, v17;
	v24 =	vor.u32 $0x1, v2;
	v15 =	vmul.f32 $2.441406250e-04, v15;
	v17 =	vmul.f32 v19, v25  }
0x23c: {  	v4 =	vor.u32 $0x1, v4;
	[tilespmem:v21+s30+$0x0] =	vst.idx.msk $0xffff, v16;
	v2 =	vmul.f32 $2.441406250e-04, v20  }
0x23d: {  	[tilespmem:v13+s30+$0x0] =	vst.idx.msk $0xffff, v15;
	v15 =	vmul.f32 $2.441406250e-04, v17  }
0x23e: {  	[tilespmem:v14+s30+$0x0] =	vst.idx.msk $0xffff, v2  }
0x23f: {  	[tilespmem:v18+s30+$0x0] =	vst.idx.msk $0xffff, v15  }
0x240: {  	v13 =	vor.u32 $0x1, v1;
	v1 =	vld.idx.msk [tilespmem:v24+s31+$0x0], $0xffff  }
0x241: {  	v5 =	vor.u32 $0x1, v5;
	v15 =	vld.idx.msk [tilespmem:v4+s31+$0x0], $0xffff  }
0x242: {  	v14 =	vor.u32 $0x1, v3;
	v18 =	vld.idx.msk [tilespmem:v4+s21+$0x0], $0xffff  }
0x243: {  	v25 =	vld.idx.msk [tilespmem:v4+s0+$0x0], $0xffff  }
0x244: {  	v2 =	vor.u32 $0x1, v9;
	v9 =	vld.idx.msk [tilespmem:v24+s21+$0x0], $0xffff  }
0x245: {  	v16 =	vld.idx.msk [tilespmem:v13+s31+$0x0], $0xffff;
	(erf) = vrcp.f32 v1  }
0x246: {  	v3 =	vor.u32 $0x1, v8;
	v8 =	vld.idx.msk [tilespmem:v5+s31+$0x0], $0xffff  }
0x247: {  	v17 =	vld.idx.msk [tilespmem:v14+s31+$0x0], $0xffff  }
0x248: {  	v30 =	vld.idx.msk [tilespmem:v5+s21+$0x0], $0xffff  }
0x249: {  	v21 =	vld.idx.msk [tilespmem:v13+s21+$0x0], $0xffff;
	v1 =	vor.u32 $0x1, v6;
	(erf) = vrcp.f32 v15  }
0x24a: {  	v26 =	vld.idx.msk [tilespmem:v13+s0+$0x0], $0xffff;
	(erf) = vrcp.f32 v16  }
0x24b: {  	v22 =	vld.idx.msk [tilespmem:v14+s21+$0x0], $0xffff  }
0x24c: {  	v6 =	vld.idx.msk [tilespmem:v24+s0+$0x0], $0xffff;
	(erf) = vrcp.f32 v17  }
0x24d: {  	v19 =	vld.idx.msk [tilespmem:v2+s31+$0x0], $0xffff  }
0x24e: {  	v20 =	vld.idx.msk [tilespmem:v1+s31+$0x0], $0xffff;
	v15 =	vpop (erf)  }
0x24f: {  	v27 =	vld.idx.msk [tilespmem:v14+s0+$0x0], $0xffff;
	(erf) = vrcp.f32 v8;
	v9 =	vmul.f32 v15, v9  }
0x250: {  	v28 =	vld.idx.msk [tilespmem:v3+s31+$0x0], $0xffff  }
0x251: {  	v10 =	vor.u32 v0, v10;
	v17 =	vld.idx.msk [tilespmem:v2+s21+$0x0], $0xffff;
	v8 =	vmul.f32 v9, v6  }
0x252: {  	v16 =	vld.idx.msk [tilespmem:v1+s21+$0x0], $0xffff;
	v6 =	vor.u32 $0x1, v11;
	v9 =	vor.u32 v0, v12;
	v12 =	vpop (erf);
	(erf) = vrcp.f32 v19  }
0x253: {  	v15 =	vld.idx.msk [tilespmem:v3+s21+$0x0], $0xffff;
	v23 =	vpop (erf);
	(erf) = vrcp.f32 v20;
	v29 =	vmul.f32 $2.441406250e-04, v8;
	v8 =	vor.u32 $0x1, v9  }
0x254: {  	v11 =	vld.idx.msk [tilespmem:v2+s0+$0x0], $0xffff;
	v9 =	vor.u32 $0x1, v10;
	v10 =	vmul.f32 v12, v18;
	v18 =	vmul.f32 v23, v21  }
0x255: {  	v19 =	vld.idx.msk [tilespmem:v1+s0+$0x0], $0xffff;
	v12 =	vpop (erf);
	(erf) = vrcp.f32 v28  }
0x256: {  	v20 =	vld.idx.msk [tilespmem:v5+s0+$0x0], $0xffff;
	v12 =	vmul.f32 v12, v22;
	v18 =	vmul.f32 v18, v26;
	v26 =	vor.u32 $0x1, v7  }
0x257: {  	v21 =	vmul.f32 v10, v25;
	v10 =	vld.idx.msk [tilespmem:v3+s0+$0x0], $0xffff  }
0x258: {  	v23 =	vld.idx.msk [tilespmem:v6+s31+$0x0], $0xffff;
	v28 =	vmul.f32 v12, v27;
	v7 =	vpop (erf)  }
0x259: {  	v25 =	vmul.f32 $2.441406250e-04, v21;
	v22 =	vld.idx.msk [tilespmem:v8+s31+$0x0], $0xffff;
	v27 =	vmul.f32 v7, v30;
	v7 =	vmov v26  }
0x25a: {  	s3 =	simm.s32 $0x8;
	s6 =	simm.s32 $0xF0;
	[tilespmem:v24+s30+$0x0] =	vst.idx.msk $0xffff, v29;
	v24 =	vmul.f32 $2.441406250e-04, v18;
	v21 =	vld.idx.msk [tilespmem:v9+s31+$0x0], $0xffff;
	v12 =	vmov v26;
	v18 =	vmov v6  }
.LBB2_8:
0x25b: {  	s8 =	sadd.s32 $0xFFFFFFE0, s6;
	s10 =	sadd.s32 $0xFFFFFFF0, s6;
	v29 =	vmov s6;
	s3 =	sadd.s32 $0x4, s3;
	v30 =	vld.idx.msk [tilespmem:v26+s31+$0x0], $0xffff;
	[tilespmem:v4+s30+$0x0] =	vst.idx.msk $0xffff, v25;
	v25 =	vmul.f32 $2.441406250e-04, v28;
	v4 =	vmovc v2;
	v2 =	vmovc v8;
	v28 =	vmov v19  }
0x25c: {  	s11 =	sadd.s32 $0xFFFFFFD0, s6;
	v19 =	vmov s8;
	v26 =	vmov s10;
	p1 =	slt.u32 s3, $0x7C;
	v31 =	vld.idx.msk [tilespmem:v8+s21+$0x0], $0xffff;
	v20 =	vmul.f32 v27, v20;
	v27 =	vpop (erf);
	[tilespmem:v13+s30+$0x0] =	vst.idx.msk $0xffff, v24  }
0x25d: {  	v24 =	vmov s11;
	v13 =	vmovc v1;
	v1 =	vmovc v9;
	v26 =	vshll.u32 v26, $0x3;
	v32 =	vld.idx.msk [tilespmem:v9+s21+$0x0], $0xffff;
	(erf) = vrcp.f32 v23;
	[tilespmem:v14+s30+$0x0] =	vst.idx.msk $0xffff, v25  }
0x25e: {  	v9 =	vshll.u32 v24, $0x3;
	v14 =	vor.u32 v0, v26;
	v24 =	vld.idx.msk [tilespmem:v7+s21+$0x0], $0xffff;
	v20 =	vmul.f32 $2.441406250e-04, v20;
	v23 =	vpop (erf)  }
0x25f: {  	v19 =	vshll.u32 v19, $0x3;
	v25 =	vor.u32 $0x1, v14;
	v14 =	vshll.u32 v29, $0x3;
	v29 =	vld.idx.msk [tilespmem:v8+s0+$0x0], $0xffff;
	v33 =	vpop (erf)  }
0x260: {  	v8 =	vor.u32 v0, v9;
	v9 =	vor.u32 v0, v19;
	(erf) = vrcp.f32 v22;
	[tilespmem:v5+s30+$0x0] =	vst.idx.msk $0xffff, v20  }
0x261: {  	v8 =	vor.u32 $0x1, v8;
	v9 =	vor.u32 $0x1, v9;
	v20 =	vor.u32 v0, v14;
	v5 =	vmovc v6;
	v34 =	vld.idx.msk [tilespmem:v6+s21+$0x0], $0xffff;
	v6 =	vmovc v25  }
0x262: {  	v26 =	vor.u32 $0x1, v20;
	v19 =	vld.idx.msk [tilespmem:v1+s0+$0x0], $0xffff;
	(erf) = vrcp.f32 v21;
	v21 =	vmul.f32 v27, v17;
	v17 =	vmovc v31;
	v14 =	vmovc v3  }
.Ltmp3:
0x263: {  	v22 =	vmul.f32 v23, v16;
	v16 =	vmovc v32;
	v3 =	vmovc v7;
	v20 =	vld.idx.msk [tilespmem:v18+s0+$0x0], $0xffff;
	(erf) = vrcp.f32 v30;
	v18 =	vmov v25;
	(pc) =	sbr.rel @p1 .LBB2_8-.Ltmp3, $4  }
0x264: {  	v27 =	vmul.f32 v33, v15;
	v7 =	vmovc v26;
	v15 =	vmov v24;
	v23 =	vld.idx.msk [tilespmem:v25+s31+$0x0], $0xffff;
	v21 =	vmul.f32 v21, v11  }
0x265: {  	v24 =	vmul.f32 v22, v28;
	v28 =	vmovc v10;
	v11 =	vmov v29;
	v10 =	vld.idx.msk [tilespmem:v12+s0+$0x0], $0xffff;
	v12 =	vmov v26  }
0x266: {  	v28 =	vmul.f32 v27, v28;
	v22 =	vld.idx.msk [tilespmem:v8+s31+$0x0], $0xffff;
	v29 =	vpop (erf);
	v25 =	vmul.f32 $2.441406250e-04, v21  }
0x267: {  	s6 =	sadd.s32 $0x40, s6;
	v24 =	vmul.f32 $2.441406250e-04, v24;
	v21 =	vld.idx.msk [tilespmem:v9+s31+$0x0], $0xffff;
	v27 =	vmul.f32 v29, v34  }
0x268: {  	_ =	sdelay $0x2  }
0x269: {  	(erf) = vrcp.f32 v23  }
0x26a: {  	v26 =	vld.idx.msk [tilespmem:v26+s31+$0x0], $0xffff  }
0x26b: {  	(erf) = vrcp.f32 v22;
	_ =	sdelay $0x2  }
0x26c: {  	v52 =	vld.idx.msk [tilespmem:v6+s21+$0x0], $0xffff;
	v51 =	vpop (erf);
	(erf) = vrcp.f32 v21  }
0x26d: {  	v53 =	vpop (erf);
	(erf) = vrcp.f32 v26  }
0x26e: {  	v50 =	vld.idx.msk [tilespmem:v8+s21+$0x0], $0xffff;
	v54 =	vmul.f32 $2.441406250e-04, v28;
	v17 =	vmul.f32 v51, v17;
	v56 =	vpop (erf)  }
0x26f: {  	v18 =	vld.idx.msk [tilespmem:v18+s0+$0x0], $0xffff;
	v20 =	vmul.f32 v27, v20;
	v15 =	vmul.f32 v56, v15  }
0x270: {  	v58 =	vld.idx.msk [tilespmem:v8+s0+$0x0], $0xffff;
	v16 =	vmul.f32 v53, v16;
	v11 =	vmul.f32 v17, v11;
	v60 =	vpop (erf)  }
0x271: {  	v55 =	vld.idx.msk [tilespmem:v9+s21+$0x0], $0xffff;
	v10 =	vmul.f32 v15, v10;
	v15 =	vmul.f32 v60, v52  }
0x272: {  	v59 =	vld.idx.msk [tilespmem:v7+s21+$0x0], $0xffff;
	v57 =	vmul.f32 $2.441406250e-04, v20;
	v16 =	vmul.f32 v16, v19;
	v62 =	vpop (erf)  }
0x273: {  	v61 =	vld.idx.msk [tilespmem:v9+s0+$0x0], $0xffff;
	[tilespmem:v4+s30+$0x0] =	vst.idx.msk $0xffff, v25;
	v11 =	vmul.f32 $2.441406250e-04, v11;
	v19 =	vmul.f32 v62, v50  }
0x274: {  	v12 =	vld.idx.msk [tilespmem:v12+s0+$0x0], $0xffff;
	s6 =	simm.s32 $0x0;
	[tilespmem:v13+s30+$0x0] =	vst.idx.msk $0xffff, v24;
	v4 =	vmul.f32 $2.441406250e-04, v10;
	v10 =	vmul.f32 v15, v18  }
0x275: {  	v16 =	vmul.f32 $2.441406250e-04, v16;
	[tilespmem:v2+s30+$0x0] =	vst.idx.msk $0xffff, v11;
	v2 =	vmov s6;
	v15 =	vpop (erf);
	v63 =	vmul.f32 v19, v58  }
0x276: {  	[tilespmem:v14+s30+$0x0] =	vst.idx.msk $0xffff, v54;
	v2 =	vshll.u32 v2, $0x3;
	v10 =	vmul.f32 $2.441406250e-04, v10;
	v13 =	vpop (erf);
	v15 =	vmul.f32 v15, v55  }
0x277: {  	s3 =	simm.s32 $0x20;
	[tilespmem:v5+s30+$0x0] =	vst.idx.msk $0xffff, v57;
	v2 =	vor.u32 v0, v2;
	v13 =	vmul.f32 v13, v59;
	v14 =	vmul.f32 $2.441406250e-04, v63  }
0x278: {  	s11 =	simm.s32 $0x10;
	[tilespmem:v6+s30+$0x0] =	vst.idx.msk $0xffff, v10;
	v6 =	vor.u32 $0x2, v2;
	v5 =	vmul.f32 v15, v61;
	v15 =	vmov s3  }
0x279: {  	[tilespmem:v1+s30+$0x0] =	vst.idx.msk $0xffff, v16;
	v12 =	vmul.f32 v13, v12;
	v11 =	vshll.u32 v15, $0x3;
	v13 =	vmov s11  }
0x27a: {  	[tilespmem:v3+s30+$0x0] =	vst.idx.msk $0xffff, v4;
	v1 =	vor.u32 v0, v11;
	v3 =	vshll.u32 v13, $0x3;
	v4 =	vmul.f32 $2.441406250e-04, v5  }
0x27b: {  	s12 =	simm.s32 $0x30;
	[tilespmem:v8+s30+$0x0] =	vst.idx.msk $0xffff, v14;
	v11 =	vor.u32 $0x2, v1;
	v3 =	vor.u32 v0, v3  }
0x27c: {  	p2 =	por $0x1, $0x1;
	v8 =	vmul.f32 $2.441406250e-04, v12;
	v5 =	vor.u32 $0x2, v3;
	[tilespmem:v9+s30+$0x0] =	vst.idx.msk $0xffff, v4;
	v4 =	vmov s12  }
.Ltmp4:
0x27d: {  	v4 =	vshll.u32 v4, $0x3;
	(pc) =	sbr.rel @!p2 .LBB2_10-.Ltmp4, $4  }
0x27e: {  	[tilespmem:v7+s30+$0x0] =	vst.idx.msk $0xffff, v8;
	v4 =	vor.u32 v0, v4  }
0x27f: {  	v12 =	vld.idx.msk [tilespmem:v6+s31+$0x0], $0xffff;
	v7 =	vor.u32 $0x2, v4  }
0x280: {  	v14 =	vld.idx.msk [tilespmem:v11+s31+$0x0], $0xffff  }
0x281: {  	p3 =	por $0x0, $0x0;
	p1 =	por $0x0, $0x0;
	s3 =	simm.s32 $0x70;
	v10 =	vld.idx.msk [tilespmem:v5+s31+$0x0], $0xffff  }
0x282: {  	_ =	sdelay $0x3  }
0x283: {  	s6 =	simm.s32 $0x60;
	v8 =	vld.idx.msk [tilespmem:v7+s31+$0x0], $0xffff  }
0x284: {  	s12 =	simm.s32 $0x40;
	v29 =	vld.idx.msk [tilespmem:v6+s21+$0x0], $0xffff;
	v9 =	vmov s6;
	(erf) = vrcp.f32 v14  }
0x285: {  	s8 =	simm.s32 $0x50;
	v30 =	vld.idx.msk [tilespmem:v5+s21+$0x0], $0xffff;
	v13 =	vmov s12;
	v9 =	vshll.u32 v9, $0x3  }
0x286: {  	v32 =	vld.idx.msk [tilespmem:v7+s21+$0x0], $0xffff;
	v13 =	vshll.u32 v13, $0x3;
	v9 =	vor.u32 v0, v9;
	v14 =	vmov s8  }
0x287: {  	v31 =	vld.idx.msk [tilespmem:v6+s0+$0x0], $0xffff;
	v13 =	vor.u32 v0, v13;
	v9 =	vor.u32 $0x2, v9;
	v14 =	vshll.u32 v14, $0x3  }
0x288: {  	v24 =	vld.idx.msk [tilespmem:v5+s0+$0x0], $0xffff;
	v17 =	vor.u32 $0x2, v13;
	v14 =	vor.u32 v0, v14  }
0x289: {  	p4 =	por $0x1, $0x1;
	v13 =	vld.idx.msk [tilespmem:v11+s21+$0x0], $0xffff;
	v15 =	vor.u32 $0x2, v14  }
.Ltmp5:
0x28a: {  	v16 =	vld.idx.msk [tilespmem:v11+s0+$0x0], $0xffff;
	(pc) =	sbr.rel @!p4 .LBB2_12-.Ltmp5, $4  }
0x28b: {  	v18 =	vmov s3;
	v34 =	vld.idx.msk [tilespmem:v7+s0+$0x0], $0xffff  }
0x28c: {  	v18 =	vshll.u32 v18, $0x3;
	(erf) = vrcp.f32 v12;
	v14 =	vld.idx.msk [tilespmem:v9+s31+$0x0], $0xffff  }
0x28d: {  	v18 =	vor.u32 v0, v18;
	(erf) = vrcp.f32 v10;
	v12 =	vld.idx.msk [tilespmem:v17+s31+$0x0], $0xffff;
	v19 =	vpop (erf)  }
0x28e: {  	p3 =	por $0x1, $0x1;
	s6 =	simm.s32 $0xB0;
	v18 =	vor.u32 $0x2, v18;
	v10 =	vld.idx.msk [tilespmem:v15+s31+$0x0], $0xffff;
	(erf) = vrcp.f32 v8;
	v27 =	vmul.f32 v19, v13  }
0x28f: {  	s8 =	simm.s32 $0xA0  }
0x290: {  	s10 =	simm.s32 $0x80;
	v8 =	vmov s8  }
0x291: {  	s12 =	simm.s32 $0x90;
	v20 =	vmov s10;
	v8 =	vshll.u32 v8, $0x3;
	(erf) = vrcp.f32 v14  }
0x292: {  	v14 =	vmov s12;
	v25 =	vshll.u32 v20, $0x3;
	v8 =	vor.u32 v0, v8  }
0x293: {  	v13 =	vld.idx.msk [tilespmem:v18+s31+$0x0], $0xffff;
	v22 =	vor.u32 $0x2, v8;
	v8 =	vshll.u32 v14, $0x3;
	v14 =	vor.u32 v0, v25  }
0x294: {  	v21 =	vld.idx.msk [tilespmem:v17+s21+$0x0], $0xffff  }
0x295: {  	v19 =	vld.idx.msk [tilespmem:v15+s21+$0x0], $0xffff;
	v16 =	vmul.f32 v27, v16;
	v8 =	vor.u32 v0, v8;
	v25 =	vpop (erf)  }
0x296: {  	v23 =	vld.idx.msk [tilespmem:v17+s0+$0x0], $0xffff;
	v28 =	vor.u32 $0x2, v14;
	(erf) = vrcp.f32 v12;
	v14 =	vpop (erf);
	v12 =	vmul.f32 v25, v29  }
0x297: {  	v36 =	vld.idx.msk [tilespmem:v9+s21+$0x0], $0xffff;
	v25 =	vmov s6;
	(erf) = vrcp.f32 v10;
	v10 =	vmul.f32 v14, v30  }
0x298: {  	v38 =	vld.idx.msk [tilespmem:v15+s0+$0x0], $0xffff;
	v8 =	vor.u32 $0x2, v8;
	v26 =	vpop (erf);
	v25 =	vshll.u32 v25, $0x3;
	(erf) = vrcp.f32 v13  }
0x299: {  	p5 =	por $0x1, $0x1;
	v20 =	vld.idx.msk [tilespmem:v18+s21+$0x0], $0xffff;
	v29 =	vmul.f32 v12, v31;
	v12 =	vor.u32 v0, v25;
	v13 =	vmul.f32 v10, v24  }
.Ltmp6:
0x29a: {  	v27 =	vmul.f32 $2.441406250e-04, v16;
	v16 =	vld.idx.msk [tilespmem:v9+s0+$0x0], $0xffff;
	v30 =	vmul.f32 v26, v32;
	v26 =	vor.u32 $0x2, v12;
	(pc) =	sbr.rel @!p5 .LBB2_14-.Ltmp6, $4  }
0x29b: {  	v14 =	vld.idx.msk [tilespmem:v22+s31+$0x0], $0xffff  }
0x29c: {  	v25 =	vld.idx.msk [tilespmem:v18+s0+$0x0], $0xffff;
	v24 =	vpop (erf);
	v33 =	vmul.f32 $2.441406250e-04, v29;
	v35 =	vmul.f32 v30, v34  }
0x29d: {  	[tilespmem:v11+s30+$0x0] =	vst.idx.msk $0xffff, v27;
	v12 =	vld.idx.msk [tilespmem:v28+s31+$0x0], $0xffff;
	v27 =	vmul.f32 v24, v36;
	v36 =	vmul.f32 $2.441406250e-04, v13;
	v13 =	vmov v26  }
0x29e: {  	p4 =	por $0x1, $0x1;
	s8 =	simm.s32 $0xF0;
	s6 =	simm.s32 $0x8;
	v10 =	vld.idx.msk [tilespmem:v8+s31+$0x0], $0xffff;
	v34 =	vmov v26;
	v30 =	vmov v22  }
.LBB2_15:
0x29f: {  	s10 =	sadd.s32 $0xFFFFFFE0, s8;
	s11 =	sadd.s32 $0xFFFFFFF0, s8;
	v11 =	vmov s8;
	s6 =	sadd.s32 $0x4, s6;
	v24 =	vld.idx.msk [tilespmem:v26+s31+$0x0], $0xffff;
	[tilespmem:v6+s30+$0x0] =	vst.idx.msk $0xffff, v33;
	v26 =	vmul.f32 $2.441406250e-04, v35;
	v6 =	vmovc v17;
	v17 =	vmovc v28;
	v29 =	vmov v38  }
0x2a0: {  	s12 =	sadd.s32 $0xFFFFFFD0, s8;
	v31 =	vmov s10;
	v32 =	vmov s11;
	p5 =	slt.u32 s6, $0x7C;
	v33 =	vld.idx.msk [tilespmem:v28+s21+$0x0], $0xffff;
	v16 =	vmul.f32 v27, v16;
	v27 =	vpop (erf);
	[tilespmem:v5+s30+$0x0] =	vst.idx.msk $0xffff, v36  }
0x2a1: {  	v37 =	vmov s12;
	v5 =	vmovc v15;
	v15 =	vmovc v8;
	v32 =	vshll.u32 v32, $0x3;
	v36 =	vld.idx.msk [tilespmem:v8+s21+$0x0], $0xffff;
	(erf) = vrcp.f32 v14;
	[tilespmem:v7+s30+$0x0] =	vst.idx.msk $0xffff, v26  }
0x2a2: {  	v7 =	vshll.u32 v37, $0x3;
	v8 =	vor.u32 v0, v32;
	v32 =	vld.idx.msk [tilespmem:v13+s21+$0x0], $0xffff;
	v14 =	vmul.f32 $2.441406250e-04, v16;
	v35 =	vpop (erf)  }
0x2a3: {  	v11 =	vshll.u32 v11, $0x3;
	v16 =	vshll.u32 v31, $0x3;
	v31 =	vor.u32 $0x2, v8;
	v37 =	vld.idx.msk [tilespmem:v28+s0+$0x0], $0xffff;
	v39 =	vpop (erf)  }
0x2a4: {  	v40 =	vor.u32 v0, v7;
	v8 =	vor.u32 v0, v16;
	(erf) = vrcp.f32 v12;
	[tilespmem:v9+s30+$0x0] =	vst.idx.msk $0xffff, v14  }
0x2a5: {  	v28 =	vor.u32 $0x2, v40;
	v8 =	vor.u32 $0x2, v8;
	v12 =	vor.u32 v0, v11;
	v9 =	vmovc v22;
	v11 =	vld.idx.msk [tilespmem:v22+s21+$0x0], $0xffff;
	v22 =	vmovc v31  }
0x2a6: {  	v7 =	vmovc v18;
	v26 =	vor.u32 $0x2, v12;
	v38 =	vld.idx.msk [tilespmem:v15+s0+$0x0], $0xffff;
	(erf) = vrcp.f32 v10;
	v10 =	vmul.f32 v27, v21;
	v21 =	vmovc v33  }
.Ltmp7:
0x2a7: {  	v18 =	vmovc v13;
	v12 =	vmul.f32 v35, v19;
	v19 =	vmovc v36;
	v16 =	vld.idx.msk [tilespmem:v30+s0+$0x0], $0xffff;
	(erf) = vrcp.f32 v24;
	v30 =	vmov v31;
	(pc) =	sbr.rel @p5 .LBB2_15-.Ltmp7, $4  }
0x2a8: {  	v13 =	vmovc v26;
	v24 =	vmul.f32 v39, v20;
	v20 =	vmov v32;
	v14 =	vld.idx.msk [tilespmem:v31+s31+$0x0], $0xffff;
	v10 =	vmul.f32 v10, v23  }
0x2a9: {  	v27 =	vmovc v25;
	v29 =	vmul.f32 v12, v29;
	v23 =	vmov v37;
	v25 =	vld.idx.msk [tilespmem:v34+s0+$0x0], $0xffff;
	v34 =	vmov v26  }
0x2aa: {  	v35 =	vmul.f32 v24, v27;
	v12 =	vld.idx.msk [tilespmem:v28+s31+$0x0], $0xffff;
	v31 =	vpop (erf);
	v33 =	vmul.f32 $2.441406250e-04, v10  }
0x2ab: {  	s8 =	sadd.s32 $0x40, s8;
	v36 =	vmul.f32 $2.441406250e-04, v29;
	v10 =	vld.idx.msk [tilespmem:v8+s31+$0x0], $0xffff;
	v27 =	vmul.f32 v31, v11  }
0x2ac: {  	v39 =	vmov v6;
	v41 =	vmov v5  }
0x2ad: {  	v42 =	vmovc v7;
	v37 =	vmovc v9;
	v40 =	vmov v17;
	v6 =	vmov v28;
	v24 =	vmov v38  }
0x2ae: {  	v5 =	vmovc v15;
	v11 =	vmovc v22;
	v29 =	vmov v21;
	v21 =	vmov v18;
	v9 =	vmov v30  }
0x2af: {  	v30 =	vmovc v19;
	v31 =	vmovc v23;
	v32 =	vmov v20;
	v7 =	vmov v34;
	v34 =	vmov v25  }
.LBB2_17:
0x2b0: {  	_ =	sdelay $0x3  }
0x2b1: {  	v15 =	vld.idx.msk [tilespmem:v26+s31+$0x0], $0xffff;
	_ =	sdelay $0x1  }
0x2b2: {  	(erf) = vrcp.f32 v14  }
0x2b3: {  	(erf) = vrcp.f32 v12  }
0x2b4: {  	(erf) = vrcp.f32 v10  }
0x2b5: {  	v18 =	vld.idx.msk [tilespmem:v11+s21+$0x0], $0xffff;
	v12 =	vpop @p3 (erf);
	(erf) = vrcp.f32 v15  }
0x2b6: {  	v16 =	vmul.f32 @p3 v27, v16;
	v20 =	vld.idx.msk [tilespmem:v8+s21+$0x0], $0xffff;
	v14 =	vpop @p3 (erf)  }
0x2b7: {  	[tilespmem:v39+s30+$0x0] =	vst.idx.msk @p4 $0xffff, v33;
	v9 =	vld.idx.msk [tilespmem:v9+s0+$0x0], $0xffff;
	v12 =	vmul.f32 @p3 v12, v29;
	v19 =	vpop @p3 (erf);
	v14 =	vmul.f32 @p3 v14, v30  }
0x2b8: {  	v17 =	vmovc @p3 v40;
	v22 =	vmovc @p3 v24;
	v23 =	vmov @p3 v34;
	v10 =	vld.idx.msk [tilespmem:v6+s21+$0x0], $0xffff;
	v19 =	vmul.f32 @p3 v19, v32;
	v15 =	vmul.f32 @p4 $2.441406250e-04, v35  }
0x2b9: {  	v58 =	vld.idx.msk [tilespmem:v6+s0+$0x0], $0xffff;
	v5 =	vpsel p3, v5, v0;
	v17 =	vpsel p3, v17, v0;
	v12 =	vmul.f32 @p3 v12, v31  }
0x2ba: {  	v14 =	vmul.f32 @p3 v14, v22;
	v19 =	vmul.f32 @p3 v19, v23;
	[tilespmem:v42+s30+$0x0] =	vst.idx.msk @p4 $0xffff, v15;
	v15 =	vld.idx.msk [tilespmem:v13+s21+$0x0], $0xffff  }
0x2bb: {  	[tilespmem:v41+s30+$0x0] =	vst.idx.msk @p4 $0xffff, v36;
	v60 =	vld.idx.msk [tilespmem:v8+s0+$0x0], $0xffff;
	v21 =	vpsel p3, v21, v0;
	v16 =	vmul.f32 @p3 $2.441406250e-04, v16;
	v12 =	vmul.f32 @p3 $2.441406250e-04, v12;
	v59 =	vpop (erf)  }
0x2bc: {  	v7 =	vld.idx.msk [tilespmem:v7+s0+$0x0], $0xffff;
	v14 =	vmul.f32 @p3 $2.441406250e-04, v14;
	v19 =	vpsel p3, v19, v0;
	v18 =	vmul.f32 v59, v18;
	v61 =	vpop (erf)  }
0x2bd: {  	[tilespmem:v37+s30+$0x0] =	vst.idx.msk @p3 $0xffff, v16;
	v12 =	vpsel p3, v12, v0;
	v16 =	vmul.f32 @p3 $2.441406250e-04, v19;
	v62 =	vpop (erf);
	v10 =	vmul.f32 v61, v10  }
0x2be: {  	v14 =	vpsel p3, v14, v0;
	v9 =	vmul.f32 v18, v9;
	v19 =	vmul.f32 v62, v20;
	v63 =	vpop (erf)  }
0x2bf: {  	[tilespmem:v17+s30+$0x0] =	vst.idx.msk @p3 $0xffff, v12;
	v10 =	vmul.f32 v10, v58;
	v12 =	vmul.f32 v63, v15  }
0x2c0: {  	[tilespmem:v5+s30+$0x0] =	vst.idx.msk @p3 $0xffff, v14;
	v5 =	vmul.f32 $2.441406250e-04, v9;
	v9 =	vmul.f32 v19, v60  }
0x2c1: {  	[tilespmem:v21+s30+$0x0] =	vst.idx.msk @p3 $0xffff, v16;
	v10 =	vmul.f32 $2.441406250e-04, v10;
	v12 =	vmul.f32 v12, v7;
	v7 =	vor.u32 $0x3, v1  }
0x2c2: {  	[tilespmem:v11+s30+$0x0] =	vst.idx.msk $0xffff, v5;
	v9 =	vmul.f32 $2.441406250e-04, v9;
	v5 =	vor.u32 $0x3, v2  }
0x2c3: {  	[tilespmem:v6+s30+$0x0] =	vst.idx.msk $0xffff, v10;
	v1 =	vor.u32 $0x3, v3;
	v2 =	vmul.f32 $2.441406250e-04, v12  }
.Ltmp8:
0x2c4: {  	[tilespmem:v8+s30+$0x0] =	vst.idx.msk $0xffff, v9;
	(pc) =	sbr.rel @!p2 .LBB2_18-.Ltmp8, $4  }
0x2c5: {  	[tilespmem:v13+s30+$0x0] =	vst.idx.msk $0xffff, v2  }
0x2c6: {  	v2 =	vor.u32 $0x3, v4;
	v12 =	vld.idx.msk [tilespmem:v7+s31+$0x0], $0xffff  }
0x2c7: {  	v8 =	vld.idx.msk [tilespmem:v5+s31+$0x0], $0xffff  }
0x2c8: {  	v6 =	vld.idx.msk [tilespmem:v1+s31+$0x0], $0xffff  }
0x2c9: {  	_ =	sdelay $0x3  }
0x2ca: {  	s6 =	simm.s32 $0x60;
	v4 =	vld.idx.msk [tilespmem:v2+s31+$0x0], $0xffff  }
0x2cb: {  	s12 =	simm.s32 $0x40;
	v27 =	vld.idx.msk [tilespmem:v5+s21+$0x0], $0xffff;
	v3 =	vmov s6;
	(erf) = vrcp.f32 v12  }
0x2cc: {  	s8 =	simm.s32 $0x50;
	v28 =	vld.idx.msk [tilespmem:v1+s21+$0x0], $0xffff;
	v9 =	vmov s12;
	v3 =	vshll.u32 v3, $0x3  }
0x2cd: {  	v29 =	vld.idx.msk [tilespmem:v2+s21+$0x0], $0xffff;
	v10 =	vmov s8;
	v9 =	vshll.u32 v9, $0x3;
	v3 =	vor.u32 v0, v3  }
0x2ce: {  	v32 =	vld.idx.msk [tilespmem:v5+s0+$0x0], $0xffff;
	v10 =	vshll.u32 v10, $0x3;
	v9 =	vor.u32 v0, v9;
	v3 =	vor.u32 $0x3, v3  }
0x2cf: {  	v21 =	vld.idx.msk [tilespmem:v1+s0+$0x0], $0xffff;
	v10 =	vor.u32 v0, v10;
	v13 =	vor.u32 $0x3, v9  }
0x2d0: {  	p3 =	por $0x1, $0x1;
	v9 =	vld.idx.msk [tilespmem:v7+s21+$0x0], $0xffff;
	v11 =	vor.u32 $0x3, v10  }
.Ltmp9:
0x2d1: {  	v33 =	vld.idx.msk [tilespmem:v2+s0+$0x0], $0xffff;
	(pc) =	sbr.rel @!p3 .LBB2_20-.Ltmp9, $4  }
0x2d2: {  	v14 =	vmov s3;
	v10 =	vld.idx.msk [tilespmem:v7+s0+$0x0], $0xffff  }
0x2d3: {  	v14 =	vshll.u32 v14, $0x3;
	(erf) = vrcp.f32 v8;
	v12 =	vld.idx.msk [tilespmem:v3+s31+$0x0], $0xffff  }
0x2d4: {  	v14 =	vor.u32 v0, v14;
	(erf) = vrcp.f32 v6;
	v8 =	vld.idx.msk [tilespmem:v13+s31+$0x0], $0xffff;
	v15 =	vpop (erf)  }
0x2d5: {  	s3 =	simm.s32 $0xB0;
	p2 =	por $0x1, $0x1;
	v14 =	vor.u32 $0x3, v14;
	v6 =	vld.idx.msk [tilespmem:v11+s31+$0x0], $0xffff;
	(erf) = vrcp.f32 v4;
	v23 =	vmul.f32 v15, v9  }
0x2d6: {  	s6 =	simm.s32 $0xA0  }
0x2d7: {  	s8 =	simm.s32 $0x80;
	v4 =	vmov s6  }
0x2d8: {  	s12 =	simm.s32 $0x90;
	v16 =	vmov s8;
	v4 =	vshll.u32 v4, $0x3;
	(erf) = vrcp.f32 v12  }
0x2d9: {  	v12 =	vmov s12;
	v20 =	vshll.u32 v16, $0x3;
	v4 =	vor.u32 v0, v4  }
0x2da: {  	v9 =	vld.idx.msk [tilespmem:v14+s31+$0x0], $0xffff;
	v18 =	vor.u32 $0x3, v4;
	v4 =	vshll.u32 v12, $0x3;
	v12 =	vor.u32 v0, v20  }
0x2db: {  	v17 =	vld.idx.msk [tilespmem:v13+s21+$0x0], $0xffff  }
0x2dc: {  	v15 =	vld.idx.msk [tilespmem:v11+s21+$0x0], $0xffff;
	v10 =	vmul.f32 v23, v10;
	v4 =	vor.u32 v0, v4;
	v20 =	vpop (erf)  }
0x2dd: {  	v19 =	vld.idx.msk [tilespmem:v13+s0+$0x0], $0xffff;
	v25 =	vor.u32 $0x3, v12;
	(erf) = vrcp.f32 v8;
	v12 =	vpop (erf);
	v8 =	vmul.f32 v20, v27  }
0x2de: {  	v24 =	vld.idx.msk [tilespmem:v3+s21+$0x0], $0xffff;
	v20 =	vmov s3;
	(erf) = vrcp.f32 v6;
	v6 =	vmul.f32 v12, v28  }
0x2df: {  	v37 =	vld.idx.msk [tilespmem:v11+s0+$0x0], $0xffff;
	v4 =	vor.u32 $0x3, v4;
	v22 =	vpop (erf);
	v20 =	vshll.u32 v20, $0x3;
	(erf) = vrcp.f32 v9  }
0x2e0: {  	p3 =	por $0x1, $0x1;
	v16 =	vld.idx.msk [tilespmem:v14+s21+$0x0], $0xffff;
	v26 =	vmul.f32 v8, v32;
	v8 =	vor.u32 v0, v20;
	v9 =	vmul.f32 v6, v21  }
.Ltmp10:
0x2e1: {  	v23 =	vmul.f32 $2.441406250e-04, v10;
	v10 =	vld.idx.msk [tilespmem:v3+s0+$0x0], $0xffff;
	v27 =	vmul.f32 v22, v29;
	v22 =	vor.u32 $0x3, v8;
	(pc) =	sbr.rel @!p3 .LBB2_22-.Ltmp10, $4  }
0x2e2: {  	v12 =	vld.idx.msk [tilespmem:v18+s31+$0x0], $0xffff  }
0x2e3: {  	v20 =	vld.idx.msk [tilespmem:v14+s0+$0x0], $0xffff;
	v21 =	vpop (erf);
	v26 =	vmul.f32 $2.441406250e-04, v26;
	v31 =	vmul.f32 v27, v33  }
0x2e4: {  	[tilespmem:v7+s30+$0x0] =	vst.idx.msk $0xffff, v23;
	v8 =	vld.idx.msk [tilespmem:v25+s31+$0x0], $0xffff;
	v23 =	vmul.f32 v21, v24;
	v24 =	vmul.f32 $2.441406250e-04, v9;
	v9 =	vmov v22  }
0x2e5: {  	p1 =	por $0x1, $0x1;
	s6 =	simm.s32 $0xF0;
	s3 =	simm.s32 $0x8;
	v28 =	vmov v18;
	v6 =	vld.idx.msk [tilespmem:v4+s31+$0x0], $0xffff;
	v33 =	vmov v22  }
.LBB2_23:
0x2e6: {  	s8 =	sadd.s32 $0xFFFFFFE0, s6;
	s10 =	sadd.s32 $0xFFFFFFF0, s6;
	v7 =	vmov s6;
	s3 =	sadd.s32 $0x4, s3;
	v21 =	vld.idx.msk [tilespmem:v22+s31+$0x0], $0xffff;
	[tilespmem:v5+s30+$0x0] =	vst.idx.msk $0xffff, v26;
	v22 =	vmul.f32 $2.441406250e-04, v31;
	v5 =	vmovc v13;
	v13 =	vmovc v25;
	v26 =	vmov v37  }
0x2e7: {  	s11 =	sadd.s32 $0xFFFFFFD0, s6;
	v27 =	vmov s8;
	v29 =	vmov s10;
	p3 =	slt.u32 s3, $0x7C;
	v30 =	vld.idx.msk [tilespmem:v25+s21+$0x0], $0xffff;
	v10 =	vmul.f32 v23, v10;
	v23 =	vpop (erf);
	[tilespmem:v1+s30+$0x0] =	vst.idx.msk $0xffff, v24  }
0x2e8: {  	v24 =	vmov s11;
	v1 =	vmovc v11;
	v11 =	vmovc v4;
	v29 =	vshll.u32 v29, $0x3;
	v31 =	vld.idx.msk [tilespmem:v4+s21+$0x0], $0xffff;
	(erf) = vrcp.f32 v12;
	[tilespmem:v2+s30+$0x0] =	vst.idx.msk $0xffff, v22  }
0x2e9: {  	v2 =	vshll.u32 v24, $0x3;
	v4 =	vor.u32 v0, v29;
	v24 =	vld.idx.msk [tilespmem:v9+s21+$0x0], $0xffff;
	v10 =	vmul.f32 $2.441406250e-04, v10;
	v12 =	vpop (erf)  }
0x2ea: {  	v7 =	vshll.u32 v7, $0x3;
	v22 =	vshll.u32 v27, $0x3;
	v27 =	vor.u32 $0x3, v4;
	v29 =	vld.idx.msk [tilespmem:v25+s0+$0x0], $0xffff;
	v32 =	vpop (erf)  }
0x2eb: {  	v34 =	vor.u32 v0, v2;
	v4 =	vor.u32 v0, v22;
	(erf) = vrcp.f32 v8;
	[tilespmem:v3+s30+$0x0] =	vst.idx.msk $0xffff, v10  }
0x2ec: {  	v25 =	vor.u32 $0x3, v34;
	v4 =	vor.u32 $0x3, v4;
	v8 =	vor.u32 v0, v7;
	v3 =	vmovc v18;
	v7 =	vld.idx.msk [tilespmem:v18+s21+$0x0], $0xffff;
	v18 =	vmovc v27  }
0x2ed: {  	v2 =	vmovc v14;
	v22 =	vor.u32 $0x3, v8;
	v37 =	vld.idx.msk [tilespmem:v11+s0+$0x0], $0xffff;
	(erf) = vrcp.f32 v6;
	v6 =	vmul.f32 v23, v17;
	v17 =	vmovc v30  }
.Ltmp11:
0x2ee: {  	v14 =	vmovc v9;
	v8 =	vmul.f32 v12, v15;
	v15 =	vmovc v31;
	v10 =	vld.idx.msk [tilespmem:v28+s0+$0x0], $0xffff;
	(erf) = vrcp.f32 v21;
	v28 =	vmov v27;
	(pc) =	sbr.rel @p3 .LBB2_23-.Ltmp11, $4  }
0x2ef: {  	v9 =	vmovc v22;
	v21 =	vmul.f32 v32, v16;
	v16 =	vmov v24;
	v12 =	vld.idx.msk [tilespmem:v27+s31+$0x0], $0xffff;
	v6 =	vmul.f32 v6, v19  }
0x2f0: {  	v23 =	vmovc v20;
	v24 =	vmul.f32 v8, v26;
	v19 =	vmov v29;
	v20 =	vld.idx.msk [tilespmem:v33+s0+$0x0], $0xffff;
	v33 =	vmov v22  }
0x2f1: {  	v31 =	vmul.f32 v21, v23;
	v8 =	vld.idx.msk [tilespmem:v25+s31+$0x0], $0xffff;
	v27 =	vpop (erf);
	v26 =	vmul.f32 $2.441406250e-04, v6  }
0x2f2: {  	s6 =	sadd.s32 $0x40, s6;
	v24 =	vmul.f32 $2.441406250e-04, v24;
	v6 =	vld.idx.msk [tilespmem:v4+s31+$0x0], $0xffff;
	v23 =	vmul.f32 v27, v7  }
0x2f3: {  	v36 =	vmov v5;
	v35 =	vmov v1  }
0x2f4: {  	v34 =	vmovc v2;
	v30 =	vmovc v3;
	v38 =	vmov v13;
	v5 =	vmov v25;
	v21 =	vmov v37  }
0x2f5: {  	v1 =	vmovc v11;
	v7 =	vmovc v18;
	v27 =	vmov v17;
	v17 =	vmov v14;
	v3 =	vmov v28  }
0x2f6: {  	v28 =	vmovc v15;
	v32 =	vmovc v19;
	v29 =	vmov v16;
	v2 =	vmov v33;
	v33 =	vmov v20  }
.LBB2_25:
0x2f7: {  	_ =	sdelay $0x2  }
0x2f8: {  	(erf) = vrcp.f32 v12  }
0x2f9: {  	v11 =	vld.idx.msk [tilespmem:v22+s31+$0x0], $0xffff;
	_ =	sdelay $0x1  }
0x2fa: {  	(erf) = vrcp.f32 v8;
	_ =	sdelay $0x1  }
0x2fb: {  	v13 =	vld.idx.msk [tilespmem:v7+s21+$0x0], $0xffff;
	v8 =	vpop @p2 (erf);
	(erf) = vrcp.f32 v6  }
0x2fc: {  	(erf) = vrcp.f32 v11  }
0x2fd: {  	v12 =	vmul.f32 @p1 $2.441406250e-04, v31;
	v15 =	vld.idx.msk [tilespmem:v4+s21+$0x0], $0xffff;
	v16 =	vmov @p2 v21;
	v8 =	vmul.f32 @p2 v8, v27;
	v11 =	vpop @p2 (erf)  }
0x2fe: {  	v10 =	vmul.f32 @p2 v23, v10;
	v6 =	vld.idx.msk [tilespmem:v5+s21+$0x0], $0xffff;
	v14 =	vpop @p2 (erf);
	v11 =	vmul.f32 @p2 v11, v28  }
0x2ff: {  	v3 =	vld.idx.msk [tilespmem:v3+s0+$0x0], $0xffff;
	v8 =	vmul.f32 @p2 v8, v32;
	v14 =	vmul.f32 @p2 v14, v29;
	v60 =	vpop (erf)  }
0x300: {  	v18 =	vmovc @p2 v38;
	v19 =	vld.idx.msk [tilespmem:v5+s0+$0x0], $0xffff;
	v11 =	vmul.f32 @p2 v11, v16;
	v16 =	vmov @p2 v33;
	v13 =	vmul.f32 v60, v13  }
0x301: {  	v20 =	vld.idx.msk [tilespmem:v9+s21+$0x0], $0xffff;
	v1 =	vpsel p2, v1, v0;
	v17 =	vpsel p2, v17, v0;
	v14 =	vmul.f32 @p2 v14, v16  }
0x302: {  	[tilespmem:v36+s30+$0x0] =	vst.idx.msk @p1 $0xffff, v26;
	v61 =	vld.idx.msk [tilespmem:v4+s0+$0x0], $0xffff;
	v18 =	vpsel p2, v18, v0;
	v10 =	vmul.f32 @p2 $2.441406250e-04, v10;
	v8 =	vmul.f32 @p2 $2.441406250e-04, v8;
	v62 =	vpop (erf)  }
0x303: {  	v2 =	vld.idx.msk [tilespmem:v2+s0+$0x0], $0xffff;
	v11 =	vmul.f32 @p2 $2.441406250e-04, v11;
	v14 =	vpsel p2, v14, v0;
	v6 =	vmul.f32 v62, v6  }
0x304: {  	[tilespmem:v34+s30+$0x0] =	vst.idx.msk @p1 $0xffff, v12;
	v8 =	vpsel p2, v8, v0;
	v14 =	vmul.f32 @p2 $2.441406250e-04, v14;
	v3 =	vmul.f32 v13, v3;
	v13 =	vpop (erf)  }
0x305: {  	s11 =	simm.s32 $0x10;
	v11 =	vpsel p2, v11, v0;
	v6 =	vmul.f32 v6, v19;
	v63 =	vpop (erf);
	v13 =	vmul.f32 v13, v15  }
0x306: {  	s3 =	simm.s32 $0x20;
	[tilespmem:v1+s30+$0x0] =	vst.idx.msk @p2 $0xffff, v11;
	v11 =	vmov s11;
	v3 =	vmul.f32 $2.441406250e-04, v3;
	v12 =	vmul.f32 v63, v20  }
0x307: {  	s6 =	simm.s32 $0x0;
	[tilespmem:v30+s30+$0x0] =	vst.idx.msk @p2 $0xffff, v10;
	v10 =	vmul.f32 v13, v61;
	v13 =	vmul.f32 $2.441406250e-04, v6;
	v6 =	vmov s3  }
0x308: {  	[tilespmem:v18+s30+$0x0] =	vst.idx.msk @p2 $0xffff, v8;
	v8 =	vmul.f32 v12, v2;
	v2 =	vmov s6;
	v6 =	vshll.u32 v6, $0x3  }
0x309: {  	[tilespmem:v17+s30+$0x0] =	vst.idx.msk @p2 $0xffff, v14;
	v2 =	vshll.u32 v2, $0x3;
	v1 =	vor.u32 v0, v6;
	v6 =	vshll.u32 v11, $0x3  }
0x30a: {  	[tilespmem:v7+s30+$0x0] =	vst.idx.msk $0xffff, v3;
	v7 =	vmul.f32 $2.441406250e-04, v10;
	v11 =	vor.u32 $0x4, v1;
	v2 =	vor.u32 v0, v2  }
0x30b: {  	s12 =	simm.s32 $0x30;
	[tilespmem:v5+s30+$0x0] =	vst.idx.msk $0xffff, v13;
	v3 =	vor.u32 v0, v6;
	v6 =	vor.u32 $0x4, v2  }
0x30c: {  	p2 =	por $0x1, $0x1;
	v8 =	vmul.f32 $2.441406250e-04, v8;
	v5 =	vor.u32 $0x4, v3;
	[tilespmem:v4+s30+$0x0] =	vst.idx.msk $0xffff, v7;
	v4 =	vmov s12  }
.Ltmp12:
0x30d: {  	[tilespmem:v35+s30+$0x0] =	vst.idx.msk @p1 $0xffff, v24;
	v4 =	vshll.u32 v4, $0x3;
	(pc) =	sbr.rel @!p2 .LBB2_26-.Ltmp12, $4  }
0x30e: {  	[tilespmem:v9+s30+$0x0] =	vst.idx.msk $0xffff, v8;
	v4 =	vor.u32 v0, v4  }
0x30f: {  	v7 =	vor.u32 $0x4, v4;
	v14 =	vld.idx.msk [tilespmem:v11+s31+$0x0], $0xffff  }
0x310: {  	v12 =	vld.idx.msk [tilespmem:v6+s31+$0x0], $0xffff  }
0x311: {  	p3 =	por $0x0, $0x0;
	p1 =	por $0x0, $0x0;
	s3 =	simm.s32 $0x70;
	v10 =	vld.idx.msk [tilespmem:v5+s31+$0x0], $0xffff  }
0x312: {  	_ =	sdelay $0x3  }
0x313: {  	s6 =	simm.s32 $0x60;
	v8 =	vld.idx.msk [tilespmem:v7+s31+$0x0], $0xffff  }
0x314: {  	s12 =	simm.s32 $0x40;
	v29 =	vld.idx.msk [tilespmem:v6+s21+$0x0], $0xffff;
	v9 =	vmov s6;
	(erf) = vrcp.f32 v14  }
0x315: {  	s8 =	simm.s32 $0x50;
	v30 =	vld.idx.msk [tilespmem:v5+s21+$0x0], $0xffff;
	v13 =	vmov s12;
	v9 =	vshll.u32 v9, $0x3  }
0x316: {  	v32 =	vld.idx.msk [tilespmem:v7+s21+$0x0], $0xffff;
	v14 =	vmov s8;
	v13 =	vshll.u32 v13, $0x3;
	v9 =	vor.u32 v0, v9  }
0x317: {  	v31 =	vld.idx.msk [tilespmem:v6+s0+$0x0], $0xffff;
	v14 =	vshll.u32 v14, $0x3;
	v13 =	vor.u32 v0, v13;
	v9 =	vor.u32 $0x4, v9  }
0x318: {  	v24 =	vld.idx.msk [tilespmem:v5+s0+$0x0], $0xffff;
	v14 =	vor.u32 v0, v14;
	v17 =	vor.u32 $0x4, v13  }
0x319: {  	p4 =	por $0x1, $0x1;
	v13 =	vld.idx.msk [tilespmem:v11+s21+$0x0], $0xffff;
	v15 =	vor.u32 $0x4, v14  }
.Ltmp13:
0x31a: {  	v16 =	vld.idx.msk [tilespmem:v11+s0+$0x0], $0xffff;
	(pc) =	sbr.rel @!p4 .LBB2_28-.Ltmp13, $4  }
0x31b: {  	v18 =	vmov s3;
	v34 =	vld.idx.msk [tilespmem:v7+s0+$0x0], $0xffff  }
0x31c: {  	v18 =	vshll.u32 v18, $0x3;
	(erf) = vrcp.f32 v12;
	v14 =	vld.idx.msk [tilespmem:v9+s31+$0x0], $0xffff  }
0x31d: {  	v18 =	vor.u32 v0, v18;
	(erf) = vrcp.f32 v10;
	v12 =	vld.idx.msk [tilespmem:v17+s31+$0x0], $0xffff;
	v19 =	vpop (erf)  }
0x31e: {  	p3 =	por $0x1, $0x1;
	s6 =	simm.s32 $0xB0;
	v18 =	vor.u32 $0x4, v18;
	v10 =	vld.idx.msk [tilespmem:v15+s31+$0x0], $0xffff;
	(erf) = vrcp.f32 v8;
	v27 =	vmul.f32 v19, v13  }
0x31f: {  	s8 =	simm.s32 $0xA0  }
0x320: {  	s10 =	simm.s32 $0x80;
	v8 =	vmov s8  }
0x321: {  	s12 =	simm.s32 $0x90;
	v20 =	vmov s10;
	v8 =	vshll.u32 v8, $0x3;
	(erf) = vrcp.f32 v14  }
0x322: {  	v14 =	vmov s12;
	v25 =	vshll.u32 v20, $0x3;
	v8 =	vor.u32 v0, v8  }
0x323: {  	v13 =	vld.idx.msk [tilespmem:v18+s31+$0x0], $0xffff;
	v22 =	vor.u32 $0x4, v8;
	v8 =	vshll.u32 v14, $0x3;
	v14 =	vor.u32 v0, v25  }
0x324: {  	v21 =	vld.idx.msk [tilespmem:v17+s21+$0x0], $0xffff  }
0x325: {  	v19 =	vld.idx.msk [tilespmem:v15+s21+$0x0], $0xffff;
	v16 =	vmul.f32 v27, v16;
	v8 =	vor.u32 v0, v8;
	v25 =	vpop (erf)  }
0x326: {  	v23 =	vld.idx.msk [tilespmem:v17+s0+$0x0], $0xffff;
	v28 =	vor.u32 $0x4, v14;
	(erf) = vrcp.f32 v12;
	v14 =	vpop (erf);
	v12 =	vmul.f32 v25, v29  }
0x327: {  	v36 =	vld.idx.msk [tilespmem:v9+s21+$0x0], $0xffff;
	v25 =	vmov s6;
	(erf) = vrcp.f32 v10;
	v10 =	vmul.f32 v14, v30  }
0x328: {  	v38 =	vld.idx.msk [tilespmem:v15+s0+$0x0], $0xffff;
	v8 =	vor.u32 $0x4, v8;
	v26 =	vpop (erf);
	v25 =	vshll.u32 v25, $0x3;
	(erf) = vrcp.f32 v13  }
0x329: {  	p5 =	por $0x1, $0x1;
	v20 =	vld.idx.msk [tilespmem:v18+s21+$0x0], $0xffff;
	v29 =	vmul.f32 v12, v31;
	v12 =	vor.u32 v0, v25;
	v13 =	vmul.f32 v10, v24  }
.Ltmp14:
0x32a: {  	v27 =	vmul.f32 $2.441406250e-04, v16;
	v16 =	vld.idx.msk [tilespmem:v9+s0+$0x0], $0xffff;
	v30 =	vmul.f32 v26, v32;
	v26 =	vor.u32 $0x4, v12;
	(pc) =	sbr.rel @!p5 .LBB2_30-.Ltmp14, $4  }
0x32b: {  	v14 =	vld.idx.msk [tilespmem:v22+s31+$0x0], $0xffff  }
0x32c: {  	v25 =	vld.idx.msk [tilespmem:v18+s0+$0x0], $0xffff;
	v24 =	vpop (erf);
	v33 =	vmul.f32 $2.441406250e-04, v29;
	v35 =	vmul.f32 v30, v34  }
0x32d: {  	[tilespmem:v11+s30+$0x0] =	vst.idx.msk $0xffff, v27;
	v12 =	vld.idx.msk [tilespmem:v28+s31+$0x0], $0xffff;
	v27 =	vmul.f32 v24, v36;
	v36 =	vmul.f32 $2.441406250e-04, v13;
	v13 =	vmov v26  }
0x32e: {  	p4 =	por $0x1, $0x1;
	s8 =	simm.s32 $0xF0;
	s6 =	simm.s32 $0x8;
	v10 =	vld.idx.msk [tilespmem:v8+s31+$0x0], $0xffff;
	v34 =	vmov v26;
	v30 =	vmov v22  }
.LBB2_31:
0x32f: {  	s10 =	sadd.s32 $0xFFFFFFE0, s8;
	s11 =	sadd.s32 $0xFFFFFFF0, s8;
	v11 =	vmov s8;
	s6 =	sadd.s32 $0x4, s6;
	v24 =	vld.idx.msk [tilespmem:v26+s31+$0x0], $0xffff;
	[tilespmem:v6+s30+$0x0] =	vst.idx.msk $0xffff, v33;
	v26 =	vmul.f32 $2.441406250e-04, v35;
	v6 =	vmovc v17;
	v17 =	vmovc v28;
	v29 =	vmov v38  }
0x330: {  	s12 =	sadd.s32 $0xFFFFFFD0, s8;
	v31 =	vmov s10;
	v32 =	vmov s11;
	p5 =	slt.u32 s6, $0x7C;
	v33 =	vld.idx.msk [tilespmem:v28+s21+$0x0], $0xffff;
	v16 =	vmul.f32 v27, v16;
	v27 =	vpop (erf);
	[tilespmem:v5+s30+$0x0] =	vst.idx.msk $0xffff, v36  }
0x331: {  	v37 =	vmov s12;
	v5 =	vmovc v15;
	v15 =	vmovc v8;
	v32 =	vshll.u32 v32, $0x3;
	v36 =	vld.idx.msk [tilespmem:v8+s21+$0x0], $0xffff;
	(erf) = vrcp.f32 v14;
	[tilespmem:v7+s30+$0x0] =	vst.idx.msk $0xffff, v26  }
0x332: {  	v7 =	vshll.u32 v37, $0x3;
	v8 =	vor.u32 v0, v32;
	v32 =	vld.idx.msk [tilespmem:v13+s21+$0x0], $0xffff;
	v14 =	vmul.f32 $2.441406250e-04, v16;
	v35 =	vpop (erf)  }
0x333: {  	v11 =	vshll.u32 v11, $0x3;
	v16 =	vshll.u32 v31, $0x3;
	v31 =	vor.u32 $0x4, v8;
	v37 =	vld.idx.msk [tilespmem:v28+s0+$0x0], $0xffff;
	v39 =	vpop (erf)  }
0x334: {  	v40 =	vor.u32 v0, v7;
	v8 =	vor.u32 v0, v16;
	(erf) = vrcp.f32 v12;
	[tilespmem:v9+s30+$0x0] =	vst.idx.msk $0xffff, v14  }
0x335: {  	v28 =	vor.u32 $0x4, v40;
	v8 =	vor.u32 $0x4, v8;
	v12 =	vor.u32 v0, v11;
	v9 =	vmovc v22;
	v11 =	vld.idx.msk [tilespmem:v22+s21+$0x0], $0xffff;
	v22 =	vmovc v31  }
0x336: {  	v7 =	vmovc v18;
	v26 =	vor.u32 $0x4, v12;
	v38 =	vld.idx.msk [tilespmem:v15+s0+$0x0], $0xffff;
	(erf) = vrcp.f32 v10;
	v10 =	vmul.f32 v27, v21;
	v21 =	vmovc v33  }
.Ltmp15:
0x337: {  	v18 =	vmovc v13;
	v12 =	vmul.f32 v35, v19;
	v19 =	vmovc v36;
	v16 =	vld.idx.msk [tilespmem:v30+s0+$0x0], $0xffff;
	(erf) = vrcp.f32 v24;
	v30 =	vmov v31;
	(pc) =	sbr.rel @p5 .LBB2_31-.Ltmp15, $4  }
0x338: {  	v13 =	vmovc v26;
	v24 =	vmul.f32 v39, v20;
	v20 =	vmov v32;
	v14 =	vld.idx.msk [tilespmem:v31+s31+$0x0], $0xffff;
	v10 =	vmul.f32 v10, v23  }
0x339: {  	v27 =	vmovc v25;
	v29 =	vmul.f32 v12, v29;
	v23 =	vmov v37;
	v25 =	vld.idx.msk [tilespmem:v34+s0+$0x0], $0xffff;
	v34 =	vmov v26  }
0x33a: {  	v35 =	vmul.f32 v24, v27;
	v12 =	vld.idx.msk [tilespmem:v28+s31+$0x0], $0xffff;
	v31 =	vpop (erf);
	v33 =	vmul.f32 $2.441406250e-04, v10  }
0x33b: {  	s8 =	sadd.s32 $0x40, s8;
	v36 =	vmul.f32 $2.441406250e-04, v29;
	v10 =	vld.idx.msk [tilespmem:v8+s31+$0x0], $0xffff;
	v27 =	vmul.f32 v31, v11  }
0x33c: {  	v39 =	vmov v6;
	v41 =	vmov v5  }
0x33d: {  	v42 =	vmovc v7;
	v37 =	vmovc v9;
	v40 =	vmov v17;
	v6 =	vmov v28;
	v24 =	vmov v38  }
0x33e: {  	v5 =	vmovc v15;
	v11 =	vmovc v22;
	v29 =	vmov v21;
	v21 =	vmov v18;
	v9 =	vmov v30  }
0x33f: {  	v30 =	vmovc v19;
	v31 =	vmovc v23;
	v32 =	vmov v20;
	v7 =	vmov v34;
	v34 =	vmov v25  }
.LBB2_33:
0x340: {  	_ =	sdelay $0x3  }
0x341: {  	v15 =	vld.idx.msk [tilespmem:v26+s31+$0x0], $0xffff;
	_ =	sdelay $0x1  }
0x342: {  	(erf) = vrcp.f32 v14  }
0x343: {  	(erf) = vrcp.f32 v12  }
0x344: {  	(erf) = vrcp.f32 v10  }
0x345: {  	v18 =	vld.idx.msk [tilespmem:v11+s21+$0x0], $0xffff;
	v12 =	vpop @p3 (erf);
	(erf) = vrcp.f32 v15  }
0x346: {  	v16 =	vmul.f32 @p3 v27, v16;
	v20 =	vld.idx.msk [tilespmem:v8+s21+$0x0], $0xffff;
	v14 =	vpop @p3 (erf)  }
0x347: {  	[tilespmem:v39+s30+$0x0] =	vst.idx.msk @p4 $0xffff, v33;
	v9 =	vld.idx.msk [tilespmem:v9+s0+$0x0], $0xffff;
	v12 =	vmul.f32 @p3 v12, v29;
	v19 =	vpop @p3 (erf);
	v14 =	vmul.f32 @p3 v14, v30  }
0x348: {  	v17 =	vmovc @p3 v40;
	v22 =	vmovc @p3 v24;
	v23 =	vmov @p3 v34;
	v10 =	vld.idx.msk [tilespmem:v6+s21+$0x0], $0xffff;
	v19 =	vmul.f32 @p3 v19, v32;
	v15 =	vmul.f32 @p4 $2.441406250e-04, v35  }
0x349: {  	v58 =	vld.idx.msk [tilespmem:v6+s0+$0x0], $0xffff;
	v5 =	vpsel p3, v5, v0;
	v17 =	vpsel p3, v17, v0;
	v12 =	vmul.f32 @p3 v12, v31  }
0x34a: {  	v14 =	vmul.f32 @p3 v14, v22;
	v19 =	vmul.f32 @p3 v19, v23;
	[tilespmem:v42+s30+$0x0] =	vst.idx.msk @p4 $0xffff, v15;
	v15 =	vld.idx.msk [tilespmem:v13+s21+$0x0], $0xffff  }
0x34b: {  	[tilespmem:v41+s30+$0x0] =	vst.idx.msk @p4 $0xffff, v36;
	v60 =	vld.idx.msk [tilespmem:v8+s0+$0x0], $0xffff;
	v21 =	vpsel p3, v21, v0;
	v16 =	vmul.f32 @p3 $2.441406250e-04, v16;
	v12 =	vmul.f32 @p3 $2.441406250e-04, v12;
	v59 =	vpop (erf)  }
0x34c: {  	v7 =	vld.idx.msk [tilespmem:v7+s0+$0x0], $0xffff;
	v14 =	vmul.f32 @p3 $2.441406250e-04, v14;
	v19 =	vpsel p3, v19, v0;
	v18 =	vmul.f32 v59, v18;
	v61 =	vpop (erf)  }
0x34d: {  	[tilespmem:v37+s30+$0x0] =	vst.idx.msk @p3 $0xffff, v16;
	v12 =	vpsel p3, v12, v0;
	v16 =	vmul.f32 @p3 $2.441406250e-04, v19;
	v62 =	vpop (erf);
	v10 =	vmul.f32 v61, v10  }
0x34e: {  	v14 =	vpsel p3, v14, v0;
	v9 =	vmul.f32 v18, v9;
	v19 =	vmul.f32 v62, v20;
	v63 =	vpop (erf)  }
0x34f: {  	[tilespmem:v17+s30+$0x0] =	vst.idx.msk @p3 $0xffff, v12;
	v10 =	vmul.f32 v10, v58;
	v12 =	vmul.f32 v63, v15  }
0x350: {  	[tilespmem:v5+s30+$0x0] =	vst.idx.msk @p3 $0xffff, v14;
	v5 =	vmul.f32 $2.441406250e-04, v9;
	v9 =	vmul.f32 v19, v60  }
0x351: {  	[tilespmem:v21+s30+$0x0] =	vst.idx.msk @p3 $0xffff, v16;
	v10 =	vmul.f32 $2.441406250e-04, v10;
	v12 =	vmul.f32 v12, v7;
	v7 =	vor.u32 $0x5, v1  }
0x352: {  	[tilespmem:v11+s30+$0x0] =	vst.idx.msk $0xffff, v5;
	v9 =	vmul.f32 $2.441406250e-04, v9;
	v5 =	vor.u32 $0x5, v2  }
0x353: {  	[tilespmem:v6+s30+$0x0] =	vst.idx.msk $0xffff, v10;
	v1 =	vor.u32 $0x5, v3;
	v2 =	vmul.f32 $2.441406250e-04, v12  }
.Ltmp16:
0x354: {  	[tilespmem:v8+s30+$0x0] =	vst.idx.msk $0xffff, v9;
	(pc) =	sbr.rel @!p2 .LBB2_34-.Ltmp16, $4  }
0x355: {  	[tilespmem:v13+s30+$0x0] =	vst.idx.msk $0xffff, v2  }
0x356: {  	v2 =	vor.u32 $0x5, v4;
	v12 =	vld.idx.msk [tilespmem:v7+s31+$0x0], $0xffff  }
0x357: {  	v8 =	vld.idx.msk [tilespmem:v5+s31+$0x0], $0xffff  }
0x358: {  	v6 =	vld.idx.msk [tilespmem:v1+s31+$0x0], $0xffff  }
0x359: {  	_ =	sdelay $0x3  }
0x35a: {  	s6 =	simm.s32 $0x60;
	v4 =	vld.idx.msk [tilespmem:v2+s31+$0x0], $0xffff  }
0x35b: {  	s12 =	simm.s32 $0x40;
	v27 =	vld.idx.msk [tilespmem:v5+s21+$0x0], $0xffff;
	v3 =	vmov s6;
	(erf) = vrcp.f32 v12  }
0x35c: {  	s8 =	simm.s32 $0x50;
	v28 =	vld.idx.msk [tilespmem:v1+s21+$0x0], $0xffff;
	v9 =	vmov s12;
	v3 =	vshll.u32 v3, $0x3  }
0x35d: {  	v29 =	vld.idx.msk [tilespmem:v2+s21+$0x0], $0xffff;
	v10 =	vmov s8;
	v9 =	vshll.u32 v9, $0x3;
	v3 =	vor.u32 v0, v3  }
0x35e: {  	v32 =	vld.idx.msk [tilespmem:v5+s0+$0x0], $0xffff;
	v10 =	vshll.u32 v10, $0x3;
	v9 =	vor.u32 v0, v9;
	v3 =	vor.u32 $0x5, v3  }
0x35f: {  	v21 =	vld.idx.msk [tilespmem:v1+s0+$0x0], $0xffff;
	v10 =	vor.u32 v0, v10;
	v13 =	vor.u32 $0x5, v9  }
0x360: {  	p3 =	por $0x1, $0x1;
	v9 =	vld.idx.msk [tilespmem:v7+s21+$0x0], $0xffff;
	v11 =	vor.u32 $0x5, v10  }
.Ltmp17:
0x361: {  	v33 =	vld.idx.msk [tilespmem:v2+s0+$0x0], $0xffff;
	(pc) =	sbr.rel @!p3 .LBB2_36-.Ltmp17, $4  }
0x362: {  	v14 =	vmov s3;
	v10 =	vld.idx.msk [tilespmem:v7+s0+$0x0], $0xffff  }
0x363: {  	v14 =	vshll.u32 v14, $0x3;
	(erf) = vrcp.f32 v8;
	v12 =	vld.idx.msk [tilespmem:v3+s31+$0x0], $0xffff  }
0x364: {  	v14 =	vor.u32 v0, v14;
	(erf) = vrcp.f32 v6;
	v8 =	vld.idx.msk [tilespmem:v13+s31+$0x0], $0xffff;
	v15 =	vpop (erf)  }
0x365: {  	s3 =	simm.s32 $0xB0;
	p2 =	por $0x1, $0x1;
	v14 =	vor.u32 $0x5, v14;
	v6 =	vld.idx.msk [tilespmem:v11+s31+$0x0], $0xffff;
	(erf) = vrcp.f32 v4;
	v23 =	vmul.f32 v15, v9  }
0x366: {  	s6 =	simm.s32 $0xA0  }
0x367: {  	s8 =	simm.s32 $0x80;
	v4 =	vmov s6  }
0x368: {  	s12 =	simm.s32 $0x90;
	v16 =	vmov s8;
	v4 =	vshll.u32 v4, $0x3;
	(erf) = vrcp.f32 v12  }
0x369: {  	v12 =	vmov s12;
	v20 =	vshll.u32 v16, $0x3;
	v4 =	vor.u32 v0, v4  }
0x36a: {  	v9 =	vld.idx.msk [tilespmem:v14+s31+$0x0], $0xffff;
	v18 =	vor.u32 $0x5, v4;
	v4 =	vshll.u32 v12, $0x3;
	v12 =	vor.u32 v0, v20  }
0x36b: {  	v17 =	vld.idx.msk [tilespmem:v13+s21+$0x0], $0xffff  }
0x36c: {  	v15 =	vld.idx.msk [tilespmem:v11+s21+$0x0], $0xffff;
	v10 =	vmul.f32 v23, v10;
	v4 =	vor.u32 v0, v4;
	v20 =	vpop (erf)  }
0x36d: {  	v19 =	vld.idx.msk [tilespmem:v13+s0+$0x0], $0xffff;
	v25 =	vor.u32 $0x5, v12;
	(erf) = vrcp.f32 v8;
	v12 =	vpop (erf);
	v8 =	vmul.f32 v20, v27  }
0x36e: {  	v24 =	vld.idx.msk [tilespmem:v3+s21+$0x0], $0xffff;
	v20 =	vmov s3;
	(erf) = vrcp.f32 v6;
	v6 =	vmul.f32 v12, v28  }
0x36f: {  	v37 =	vld.idx.msk [tilespmem:v11+s0+$0x0], $0xffff;
	v4 =	vor.u32 $0x5, v4;
	v22 =	vpop (erf);
	v20 =	vshll.u32 v20, $0x3;
	(erf) = vrcp.f32 v9  }
0x370: {  	p3 =	por $0x1, $0x1;
	v16 =	vld.idx.msk [tilespmem:v14+s21+$0x0], $0xffff;
	v26 =	vmul.f32 v8, v32;
	v8 =	vor.u32 v0, v20;
	v9 =	vmul.f32 v6, v21  }
.Ltmp18:
0x371: {  	v23 =	vmul.f32 $2.441406250e-04, v10;
	v10 =	vld.idx.msk [tilespmem:v3+s0+$0x0], $0xffff;
	v27 =	vmul.f32 v22, v29;
	v22 =	vor.u32 $0x5, v8;
	(pc) =	sbr.rel @!p3 .LBB2_38-.Ltmp18, $4  }
0x372: {  	v12 =	vld.idx.msk [tilespmem:v18+s31+$0x0], $0xffff  }
0x373: {  	v20 =	vld.idx.msk [tilespmem:v14+s0+$0x0], $0xffff;
	v21 =	vpop (erf);
	v26 =	vmul.f32 $2.441406250e-04, v26;
	v31 =	vmul.f32 v27, v33  }
0x374: {  	[tilespmem:v7+s30+$0x0] =	vst.idx.msk $0xffff, v23;
	v8 =	vld.idx.msk [tilespmem:v25+s31+$0x0], $0xffff;
	v23 =	vmul.f32 v21, v24;
	v24 =	vmul.f32 $2.441406250e-04, v9;
	v9 =	vmov v22  }
0x375: {  	p1 =	por $0x1, $0x1;
	s6 =	simm.s32 $0xF0;
	s3 =	simm.s32 $0x8;
	v28 =	vmov v18;
	v6 =	vld.idx.msk [tilespmem:v4+s31+$0x0], $0xffff;
	v33 =	vmov v22  }
.LBB2_39:
0x376: {  	s8 =	sadd.s32 $0xFFFFFFE0, s6;
	s10 =	sadd.s32 $0xFFFFFFF0, s6;
	v7 =	vmov s6;
	s3 =	sadd.s32 $0x4, s3;
	v21 =	vld.idx.msk [tilespmem:v22+s31+$0x0], $0xffff;
	[tilespmem:v5+s30+$0x0] =	vst.idx.msk $0xffff, v26;
	v22 =	vmul.f32 $2.441406250e-04, v31;
	v5 =	vmovc v13;
	v13 =	vmovc v25;
	v26 =	vmov v37  }
0x377: {  	s11 =	sadd.s32 $0xFFFFFFD0, s6;
	v27 =	vmov s8;
	v29 =	vmov s10;
	p3 =	slt.u32 s3, $0x7C;
	v30 =	vld.idx.msk [tilespmem:v25+s21+$0x0], $0xffff;
	v10 =	vmul.f32 v23, v10;
	v23 =	vpop (erf);
	[tilespmem:v1+s30+$0x0] =	vst.idx.msk $0xffff, v24  }
0x378: {  	v24 =	vmov s11;
	v1 =	vmovc v11;
	v11 =	vmovc v4;
	v29 =	vshll.u32 v29, $0x3;
	v31 =	vld.idx.msk [tilespmem:v4+s21+$0x0], $0xffff;
	(erf) = vrcp.f32 v12;
	[tilespmem:v2+s30+$0x0] =	vst.idx.msk $0xffff, v22  }
0x379: {  	v2 =	vshll.u32 v24, $0x3;
	v4 =	vor.u32 v0, v29;
	v24 =	vld.idx.msk [tilespmem:v9+s21+$0x0], $0xffff;
	v10 =	vmul.f32 $2.441406250e-04, v10;
	v12 =	vpop (erf)  }
0x37a: {  	v7 =	vshll.u32 v7, $0x3;
	v22 =	vshll.u32 v27, $0x3;
	v27 =	vor.u32 $0x5, v4;
	v29 =	vld.idx.msk [tilespmem:v25+s0+$0x0], $0xffff;
	v32 =	vpop (erf)  }
0x37b: {  	v34 =	vor.u32 v0, v2;
	v4 =	vor.u32 v0, v22;
	(erf) = vrcp.f32 v8;
	[tilespmem:v3+s30+$0x0] =	vst.idx.msk $0xffff, v10  }
0x37c: {  	v25 =	vor.u32 $0x5, v34;
	v4 =	vor.u32 $0x5, v4;
	v8 =	vor.u32 v0, v7;
	v3 =	vmovc v18;
	v7 =	vld.idx.msk [tilespmem:v18+s21+$0x0], $0xffff;
	v18 =	vmovc v27  }
0x37d: {  	v2 =	vmovc v14;
	v22 =	vor.u32 $0x5, v8;
	v37 =	vld.idx.msk [tilespmem:v11+s0+$0x0], $0xffff;
	(erf) = vrcp.f32 v6;
	v6 =	vmul.f32 v23, v17;
	v17 =	vmovc v30  }
.Ltmp19:
0x37e: {  	v14 =	vmovc v9;
	v8 =	vmul.f32 v12, v15;
	v15 =	vmovc v31;
	v10 =	vld.idx.msk [tilespmem:v28+s0+$0x0], $0xffff;
	(erf) = vrcp.f32 v21;
	v28 =	vmov v27;
	(pc) =	sbr.rel @p3 .LBB2_39-.Ltmp19, $4  }
0x37f: {  	v9 =	vmovc v22;
	v21 =	vmul.f32 v32, v16;
	v16 =	vmov v24;
	v12 =	vld.idx.msk [tilespmem:v27+s31+$0x0], $0xffff;
	v6 =	vmul.f32 v6, v19  }
0x380: {  	v23 =	vmovc v20;
	v24 =	vmul.f32 v8, v26;
	v19 =	vmov v29;
	v20 =	vld.idx.msk [tilespmem:v33+s0+$0x0], $0xffff;
	v33 =	vmov v22  }
0x381: {  	v31 =	vmul.f32 v21, v23;
	v8 =	vld.idx.msk [tilespmem:v25+s31+$0x0], $0xffff;
	v27 =	vpop (erf);
	v26 =	vmul.f32 $2.441406250e-04, v6  }
0x382: {  	s6 =	sadd.s32 $0x40, s6;
	v24 =	vmul.f32 $2.441406250e-04, v24;
	v6 =	vld.idx.msk [tilespmem:v4+s31+$0x0], $0xffff;
	v23 =	vmul.f32 v27, v7  }
0x383: {  	v36 =	vmov v5;
	v35 =	vmov v1  }
0x384: {  	v34 =	vmovc v2;
	v30 =	vmovc v3;
	v38 =	vmov v13;
	v5 =	vmov v25;
	v21 =	vmov v37  }
0x385: {  	v1 =	vmovc v11;
	v7 =	vmovc v18;
	v27 =	vmov v17;
	v17 =	vmov v14;
	v3 =	vmov v28  }
0x386: {  	v28 =	vmovc v15;
	v32 =	vmovc v19;
	v29 =	vmov v16;
	v2 =	vmov v33;
	v33 =	vmov v20  }
.LBB2_41:
0x387: {  	_ =	sdelay $0x2  }
0x388: {  	(erf) = vrcp.f32 v12  }
0x389: {  	v11 =	vld.idx.msk [tilespmem:v22+s31+$0x0], $0xffff;
	_ =	sdelay $0x1  }
0x38a: {  	(erf) = vrcp.f32 v8;
	_ =	sdelay $0x1  }
0x38b: {  	v13 =	vld.idx.msk [tilespmem:v7+s21+$0x0], $0xffff;
	v8 =	vpop @p2 (erf);
	(erf) = vrcp.f32 v6  }
0x38c: {  	(erf) = vrcp.f32 v11  }
0x38d: {  	v12 =	vmul.f32 @p1 $2.441406250e-04, v31;
	v15 =	vld.idx.msk [tilespmem:v4+s21+$0x0], $0xffff;
	v16 =	vmov @p2 v21;
	v8 =	vmul.f32 @p2 v8, v27;
	v11 =	vpop @p2 (erf)  }
0x38e: {  	v10 =	vmul.f32 @p2 v23, v10;
	v6 =	vld.idx.msk [tilespmem:v5+s21+$0x0], $0xffff;
	v14 =	vpop @p2 (erf);
	v11 =	vmul.f32 @p2 v11, v28  }
0x38f: {  	v3 =	vld.idx.msk [tilespmem:v3+s0+$0x0], $0xffff;
	v8 =	vmul.f32 @p2 v8, v32;
	v14 =	vmul.f32 @p2 v14, v29;
	v60 =	vpop (erf)  }
0x390: {  	v18 =	vmovc @p2 v38;
	v19 =	vld.idx.msk [tilespmem:v5+s0+$0x0], $0xffff;
	v11 =	vmul.f32 @p2 v11, v16;
	v16 =	vmov @p2 v33;
	v13 =	vmul.f32 v60, v13  }
0x391: {  	v20 =	vld.idx.msk [tilespmem:v9+s21+$0x0], $0xffff;
	v1 =	vpsel p2, v1, v0;
	v17 =	vpsel p2, v17, v0;
	v14 =	vmul.f32 @p2 v14, v16  }
0x392: {  	[tilespmem:v36+s30+$0x0] =	vst.idx.msk @p1 $0xffff, v26;
	v61 =	vld.idx.msk [tilespmem:v4+s0+$0x0], $0xffff;
	v18 =	vpsel p2, v18, v0;
	v10 =	vmul.f32 @p2 $2.441406250e-04, v10;
	v8 =	vmul.f32 @p2 $2.441406250e-04, v8;
	v62 =	vpop (erf)  }
0x393: {  	v2 =	vld.idx.msk [tilespmem:v2+s0+$0x0], $0xffff;
	v11 =	vmul.f32 @p2 $2.441406250e-04, v11;
	v14 =	vpsel p2, v14, v0;
	v6 =	vmul.f32 v62, v6  }
0x394: {  	[tilespmem:v34+s30+$0x0] =	vst.idx.msk @p1 $0xffff, v12;
	v8 =	vpsel p2, v8, v0;
	v14 =	vmul.f32 @p2 $2.441406250e-04, v14;
	v3 =	vmul.f32 v13, v3;
	v13 =	vpop (erf)  }
0x395: {  	s11 =	simm.s32 $0x10;
	v11 =	vpsel p2, v11, v0;
	v6 =	vmul.f32 v6, v19;
	v63 =	vpop (erf);
	v13 =	vmul.f32 v13, v15  }
0x396: {  	s3 =	simm.s32 $0x20;
	[tilespmem:v1+s30+$0x0] =	vst.idx.msk @p2 $0xffff, v11;
	v11 =	vmov s11;
	v3 =	vmul.f32 $2.441406250e-04, v3;
	v12 =	vmul.f32 v63, v20  }
0x397: {  	s6 =	simm.s32 $0x0;
	[tilespmem:v30+s30+$0x0] =	vst.idx.msk @p2 $0xffff, v10;
	v10 =	vmul.f32 v13, v61;
	v13 =	vmul.f32 $2.441406250e-04, v6;
	v6 =	vmov s3  }
0x398: {  	[tilespmem:v18+s30+$0x0] =	vst.idx.msk @p2 $0xffff, v8;
	v8 =	vmul.f32 v12, v2;
	v2 =	vmov s6;
	v6 =	vshll.u32 v6, $0x3  }
0x399: {  	[tilespmem:v17+s30+$0x0] =	vst.idx.msk @p2 $0xffff, v14;
	v2 =	vshll.u32 v2, $0x3;
	v1 =	vor.u32 v0, v6;
	v6 =	vshll.u32 v11, $0x3  }
0x39a: {  	[tilespmem:v7+s30+$0x0] =	vst.idx.msk $0xffff, v3;
	v7 =	vmul.f32 $2.441406250e-04, v10;
	v11 =	vor.u32 $0x6, v1;
	v2 =	vor.u32 v0, v2  }
0x39b: {  	s12 =	simm.s32 $0x30;
	[tilespmem:v5+s30+$0x0] =	vst.idx.msk $0xffff, v13;
	v3 =	vor.u32 v0, v6;
	v6 =	vor.u32 $0x6, v2  }
0x39c: {  	p2 =	por $0x1, $0x1;
	v8 =	vmul.f32 $2.441406250e-04, v8;
	v5 =	vor.u32 $0x6, v3;
	[tilespmem:v4+s30+$0x0] =	vst.idx.msk $0xffff, v7;
	v4 =	vmov s12  }
.Ltmp20:
0x39d: {  	[tilespmem:v35+s30+$0x0] =	vst.idx.msk @p1 $0xffff, v24;
	v4 =	vshll.u32 v4, $0x3;
	(pc) =	sbr.rel @!p2 .LBB2_42-.Ltmp20, $4  }
0x39e: {  	[tilespmem:v9+s30+$0x0] =	vst.idx.msk $0xffff, v8;
	v4 =	vor.u32 v0, v4  }
0x39f: {  	v7 =	vor.u32 $0x6, v4;
	v14 =	vld.idx.msk [tilespmem:v11+s31+$0x0], $0xffff  }
0x3a0: {  	v12 =	vld.idx.msk [tilespmem:v6+s31+$0x0], $0xffff  }
0x3a1: {  	p3 =	por $0x0, $0x0;
	p1 =	por $0x0, $0x0;
	s3 =	simm.s32 $0x70;
	v10 =	vld.idx.msk [tilespmem:v5+s31+$0x0], $0xffff  }
0x3a2: {  	_ =	sdelay $0x3  }
0x3a3: {  	s6 =	simm.s32 $0x60;
	v8 =	vld.idx.msk [tilespmem:v7+s31+$0x0], $0xffff  }
0x3a4: {  	s12 =	simm.s32 $0x40;
	v29 =	vld.idx.msk [tilespmem:v6+s21+$0x0], $0xffff;
	v9 =	vmov s6;
	(erf) = vrcp.f32 v14  }
0x3a5: {  	s8 =	simm.s32 $0x50;
	v30 =	vld.idx.msk [tilespmem:v5+s21+$0x0], $0xffff;
	v13 =	vmov s12;
	v9 =	vshll.u32 v9, $0x3  }
0x3a6: {  	v32 =	vld.idx.msk [tilespmem:v7+s21+$0x0], $0xffff;
	v14 =	vmov s8;
	v13 =	vshll.u32 v13, $0x3;
	v9 =	vor.u32 v0, v9  }
0x3a7: {  	v31 =	vld.idx.msk [tilespmem:v6+s0+$0x0], $0xffff;
	v14 =	vshll.u32 v14, $0x3;
	v13 =	vor.u32 v0, v13;
	v9 =	vor.u32 $0x6, v9  }
0x3a8: {  	v24 =	vld.idx.msk [tilespmem:v5+s0+$0x0], $0xffff;
	v14 =	vor.u32 v0, v14;
	v17 =	vor.u32 $0x6, v13  }
0x3a9: {  	p4 =	por $0x1, $0x1;
	v13 =	vld.idx.msk [tilespmem:v11+s21+$0x0], $0xffff;
	v15 =	vor.u32 $0x6, v14  }
.Ltmp21:
0x3aa: {  	v16 =	vld.idx.msk [tilespmem:v11+s0+$0x0], $0xffff;
	(pc) =	sbr.rel @!p4 .LBB2_44-.Ltmp21, $4  }
0x3ab: {  	v18 =	vmov s3;
	v34 =	vld.idx.msk [tilespmem:v7+s0+$0x0], $0xffff  }
0x3ac: {  	v18 =	vshll.u32 v18, $0x3;
	(erf) = vrcp.f32 v12;
	v14 =	vld.idx.msk [tilespmem:v9+s31+$0x0], $0xffff  }
0x3ad: {  	v18 =	vor.u32 v0, v18;
	(erf) = vrcp.f32 v10;
	v12 =	vld.idx.msk [tilespmem:v17+s31+$0x0], $0xffff;
	v19 =	vpop (erf)  }
0x3ae: {  	p3 =	por $0x1, $0x1;
	s6 =	simm.s32 $0xB0;
	v18 =	vor.u32 $0x6, v18;
	v10 =	vld.idx.msk [tilespmem:v15+s31+$0x0], $0xffff;
	(erf) = vrcp.f32 v8;
	v27 =	vmul.f32 v19, v13  }
0x3af: {  	s8 =	simm.s32 $0xA0  }
0x3b0: {  	s10 =	simm.s32 $0x80;
	v8 =	vmov s8  }
0x3b1: {  	s12 =	simm.s32 $0x90;
	v20 =	vmov s10;
	v8 =	vshll.u32 v8, $0x3;
	(erf) = vrcp.f32 v14  }
0x3b2: {  	v14 =	vmov s12;
	v25 =	vshll.u32 v20, $0x3;
	v8 =	vor.u32 v0, v8  }
0x3b3: {  	v13 =	vld.idx.msk [tilespmem:v18+s31+$0x0], $0xffff;
	v22 =	vor.u32 $0x6, v8;
	v8 =	vshll.u32 v14, $0x3;
	v14 =	vor.u32 v0, v25  }
0x3b4: {  	v21 =	vld.idx.msk [tilespmem:v17+s21+$0x0], $0xffff  }
0x3b5: {  	v19 =	vld.idx.msk [tilespmem:v15+s21+$0x0], $0xffff;
	v16 =	vmul.f32 v27, v16;
	v8 =	vor.u32 v0, v8;
	v25 =	vpop (erf)  }
0x3b6: {  	v23 =	vld.idx.msk [tilespmem:v17+s0+$0x0], $0xffff;
	v28 =	vor.u32 $0x6, v14;
	(erf) = vrcp.f32 v12;
	v14 =	vpop (erf);
	v12 =	vmul.f32 v25, v29  }
0x3b7: {  	v36 =	vld.idx.msk [tilespmem:v9+s21+$0x0], $0xffff;
	v25 =	vmov s6;
	(erf) = vrcp.f32 v10;
	v10 =	vmul.f32 v14, v30  }
0x3b8: {  	v38 =	vld.idx.msk [tilespmem:v15+s0+$0x0], $0xffff;
	v8 =	vor.u32 $0x6, v8;
	v26 =	vpop (erf);
	v25 =	vshll.u32 v25, $0x3;
	(erf) = vrcp.f32 v13  }
0x3b9: {  	p5 =	por $0x1, $0x1;
	v20 =	vld.idx.msk [tilespmem:v18+s21+$0x0], $0xffff;
	v29 =	vmul.f32 v12, v31;
	v12 =	vor.u32 v0, v25;
	v13 =	vmul.f32 v10, v24  }
.Ltmp22:
0x3ba: {  	v27 =	vmul.f32 $2.441406250e-04, v16;
	v16 =	vld.idx.msk [tilespmem:v9+s0+$0x0], $0xffff;
	v30 =	vmul.f32 v26, v32;
	v26 =	vor.u32 $0x6, v12;
	(pc) =	sbr.rel @!p5 .LBB2_46-.Ltmp22, $4  }
0x3bb: {  	v14 =	vld.idx.msk [tilespmem:v22+s31+$0x0], $0xffff  }
0x3bc: {  	v25 =	vld.idx.msk [tilespmem:v18+s0+$0x0], $0xffff;
	v24 =	vpop (erf);
	v33 =	vmul.f32 $2.441406250e-04, v29;
	v35 =	vmul.f32 v30, v34  }
0x3bd: {  	[tilespmem:v11+s30+$0x0] =	vst.idx.msk $0xffff, v27;
	v12 =	vld.idx.msk [tilespmem:v28+s31+$0x0], $0xffff;
	v27 =	vmul.f32 v24, v36;
	v36 =	vmul.f32 $2.441406250e-04, v13;
	v13 =	vmov v26  }
0x3be: {  	p4 =	por $0x1, $0x1;
	s8 =	simm.s32 $0xF0;
	s6 =	simm.s32 $0x8;
	v10 =	vld.idx.msk [tilespmem:v8+s31+$0x0], $0xffff;
	v34 =	vmov v26;
	v30 =	vmov v22  }
.LBB2_47:
0x3bf: {  	s10 =	sadd.s32 $0xFFFFFFE0, s8;
	s11 =	sadd.s32 $0xFFFFFFF0, s8;
	v11 =	vmov s8;
	s6 =	sadd.s32 $0x4, s6;
	v24 =	vld.idx.msk [tilespmem:v26+s31+$0x0], $0xffff;
	[tilespmem:v6+s30+$0x0] =	vst.idx.msk $0xffff, v33;
	v26 =	vmul.f32 $2.441406250e-04, v35;
	v6 =	vmovc v17;
	v17 =	vmovc v28;
	v29 =	vmov v38  }
0x3c0: {  	s12 =	sadd.s32 $0xFFFFFFD0, s8;
	v31 =	vmov s10;
	v32 =	vmov s11;
	p5 =	slt.u32 s6, $0x7C;
	v33 =	vld.idx.msk [tilespmem:v28+s21+$0x0], $0xffff;
	v16 =	vmul.f32 v27, v16;
	v27 =	vpop (erf);
	[tilespmem:v5+s30+$0x0] =	vst.idx.msk $0xffff, v36  }
0x3c1: {  	v37 =	vmov s12;
	v5 =	vmovc v15;
	v15 =	vmovc v8;
	v32 =	vshll.u32 v32, $0x3;
	v36 =	vld.idx.msk [tilespmem:v8+s21+$0x0], $0xffff;
	(erf) = vrcp.f32 v14;
	[tilespmem:v7+s30+$0x0] =	vst.idx.msk $0xffff, v26  }
0x3c2: {  	v7 =	vshll.u32 v37, $0x3;
	v8 =	vor.u32 v0, v32;
	v32 =	vld.idx.msk [tilespmem:v13+s21+$0x0], $0xffff;
	v14 =	vmul.f32 $2.441406250e-04, v16;
	v35 =	vpop (erf)  }
0x3c3: {  	v11 =	vshll.u32 v11, $0x3;
	v16 =	vshll.u32 v31, $0x3;
	v31 =	vor.u32 $0x6, v8;
	v37 =	vld.idx.msk [tilespmem:v28+s0+$0x0], $0xffff;
	v39 =	vpop (erf)  }
0x3c4: {  	v40 =	vor.u32 v0, v7;
	v8 =	vor.u32 v0, v16;
	(erf) = vrcp.f32 v12;
	[tilespmem:v9+s30+$0x0] =	vst.idx.msk $0xffff, v14  }
0x3c5: {  	v28 =	vor.u32 $0x6, v40;
	v8 =	vor.u32 $0x6, v8;
	v12 =	vor.u32 v0, v11;
	v9 =	vmovc v22;
	v11 =	vld.idx.msk [tilespmem:v22+s21+$0x0], $0xffff;
	v22 =	vmovc v31  }
0x3c6: {  	v7 =	vmovc v18;
	v26 =	vor.u32 $0x6, v12;
	v38 =	vld.idx.msk [tilespmem:v15+s0+$0x0], $0xffff;
	(erf) = vrcp.f32 v10;
	v10 =	vmul.f32 v27, v21;
	v21 =	vmovc v33  }
.Ltmp23:
0x3c7: {  	v18 =	vmovc v13;
	v12 =	vmul.f32 v35, v19;
	v19 =	vmovc v36;
	v16 =	vld.idx.msk [tilespmem:v30+s0+$0x0], $0xffff;
	(erf) = vrcp.f32 v24;
	v30 =	vmov v31;
	(pc) =	sbr.rel @p5 .LBB2_47-.Ltmp23, $4  }
0x3c8: {  	v13 =	vmovc v26;
	v24 =	vmul.f32 v39, v20;
	v20 =	vmov v32;
	v14 =	vld.idx.msk [tilespmem:v31+s31+$0x0], $0xffff;
	v10 =	vmul.f32 v10, v23  }
0x3c9: {  	v27 =	vmovc v25;
	v29 =	vmul.f32 v12, v29;
	v23 =	vmov v37;
	v25 =	vld.idx.msk [tilespmem:v34+s0+$0x0], $0xffff;
	v34 =	vmov v26  }
0x3ca: {  	v35 =	vmul.f32 v24, v27;
	v12 =	vld.idx.msk [tilespmem:v28+s31+$0x0], $0xffff;
	v31 =	vpop (erf);
	v33 =	vmul.f32 $2.441406250e-04, v10  }
0x3cb: {  	s8 =	sadd.s32 $0x40, s8;
	v36 =	vmul.f32 $2.441406250e-04, v29;
	v10 =	vld.idx.msk [tilespmem:v8+s31+$0x0], $0xffff;
	v27 =	vmul.f32 v31, v11  }
0x3cc: {  	v39 =	vmov v6;
	v41 =	vmov v5  }
0x3cd: {  	v42 =	vmovc v7;
	v37 =	vmovc v9;
	v40 =	vmov v17;
	v6 =	vmov v28;
	v24 =	vmov v38  }
0x3ce: {  	v5 =	vmovc v15;
	v11 =	vmovc v22;
	v29 =	vmov v21;
	v21 =	vmov v18;
	v9 =	vmov v30  }
0x3cf: {  	v30 =	vmovc v19;
	v31 =	vmovc v23;
	v32 =	vmov v20;
	v7 =	vmov v34;
	v34 =	vmov v25  }
.LBB2_49:
0x3d0: {  	_ =	sdelay $0x3  }
0x3d1: {  	v15 =	vld.idx.msk [tilespmem:v26+s31+$0x0], $0xffff;
	_ =	sdelay $0x1  }
0x3d2: {  	(erf) = vrcp.f32 v14  }
0x3d3: {  	(erf) = vrcp.f32 v12  }
0x3d4: {  	(erf) = vrcp.f32 v10  }
0x3d5: {  	v18 =	vld.idx.msk [tilespmem:v11+s21+$0x0], $0xffff;
	v12 =	vpop @p3 (erf);
	(erf) = vrcp.f32 v15  }
0x3d6: {  	v16 =	vmul.f32 @p3 v27, v16;
	v20 =	vld.idx.msk [tilespmem:v8+s21+$0x0], $0xffff;
	v14 =	vpop @p3 (erf)  }
0x3d7: {  	[tilespmem:v39+s30+$0x0] =	vst.idx.msk @p4 $0xffff, v33;
	v9 =	vld.idx.msk [tilespmem:v9+s0+$0x0], $0xffff;
	v12 =	vmul.f32 @p3 v12, v29;
	v19 =	vpop @p3 (erf);
	v14 =	vmul.f32 @p3 v14, v30  }
0x3d8: {  	v17 =	vmovc @p3 v40;
	v22 =	vmovc @p3 v24;
	v23 =	vmov @p3 v34;
	v10 =	vld.idx.msk [tilespmem:v6+s21+$0x0], $0xffff;
	v19 =	vmul.f32 @p3 v19, v32;
	v15 =	vmul.f32 @p4 $2.441406250e-04, v35  }
0x3d9: {  	v58 =	vld.idx.msk [tilespmem:v6+s0+$0x0], $0xffff;
	v5 =	vpsel p3, v5, v0;
	v17 =	vpsel p3, v17, v0;
	v12 =	vmul.f32 @p3 v12, v31  }
0x3da: {  	v14 =	vmul.f32 @p3 v14, v22;
	v19 =	vmul.f32 @p3 v19, v23;
	[tilespmem:v42+s30+$0x0] =	vst.idx.msk @p4 $0xffff, v15;
	v15 =	vld.idx.msk [tilespmem:v13+s21+$0x0], $0xffff  }
0x3db: {  	[tilespmem:v41+s30+$0x0] =	vst.idx.msk @p4 $0xffff, v36;
	v60 =	vld.idx.msk [tilespmem:v8+s0+$0x0], $0xffff;
	v21 =	vpsel p3, v21, v0;
	v16 =	vmul.f32 @p3 $2.441406250e-04, v16;
	v12 =	vmul.f32 @p3 $2.441406250e-04, v12;
	v59 =	vpop (erf)  }
0x3dc: {  	v7 =	vld.idx.msk [tilespmem:v7+s0+$0x0], $0xffff;
	v14 =	vmul.f32 @p3 $2.441406250e-04, v14;
	v19 =	vpsel p3, v19, v0;
	v18 =	vmul.f32 v59, v18;
	v61 =	vpop (erf)  }
0x3dd: {  	[tilespmem:v37+s30+$0x0] =	vst.idx.msk @p3 $0xffff, v16;
	v12 =	vpsel p3, v12, v0;
	v16 =	vmul.f32 @p3 $2.441406250e-04, v19;
	v62 =	vpop (erf);
	v10 =	vmul.f32 v61, v10  }
0x3de: {  	v14 =	vpsel p3, v14, v0;
	v9 =	vmul.f32 v18, v9;
	v19 =	vmul.f32 v62, v20;
	v63 =	vpop (erf)  }
0x3df: {  	[tilespmem:v17+s30+$0x0] =	vst.idx.msk @p3 $0xffff, v12;
	v10 =	vmul.f32 v10, v58;
	v12 =	vmul.f32 v63, v15  }
0x3e0: {  	[tilespmem:v5+s30+$0x0] =	vst.idx.msk @p3 $0xffff, v14;
	v5 =	vmul.f32 $2.441406250e-04, v9;
	v14 =	vmul.f32 v19, v60  }
0x3e1: {  	[tilespmem:v21+s30+$0x0] =	vst.idx.msk @p3 $0xffff, v16;
	v9 =	vor.u32 $0x7, v1;
	v10 =	vmul.f32 $2.441406250e-04, v10;
	v7 =	vmul.f32 v12, v7  }
0x3e2: {  	v1 =	vor.u32 $0x7, v2;
	[tilespmem:v11+s30+$0x0] =	vst.idx.msk $0xffff, v5;
	v5 =	vmul.f32 $2.441406250e-04, v14  }
0x3e3: {  	v2 =	vor.u32 $0x7, v3;
	[tilespmem:v6+s30+$0x0] =	vst.idx.msk $0xffff, v10;
	v6 =	vmul.f32 $2.441406250e-04, v7  }
.Ltmp24:
0x3e4: {  	[tilespmem:v8+s30+$0x0] =	vst.idx.msk $0xffff, v5;
	(pc) =	sbr.rel @!p2 .LBB2_50-.Ltmp24, $4  }
0x3e5: {  	[tilespmem:v13+s30+$0x0] =	vst.idx.msk $0xffff, v6  }
0x3e6: {  	v3 =	vor.u32 $0x7, v4;
	v12 =	vld.idx.msk [tilespmem:v9+s31+$0x0], $0xffff  }
0x3e7: {  	v7 =	vld.idx.msk [tilespmem:v1+s31+$0x0], $0xffff  }
0x3e8: {  	v6 =	vld.idx.msk [tilespmem:v2+s31+$0x0], $0xffff  }
0x3e9: {  	_ =	sdelay $0x3  }
0x3ea: {  	s6 =	simm.s32 $0x60;
	v5 =	vld.idx.msk [tilespmem:v3+s31+$0x0], $0xffff  }
0x3eb: {  	s12 =	simm.s32 $0x40;
	v25 =	vld.idx.msk [tilespmem:v1+s21+$0x0], $0xffff;
	v4 =	vmov s6;
	(erf) = vrcp.f32 v12  }
0x3ec: {  	s8 =	simm.s32 $0x50;
	v26 =	vld.idx.msk [tilespmem:v2+s21+$0x0], $0xffff;
	v8 =	vmov s12;
	v4 =	vshll.u32 v4, $0x3  }
0x3ed: {  	v28 =	vld.idx.msk [tilespmem:v3+s21+$0x0], $0xffff;
	v10 =	vmov s8;
	v8 =	vshll.u32 v8, $0x3;
	v4 =	vor.u32 v0, v4  }
0x3ee: {  	v27 =	vld.idx.msk [tilespmem:v1+s0+$0x0], $0xffff;
	v10 =	vshll.u32 v10, $0x3;
	v8 =	vor.u32 v0, v8;
	v4 =	vor.u32 $0x7, v4  }
0x3ef: {  	v20 =	vld.idx.msk [tilespmem:v2+s0+$0x0], $0xffff;
	v10 =	vor.u32 v0, v10;
	v13 =	vor.u32 $0x7, v8  }
0x3f0: {  	p3 =	por $0x1, $0x1;
	v8 =	vld.idx.msk [tilespmem:v9+s21+$0x0], $0xffff;
	v10 =	vor.u32 $0x7, v10  }
.Ltmp25:
0x3f1: {  	v11 =	vld.idx.msk [tilespmem:v9+s0+$0x0], $0xffff;
	(pc) =	sbr.rel @!p3 .LBB2_52-.Ltmp25, $4  }
0x3f2: {  	v14 =	vmov s3;
	v30 =	vld.idx.msk [tilespmem:v3+s0+$0x0], $0xffff  }
0x3f3: {  	v14 =	vshll.u32 v14, $0x3;
	(erf) = vrcp.f32 v7;
	v12 =	vld.idx.msk [tilespmem:v4+s31+$0x0], $0xffff  }
0x3f4: {  	v14 =	vor.u32 v0, v14;
	(erf) = vrcp.f32 v6;
	v7 =	vld.idx.msk [tilespmem:v13+s31+$0x0], $0xffff;
	v15 =	vpop (erf)  }
0x3f5: {  	s3 =	simm.s32 $0xB0;
	p2 =	por $0x1, $0x1;
	v14 =	vor.u32 $0x7, v14;
	v6 =	vld.idx.msk [tilespmem:v10+s31+$0x0], $0xffff;
	(erf) = vrcp.f32 v5;
	v23 =	vmul.f32 v15, v8  }
0x3f6: {  	s6 =	simm.s32 $0xA0  }
0x3f7: {  	s8 =	simm.s32 $0x80;
	v5 =	vmov s6  }
0x3f8: {  	s12 =	simm.s32 $0x90;
	v16 =	vmov s8;
	v5 =	vshll.u32 v5, $0x3;
	(erf) = vrcp.f32 v12  }
0x3f9: {  	v12 =	vmov s12;
	v21 =	vshll.u32 v16, $0x3;
	v5 =	vor.u32 v0, v5  }
0x3fa: {  	v8 =	vld.idx.msk [tilespmem:v14+s31+$0x0], $0xffff;
	v18 =	vor.u32 $0x7, v5;
	v5 =	vshll.u32 v12, $0x3;
	v12 =	vor.u32 v0, v21  }
0x3fb: {  	v17 =	vld.idx.msk [tilespmem:v13+s21+$0x0], $0xffff  }
0x3fc: {  	v15 =	vld.idx.msk [tilespmem:v10+s21+$0x0], $0xffff;
	v11 =	vmul.f32 v23, v11;
	v5 =	vor.u32 v0, v5;
	v21 =	vpop (erf)  }
0x3fd: {  	v19 =	vld.idx.msk [tilespmem:v13+s0+$0x0], $0xffff;
	v24 =	vor.u32 $0x7, v12;
	(erf) = vrcp.f32 v7;
	v12 =	vpop (erf);
	v7 =	vmul.f32 v21, v25  }
0x3fe: {  	v32 =	vld.idx.msk [tilespmem:v4+s21+$0x0], $0xffff;
	v21 =	vmov s3;
	(erf) = vrcp.f32 v6;
	v6 =	vmul.f32 v12, v26  }
0x3ff: {  	v34 =	vld.idx.msk [tilespmem:v10+s0+$0x0], $0xffff;
	v5 =	vor.u32 $0x7, v5;
	v22 =	vpop (erf);
	v21 =	vshll.u32 v21, $0x3;
	(erf) = vrcp.f32 v8  }
0x400: {  	p3 =	por $0x1, $0x1;
	v16 =	vld.idx.msk [tilespmem:v14+s21+$0x0], $0xffff;
	v25 =	vmul.f32 v7, v27;
	v7 =	vor.u32 v0, v21;
	v8 =	vmul.f32 v6, v20  }
.Ltmp26:
0x401: {  	v23 =	vmul.f32 $2.441406250e-04, v11;
	v11 =	vld.idx.msk [tilespmem:v4+s0+$0x0], $0xffff;
	v26 =	vmul.f32 v22, v28;
	v22 =	vor.u32 $0x7, v7;
	(pc) =	sbr.rel @!p3 .LBB2_54-.Ltmp26, $4  }
0x402: {  	v12 =	vld.idx.msk [tilespmem:v18+s31+$0x0], $0xffff  }
0x403: {  	v21 =	vld.idx.msk [tilespmem:v14+s0+$0x0], $0xffff;
	v20 =	vpop (erf);
	v29 =	vmul.f32 $2.441406250e-04, v25;
	v31 =	vmul.f32 v26, v30  }
0x404: {  	[tilespmem:v9+s30+$0x0] =	vst.idx.msk $0xffff, v23;
	v7 =	vld.idx.msk [tilespmem:v24+s31+$0x0], $0xffff;
	v23 =	vmul.f32 v20, v32;
	v32 =	vmul.f32 $2.441406250e-04, v8;
	v8 =	vmov v22  }
0x405: {  	p1 =	por $0x1, $0x1;
	s6 =	simm.s32 $0xF0;
	s3 =	simm.s32 $0x8;
	v6 =	vld.idx.msk [tilespmem:v5+s31+$0x0], $0xffff;
	v30 =	vmov v22;
	v26 =	vmov v18  }
.LBB2_55:
0x406: {  	s8 =	sadd.s32 $0xFFFFFFE0, s6;
	s10 =	sadd.s32 $0xFFFFFFF0, s6;
	v9 =	vmov s6;
	s3 =	sadd.s32 $0x4, s3;
	v20 =	vld.idx.msk [tilespmem:v22+s31+$0x0], $0xffff;
	[tilespmem:v1+s30+$0x0] =	vst.idx.msk $0xffff, v29;
	v22 =	vmul.f32 $2.441406250e-04, v31;
	v1 =	vmovc v13;
	v13 =	vmovc v24;
	v25 =	vmov v34  }
0x407: {  	s11 =	sadd.s32 $0xFFFFFFD0, s6;
	v27 =	vmov s8;
	v28 =	vmov s10;
	p3 =	slt.u32 s3, $0x7C;
	v29 =	vld.idx.msk [tilespmem:v24+s21+$0x0], $0xffff;
	v11 =	vmul.f32 v23, v11;
	v23 =	vpop (erf);
	[tilespmem:v2+s30+$0x0] =	vst.idx.msk $0xffff, v32  }
0x408: {  	v31 =	vmov s11;
	v2 =	vmovc v10;
	v10 =	vmovc v5;
	v28 =	vshll.u32 v28, $0x3;
	v32 =	vld.idx.msk [tilespmem:v5+s21+$0x0], $0xffff;
	(erf) = vrcp.f32 v12;
	[tilespmem:v3+s30+$0x0] =	vst.idx.msk $0xffff, v22  }
0x409: {  	v3 =	vshll.u32 v31, $0x3;
	v5 =	vor.u32 v0, v28;
	v28 =	vld.idx.msk [tilespmem:v8+s21+$0x0], $0xffff;
	v11 =	vmul.f32 $2.441406250e-04, v11;
	v12 =	vpop (erf)  }
0x40a: {  	v9 =	vshll.u32 v9, $0x3;
	v22 =	vshll.u32 v27, $0x3;
	v27 =	vor.u32 $0x7, v5;
	v31 =	vld.idx.msk [tilespmem:v24+s0+$0x0], $0xffff;
	v33 =	vpop (erf)  }
0x40b: {  	v35 =	vor.u32 v0, v3;
	v5 =	vor.u32 v0, v22;
	(erf) = vrcp.f32 v7;
	[tilespmem:v4+s30+$0x0] =	vst.idx.msk $0xffff, v11  }
0x40c: {  	v24 =	vor.u32 $0x7, v35;
	v5 =	vor.u32 $0x7, v5;
	v7 =	vor.u32 v0, v9;
	v4 =	vmovc v18;
	v9 =	vld.idx.msk [tilespmem:v18+s21+$0x0], $0xffff;
	v18 =	vmovc v27  }
0x40d: {  	v3 =	vmovc v14;
	v22 =	vor.u32 $0x7, v7;
	v34 =	vld.idx.msk [tilespmem:v10+s0+$0x0], $0xffff;
	(erf) = vrcp.f32 v6;
	v6 =	vmul.f32 v23, v17;
	v17 =	vmovc v29  }
.Ltmp27:
0x40e: {  	v14 =	vmovc v8;
	v7 =	vmul.f32 v12, v15;
	v15 =	vmovc v32;
	v11 =	vld.idx.msk [tilespmem:v26+s0+$0x0], $0xffff;
	(erf) = vrcp.f32 v20;
	v26 =	vmov v27;
	(pc) =	sbr.rel @p3 .LBB2_55-.Ltmp27, $4  }
0x40f: {  	v8 =	vmovc v22;
	v20 =	vmul.f32 v33, v16;
	v16 =	vmov v28;
	v12 =	vld.idx.msk [tilespmem:v27+s31+$0x0], $0xffff;
	v6 =	vmul.f32 v6, v19  }
0x410: {  	v23 =	vmovc v21;
	v25 =	vmul.f32 v7, v25;
	v19 =	vmov v31;
	v21 =	vld.idx.msk [tilespmem:v30+s0+$0x0], $0xffff;
	v30 =	vmov v22  }
0x411: {  	v31 =	vmul.f32 v20, v23;
	v7 =	vld.idx.msk [tilespmem:v24+s31+$0x0], $0xffff;
	v27 =	vpop (erf);
	v29 =	vmul.f32 $2.441406250e-04, v6  }
0x412: {  	s6 =	sadd.s32 $0x40, s6;
	v32 =	vmul.f32 $2.441406250e-04, v25;
	v6 =	vld.idx.msk [tilespmem:v5+s31+$0x0], $0xffff;
	v23 =	vmul.f32 v27, v9  }
0x413: {  	v35 =	vmov v1;
	v37 =	vmov v2  }
0x414: {  	v38 =	vmovc v3;
	v33 =	vmovc v4;
	v36 =	vmov v13;
	v1 =	vmov v24;
	v20 =	vmov v34  }
0x415: {  	v2 =	vmovc v10;
	v9 =	vmovc v18;
	v25 =	vmov v17;
	v17 =	vmov v14;
	v4 =	vmov v26  }
0x416: {  	v26 =	vmovc v15;
	v27 =	vmovc v19;
	v28 =	vmov v16;
	v3 =	vmov v30;
	v30 =	vmov v21  }
.LBB2_57:
0x417: {  	_ =	sdelay $0x3  }
0x418: {  	v10 =	vld.idx.msk [tilespmem:v22+s31+$0x0], $0xffff;
	_ =	sdelay $0x1  }
0x419: {  	(erf) = vrcp.f32 v12  }
0x41a: {  	(erf) = vrcp.f32 v7  }
0x41b: {  	v54 =	vld.idx.msk [tilespmem:v1+s21+$0x0], $0xffff;
	(erf) = vrcp.f32 v6  }
0x41c: {  	v14 =	vld.idx.msk [tilespmem:v9+s21+$0x0], $0xffff;
	v7 =	vpop @p2 (erf);
	(erf) = vrcp.f32 v10  }
0x41d: {  	v12 =	vmul.f32 @p1 $2.441406250e-04, v31;
	v16 =	vld.idx.msk [tilespmem:v5+s21+$0x0], $0xffff;
	v10 =	vpop @p2 (erf)  }
0x41e: {  	[tilespmem:v35+s30+$0x0] =	vst.idx.msk @p1 $0xffff, v29;
	v11 =	vmul.f32 @p2 v23, v11;
	v55 =	vld.idx.msk [tilespmem:v8+s21+$0x0], $0xffff;
	v7 =	vmul.f32 @p2 v7, v25;
	v15 =	vpop @p2 (erf)  }
0x41f: {  	v13 =	vmov @p2 v36;
	v4 =	vld.idx.msk [tilespmem:v4+s0+$0x0], $0xffff;
	v10 =	vmul.f32 @p2 v10, v26;
	v15 =	vmul.f32 @p2 v15, v28  }
0x420: {  	v18 =	vmovc @p2 v20;
	v19 =	vmov @p2 v30;
	v56 =	vld.idx.msk [tilespmem:v1+s0+$0x0], $0xffff;
	v13 =	vpsel p2, v13, v0;
	v7 =	vmul.f32 @p2 v7, v27  }
0x421: {  	v58 =	vld.idx.msk [tilespmem:v5+s0+$0x0], $0xffff;
	v2 =	vpsel p2, v2, v0;
	v10 =	vmul.f32 @p2 v10, v18;
	v15 =	vmul.f32 @p2 v15, v19  }
0x422: {  	[tilespmem:v37+s30+$0x0] =	vst.idx.msk @p1 $0xffff, v32;
	v3 =	vld.idx.msk [tilespmem:v3+s0+$0x0], $0xffff;
	v17 =	vpsel p2, v17, v0;
	v11 =	vmul.f32 @p2 $2.441406250e-04, v11;
	v7 =	vmul.f32 @p2 $2.441406250e-04, v7;
	v57 =	vpop (erf)  }
0x423: {  	[tilespmem:v38+s30+$0x0] =	vst.idx.msk @p1 $0xffff, v12;
	v14 =	vmul.f32 v57, v14;
	v10 =	vmul.f32 @p2 $2.441406250e-04, v10;
	v59 =	vpop (erf);
	v15 =	vpsel p2, v15, v0  }
0x424: {  	[tilespmem:v33+s30+$0x0] =	vst.idx.msk @p2 $0xffff, v11;
	v7 =	vpsel p2, v7, v0;
	v60 =	vpop (erf);
	v6 =	vmul.f32 v59, v54;
	v11 =	vmul.f32 @p2 $2.441406250e-04, v15  }
0x425: {  	[tilespmem:v13+s30+$0x0] =	vst.idx.msk @p2 $0xffff, v7;
	v4 =	vmul.f32 v14, v4;
	v15 =	vmul.f32 v60, v16;
	v61 =	vpop (erf)  }
0x426: {  	v10 =	vpsel p2, v10, v0;
	v6 =	vmul.f32 v6, v56;
	v62 =	vmul.f32 v61, v55  }
0x427: {  	[tilespmem:v2+s30+$0x0] =	vst.idx.msk @p2 $0xffff, v10;
	v2 =	vmul.f32 $2.441406250e-04, v4;
	v63 =	vmul.f32 v15, v58  }
0x428: {  	[tilespmem:v17+s30+$0x0] =	vst.idx.msk @p2 $0xffff, v11;
	v6 =	vmul.f32 $2.441406250e-04, v6;
	v3 =	vmul.f32 v62, v3  }
0x429: {  	[tilespmem:v9+s30+$0x0] =	vst.idx.msk $0xffff, v2;
	v2 =	vmul.f32 $2.441406250e-04, v63  }
0x42a: {  	[tilespmem:v1+s30+$0x0] =	vst.idx.msk $0xffff, v6;
	v1 =	vmul.f32 $2.441406250e-04, v3  }
0x42b: {  	[tilespmem:v5+s30+$0x0] =	vst.idx.msk $0xffff, v2  }
0x42c: {  	s3 =	rddreg [dreg:$0x4];
	[tilespmem:v8+s30+$0x0] =	vst.idx.msk $0xffff, v1  }
0x42d: {  	[spmem:s3] =	stream.indirect.scatter.add.f32 [tilespmem:s30], [sflag:$0x4], $0x8, s18, s29, $0xb8;
	[tilespmem:$0x13588] =	vst v63  }
0x42e: {  	_ =	swait.ge [sflag:s22], $0x4000  }
0x42f: {  	[sflag:s22] =	ssyncset.done $0x0  }
0x430: {  	[sflag:s22] =	ssyncadd.s32 $0xFFFFC000  }
0x431: {  	[spmem:s13] =	stream.indirect.scatter.add.f32 [tilespmem:s30], [sflag:$0x4], $0x8, s20, s29, $0xb8;
	[tilespmem:$0x13588] =	vst v63  }
0x432: {  	_ =	swait.ge [sflag:s22], $0x4000  }
0x433: {  	[sflag:s22] =	ssyncset.done $0x0  }
0x434: {  	[sflag:s22] =	ssyncadd.s32 $0xFFFFC000  }
0x435: {  	[bflag:$0x0] =	sbarrier.arrive $0xFFFF  }
0x436: {  	[hbm:s23], [sflag:s2] =	dma.local [spmem:s7], $0x280  }
0x437: {  	_ =	swait.ge [sflag:s22], $0x280  }
0x438: {  	s24 =	sadd.s32 $0x1, s24;
	[sflag:s22] =	ssyncset.done $0x0  }
0x439: {  	p1 =	sne.s32 s24, s17;
	[sflag:s22] =	ssyncadd.s32 $0xFFFFFD80  }
0x43a: {  	[hbm:s16], [sflag:s2] =	dma.local @!p0 [spmem:s4], $0x88  }
.Ltmp28:
0x43b: {  	_ = 	snop;
	(pc) =	sbr.rel @p1 .LBB2_1-.Ltmp28, $4  }
.Ltmp29:
0x43c: {  	s2 =	simm.s32 @!p0 $0x4;
	(pc) =	sbr.rel @!p1 .LBB2_58-.Ltmp29, $4  }
0x43d: {  	_ =	swait.ge @!p0 [sflag:s2], $0x88  }
0x43e: {  	[sflag:s2] =	ssyncset.done @!p0 $0x0  }
0x43f: {  	s3 =	smov.u32 s13;
	[sflag:s2] =	ssyncadd.s32 @!p0 $0xFFFFFF78  }
0x440: {  	_ = 	snop  }
.LBB2_10:
.Ltmp30:
0x441: {  	(pc) =	sbr.rel .LBB2_17-.Ltmp30, $2  }
0x442: {  	_ =	sdelay $0x2  }
0x443: {  	v8 =	vmovc v5;
	v26 =	vmov v7;
	v13 =	vmov v7;
	v9 =	vmov v11;
	p4 =	por $0x0, $0x0  }
.LBB2_18:
.Ltmp31:
0x444: {  	(pc) =	sbr.rel .LBB2_25-.Ltmp31, $2  }
0x445: {  	_ =	sdelay $0x2  }
0x446: {  	v4 =	vmovc v1;
	v22 =	vmov v2;
	v9 =	vmov v2;
	v3 =	vmov v7;
	p2 =	por $0x0, $0x0  }
.LBB2_26:
.Ltmp32:
0x447: {  	(pc) =	sbr.rel .LBB2_33-.Ltmp32, $2  }
0x448: {  	_ =	sdelay $0x2  }
0x449: {  	v8 =	vmovc v5;
	v26 =	vmov v7;
	v13 =	vmov v7;
	v9 =	vmov v11;
	p4 =	por $0x0, $0x0  }
.LBB2_34:
.Ltmp33:
0x44a: {  	(pc) =	sbr.rel .LBB2_41-.Ltmp33, $2  }
0x44b: {  	_ =	sdelay $0x2  }
0x44c: {  	v4 =	vmovc v1;
	v22 =	vmov v2;
	v9 =	vmov v2;
	v3 =	vmov v7;
	p2 =	por $0x0, $0x0  }
.LBB2_42:
.Ltmp34:
0x44d: {  	(pc) =	sbr.rel .LBB2_49-.Ltmp34, $2  }
0x44e: {  	_ =	sdelay $0x2  }
0x44f: {  	v8 =	vmovc v5;
	v26 =	vmov v7;
	v13 =	vmov v7;
	v9 =	vmov v11;
	p4 =	por $0x0, $0x0  }
.LBB2_50:
.Ltmp35:
0x450: {  	(pc) =	sbr.rel .LBB2_57-.Ltmp35, $2  }
0x451: {  	_ =	sdelay $0x2  }
0x452: {  	v5 =	vmovc v2;
	v22 =	vmov v3;
	v8 =	vmov v3;
	v4 =	vmov v9;
	p2 =	por $0x0, $0x0  }
.LBB2_12:
.Ltmp36:
0x453: {  	(pc) =	sbr.rel .LBB2_17-.Ltmp36, $3  }
0x454: {  	_ =	sdelay $0x1  }
0x455: {  	v40 =	vmovc v6;
	v37 =	vmov v11;
	v21 =	vmov v7;
	v26 =	vmov v18  }
0x456: {  	v6 =	vmovc v17;
	v8 =	vmovc v15;
	v13 =	vmov v18;
	v11 =	vmov v9;
	v7 =	vmov v18;
	p4 =	por $0x0, $0x0  }
.LBB2_20:
.Ltmp37:
0x457: {  	(pc) =	sbr.rel .LBB2_25-.Ltmp37, $3  }
0x458: {  	_ =	sdelay $0x1  }
0x459: {  	v38 =	vmovc v5;
	v30 =	vmov v7;
	v17 =	vmov v2;
	v22 =	vmov v14  }
0x45a: {  	v5 =	vmovc v13;
	v4 =	vmovc v11;
	v9 =	vmov v14;
	v7 =	vmov v3;
	v2 =	vmov v14  }
.LBB2_28:
.Ltmp38:
0x45b: {  	(pc) =	sbr.rel .LBB2_33-.Ltmp38, $3  }
0x45c: {  	_ =	sdelay $0x1  }
0x45d: {  	v40 =	vmovc v6;
	v37 =	vmov v11;
	v21 =	vmov v7;
	v26 =	vmov v18  }
0x45e: {  	v6 =	vmovc v17;
	v8 =	vmovc v15;
	v13 =	vmov v18;
	v11 =	vmov v9;
	v7 =	vmov v18;
	p4 =	por $0x0, $0x0  }
.LBB2_36:
.Ltmp39:
0x45f: {  	(pc) =	sbr.rel .LBB2_41-.Ltmp39, $3  }
0x460: {  	_ =	sdelay $0x1  }
0x461: {  	v38 =	vmovc v5;
	v30 =	vmov v7;
	v17 =	vmov v2;
	v22 =	vmov v14  }
0x462: {  	v5 =	vmovc v13;
	v4 =	vmovc v11;
	v9 =	vmov v14;
	v7 =	vmov v3;
	v2 =	vmov v14  }
.LBB2_44:
.Ltmp40:
0x463: {  	(pc) =	sbr.rel .LBB2_49-.Ltmp40, $3  }
0x464: {  	_ =	sdelay $0x1  }
0x465: {  	v40 =	vmovc v6;
	v37 =	vmov v11;
	v21 =	vmov v7;
	v26 =	vmov v18  }
0x466: {  	v6 =	vmovc v17;
	v8 =	vmovc v15;
	v13 =	vmov v18;
	v11 =	vmov v9;
	v7 =	vmov v18;
	p4 =	por $0x0, $0x0  }
.LBB2_52:
.Ltmp41:
0x467: {  	(pc) =	sbr.rel .LBB2_57-.Ltmp41, $3  }
0x468: {  	_ =	sdelay $0x1  }
0x469: {  	v36 =	vmovc v1;
	v33 =	vmov v9;
	v17 =	vmov v3;
	v22 =	vmov v14  }
0x46a: {  	v1 =	vmovc v13;
	v5 =	vmovc v10;
	v8 =	vmov v14;
	v9 =	vmov v4;
	v3 =	vmov v14  }
.LBB2_14:
.Ltmp42:
0x46b: {  	(pc) =	sbr.rel .LBB2_17-.Ltmp42, $4  }
0x46c: {  	v39 =	vmov v6;
	v41 =	vmov v5;
	v42 =	vmov v7  }
0x46d: {  	v37 =	vmovc v9;
	v40 =	vmovc v17;
	v6 =	vmov v28;
	v24 =	vmov v38;
	v5 =	vmov v15  }
0x46e: {  	v13 =	vmovc v26;
	v11 =	vmovc v22;
	v29 =	vmov v21;
	v21 =	vmov v18;
	v9 =	vmov v22  }
0x46f: {  	v30 =	vmovc v19;
	v31 =	vmovc v23;
	v32 =	vmov v20;
	v7 =	vmov v26;
	v34 =	vmov v25  }
.LBB2_22:
.Ltmp43:
0x470: {  	(pc) =	sbr.rel .LBB2_25-.Ltmp43, $4  }
0x471: {  	v36 =	vmov v5;
	v35 =	vmov v1;
	v34 =	vmov v2  }
0x472: {  	v30 =	vmovc v3;
	v38 =	vmovc v13;
	v5 =	vmov v25;
	v21 =	vmov v37;
	v1 =	vmov v11  }
0x473: {  	v9 =	vmovc v22;
	v7 =	vmovc v18;
	v27 =	vmov v17;
	v17 =	vmov v14;
	v3 =	vmov v18  }
0x474: {  	v28 =	vmovc v15;
	v32 =	vmovc v19;
	v29 =	vmov v16;
	v2 =	vmov v22;
	v33 =	vmov v20  }
.LBB2_30:
.Ltmp44:
0x475: {  	(pc) =	sbr.rel .LBB2_33-.Ltmp44, $4  }
0x476: {  	v39 =	vmov v6;
	v41 =	vmov v5;
	v42 =	vmov v7  }
0x477: {  	v37 =	vmovc v9;
	v40 =	vmovc v17;
	v6 =	vmov v28;
	v24 =	vmov v38;
	v5 =	vmov v15  }
0x478: {  	v13 =	vmovc v26;
	v11 =	vmovc v22;
	v29 =	vmov v21;
	v21 =	vmov v18;
	v9 =	vmov v22  }
0x479: {  	v30 =	vmovc v19;
	v31 =	vmovc v23;
	v32 =	vmov v20;
	v7 =	vmov v26;
	v34 =	vmov v25  }
.LBB2_38:
.Ltmp45:
0x47a: {  	(pc) =	sbr.rel .LBB2_41-.Ltmp45, $4  }
0x47b: {  	v36 =	vmov v5;
	v35 =	vmov v1;
	v34 =	vmov v2  }
0x47c: {  	v30 =	vmovc v3;
	v38 =	vmovc v13;
	v5 =	vmov v25;
	v21 =	vmov v37;
	v1 =	vmov v11  }
0x47d: {  	v9 =	vmovc v22;
	v7 =	vmovc v18;
	v27 =	vmov v17;
	v17 =	vmov v14;
	v3 =	vmov v18  }
0x47e: {  	v28 =	vmovc v15;
	v32 =	vmovc v19;
	v29 =	vmov v16;
	v2 =	vmov v22;
	v33 =	vmov v20  }
.LBB2_46:
.Ltmp46:
0x47f: {  	(pc) =	sbr.rel .LBB2_49-.Ltmp46, $4  }
0x480: {  	v39 =	vmov v6;
	v41 =	vmov v5;
	v42 =	vmov v7  }
0x481: {  	v37 =	vmovc v9;
	v40 =	vmovc v17;
	v6 =	vmov v28;
	v24 =	vmov v38;
	v5 =	vmov v15  }
0x482: {  	v13 =	vmovc v26;
	v11 =	vmovc v22;
	v29 =	vmov v21;
	v21 =	vmov v18;
	v9 =	vmov v22  }
0x483: {  	v30 =	vmovc v19;
	v31 =	vmovc v23;
	v32 =	vmov v20;
	v7 =	vmov v26;
	v34 =	vmov v25  }
.LBB2_54:
.Ltmp47:
0x484: {  	(pc) =	sbr.rel .LBB2_57-.Ltmp47, $4  }
0x485: {  	v35 =	vmov v1;
	v37 =	vmov v2;
	v38 =	vmov v3  }
0x486: {  	v33 =	vmovc v4;
	v36 =	vmovc v13;
	v1 =	vmov v24;
	v20 =	vmov v34;
	v2 =	vmov v10  }
0x487: {  	v8 =	vmovc v22;
	v9 =	vmovc v18;
	v25 =	vmov v17;
	v17 =	vmov v14;
	v4 =	vmov v18  }
0x488: {  	v26 =	vmovc v15;
	v27 =	vmovc v19;
	v28 =	vmov v16;
	v3 =	vmov v22;
	v30 =	vmov v21  }
.LBB2_58:
0x489: {  	_ =	sfence.sel $0x180000  }
0x48a: {  	[bflag:$0x0] =	sbarrier.arrive $0xFFFF  }
0x48b: {  	_ =	strace $0x90000047  }
0x48c: {  	[bflag:$0x2] =	sbarrier.arrive $0xFFFF  }
0x48d: {  	s0 =	rddreg [dreg:$0x7]  }
0x48e: {  	s0 =	sadd.s32 @!p0 $0x100000, s0  }
0x48f: {  	[sflag:s0] =	ssyncadd.tile.s32 @!p0 $0x1;
	_ =	shalt  }
.Lfunc_end2:
_tile_overlayer_lowered:
.L_overlay_start_2:
0x490: {  	(tag) =	ssettag $0x2  }
0x491: {  	s0 =	rddreg [dreg:$0x0];
	s2 =	stileid.u32  }
0x492: {  	s1 =	rddreg [dreg:$0x1];
	p0 =	sne.s32 s2, $0x0  }
0x493: {  	s3 =	rddreg [dreg:$0x2];
	[bflag:$0x3] =	sbarrier.arrive $0xFFFF;
	s2 =	simm.s32 @!p0 $0x1C04  }
0x494: {  	[timem:s3], [sflag:s2] =	dma.local @!p0 [hbm:s0], s1  }
0x495: {  	s0 =	simm.s32 @!p0 $0x4  }
0x496: {  	_ =	swait.ge @!p0 [sflag:s0], s1  }
0x497: {  	s1 =	ssub.s32 @!p0 $0x0, s1;
	[sflag:s0] =	ssyncset.done @!p0 $0x0  }
0x498: {  	[sflag:s0] =	ssyncadd.s32 @!p0 s1  }
0x499: {  	[bflag:$0x3] =	sbarrier.arrive $0xFFFF  }
0x49a: {  	_ =	shalt  }

</sc_bundles>
